<compile_context>
chip_gen: v7x
topology: tpu7x:2x2x1
jax: 0.10.2.dev20260603
libtpu: 0.0.44.dev20260713+nightly
codegen_flags: <defaults>
</compile_context>

<pallas_src>
import functools

import jax
import jax.numpy as jnp
from jax import lax
from jax.experimental import pallas as pl
from jax.experimental.pallas import tpu as pltpu
from jax.experimental.pallas import tpu_sc as plsc

N = 10000
E = 320000
D = 128
H = 128
OUT = 128

NC = 2
NS = 16
NW = NC * NS
EW = E // NW
CHUNK = 80
NCHUNK = EW // CHUNK
GCHUNK = 80
NGCHUNK = EW // GCHUNK
NP = 10240
ROWS_PER_TILE = NP // NS

_f32 = jnp.float32
_i32 = jnp.int32

_sc_mesh = plsc.VectorSubcoreMesh(core_axis_name="c", subcore_axis_name="s")


_bf16 = jnp.bfloat16


def _proj_body(x_ref, wa_ref, wb_ref, u_ref, v_ref):
    xv = x_ref[...]
    u_ref[...] = jnp.dot(xv, wa_ref[...], preferred_element_type=_f32)
    v_ref[...] = jnp.dot(xv, wb_ref[...], preferred_element_type=_f32)


def _proj(x, wa, wb):
    bn = 1000
    return pl.pallas_call(
        _proj_body,
        grid=(N // bn,),
        in_specs=[
            pl.BlockSpec((bn, D), lambda i: (i, 0)),
            pl.BlockSpec((D, H), lambda i: (0, 0)),
            pl.BlockSpec((D, H), lambda i: (0, 0)),
        ],
        out_specs=[
            pl.BlockSpec((bn, H), lambda i: (i, 0)),
            pl.BlockSpec((bn, H), lambda i: (i, 0)),
        ],
        out_shape=[
            jax.ShapeDtypeStruct((N, H), _f32),
            jax.ShapeDtypeStruct((N, H), _f32),
        ],
    )(x, wa, wb)


EH = E // 2
EWH = EH // NW
GCH = 40
NGCH = EWH // GCH


@functools.partial(
    pl.kernel,
    out_type=jax.ShapeDtypeStruct((E,), _f32),
    mesh=_sc_mesh,
    scratch_types=[
        pltpu.VMEM((EW,), _i32),
        pltpu.VMEM((EW,), _i32),
    ],
    compiler_params=pltpu.CompilerParams(needs_layout_passes=False),
)
def _sc_d4(src_hbm, dst_hbm, pos_hbm, d4_hbm, idx_s, idx_d):
    wid = lax.axis_index("s") * NC + lax.axis_index("c")
    base = wid * EW
    pltpu.sync_copy(src_hbm.at[pl.ds(base, EW)], idx_s)
    pltpu.sync_copy(dst_hbm.at[pl.ds(base, EW)], idx_d)

    def _phase1(pos_v, d4_v):
        pltpu.sync_copy(pos_hbm, pos_v)

        @pl.loop(0, EW // 16)
        def _d4_step(j):
            rs = idx_s[pl.ds(j * 16, 16)]
            rd = idx_d[pl.ds(j * 16, 16)]
            rs3 = rs * 3
            rd3 = rd * 3
            acc = jnp.zeros((16,), _f32)
            for c in range(3):
                cc = jnp.full((16,), c, _i32)
                df = (plsc.load_gather(pos_v, [rs3 + cc])
                      - plsc.load_gather(pos_v, [rd3 + cc]))
                d2 = df * df
                acc = acc + d2 * d2
            d4_v[pl.ds(j * 16, 16)] = acc

        pltpu.sync_copy(d4_v, d4_hbm.at[pl.ds(base, EW)])

    pl.run_scoped(_phase1, pltpu.VMEM((N * 3,), _f32),
                  pltpu.VMEM((EW,), _f32))


@functools.partial(
    pl.kernel,
    out_type=jax.ShapeDtypeStruct((EH, H), _f32),
    mesh=_sc_mesh,
    scratch_types=[
        pltpu.VMEM((EWH,), _i32),
        pltpu.VMEM((EWH,), _i32),
        pltpu.SemaphoreType.DMA,
        pltpu.SemaphoreType.DMA,
    ],
    compiler_params=pltpu.CompilerParams(needs_layout_passes=False),
)
def _sc_gather(u_hbm, v_hbm, src_hbm, dst_hbm, g_hbm, idx_s, idx_d,
               sem0, sem1):
    wid = lax.axis_index("s") * NC + lax.axis_index("c")
    base = wid * EWH
    pltpu.sync_copy(src_hbm.at[pl.ds(base, EWH)], idx_s)
    pltpu.sync_copy(dst_hbm.at[pl.ds(base, EWH)], idx_d)

    def _phase2(a0, b0, a1, b1):
        bufs = ((a0, b0, sem0), (a1, b1, sem1))

        def _start(k, slot):
            a, b, s = bufs[slot]
            off = k * GCH
            pltpu.async_copy(u_hbm.at[idx_s.at[pl.ds(off, GCH)]], a, s)
            pltpu.async_copy(v_hbm.at[idx_d.at[pl.ds(off, GCH)]], b, s)

        def _wait(k, slot):
            a, b, s = bufs[slot]
            off = k * GCH
            pltpu.make_async_copy(
                u_hbm.at[idx_s.at[pl.ds(off, GCH)]], a, s).wait()
            pltpu.make_async_copy(
                v_hbm.at[idx_d.at[pl.ds(off, GCH)]], b, s).wait()

        _start(0, 0)

        @pl.loop(0, NGCH, step=2)
        def _outer(k):
            for j in range(2):
                kj = k + j
                a, b, s = bufs[j]

                @pl.when(kj < NGCH)
                def _():
                    @pl.when(kj + 1 < NGCH)
                    def _():
                        _start(kj + 1, 1 - j)

                    _wait(kj, j)

                    @pl.loop(0, GCH)
                    def _row(r):
                        for c in range(H // 16):
                            sl = pl.ds(c * 16, 16)
                            plsc.addupdate(a.at[r, sl], b[r, sl])

                    pltpu.sync_copy(
                        a, g_hbm.at[pl.ds(base + kj * GCH, GCH)])

    pl.run_scoped(_phase2, *([pltpu.VMEM((GCH, H), _f32)] * 4))


_tanh = jnp.tanh


def _edge_body(g_ref, d4_ref, mask_ref, wco_ref, b1_ref, w2_ref, b2_ref,
               wi_ref, bi_ref, o_ref):
    dd = jnp.sqrt(d4_ref[0])
    nb = dd.shape[0]
    db = jnp.broadcast_to(dd[:, None, :], (nb, 128, 128)).reshape(nb * 128, 128)
    dsel = db * mask_ref[...]
    pre = (g_ref[...]
           + jnp.dot(dsel, wco_ref[...], preferred_element_type=_f32)
           + b1_ref[...])
    h1 = _tanh(pre)
    m = _tanh(jnp.dot(h1, w2_ref[...], preferred_element_type=_f32)
              + b2_ref[...])
    e = _tanh(jnp.dot(m, wi_ref[...], preferred_element_type=_f32)
              + bi_ref[...])
    o_ref[...] = e * m


def _edge_mlp(g, d4, mask, wco, b1, w2, b2, wi, bi):
    be = 6400
    return pl.pallas_call(
        _edge_body,
        grid=(EH // be,),
        in_specs=[
            pl.BlockSpec((be, H), lambda i: (i, 0)),
            pl.BlockSpec((1, be // 128, 128), lambda i: (i, 0, 0)),
            pl.BlockSpec((be, 128), lambda i: (0, 0)),
            pl.BlockSpec((128, H), lambda i: (0, 0)),
            pl.BlockSpec((1, H), lambda i: (0, 0)),
            pl.BlockSpec((H, H), lambda i: (0, 0)),
            pl.BlockSpec((1, H), lambda i: (0, 0)),
            pl.BlockSpec((H, 1), lambda i: (0, 0)),
            pl.BlockSpec((1, 1), lambda i: (0, 0)),
        ],
        out_specs=pl.BlockSpec((be, H), lambda i: (i, 0)),
        out_shape=jax.ShapeDtypeStruct((EH, H), _f32),
    )(g, d4, mask, wco, b1, w2, b2, wi, bi)


SCH = 40
NSCH = EWH // SCH


def _sc_scatter_body(w0_hbm, w1_hbm, src0_hbm, src1_hbm, out_hbm,
                     sem0, sem1, acc):
    c = lax.axis_index("c")
    s = lax.axis_index("s")
    base = (s * NC + c) * EWH
    rows0 = s * ROWS_PER_TILE

    def _zero(zbuf):
        @pl.loop(0, 128)
        def _zrow(r):
            for cc in range(H // 16):
                zbuf[r, pl.ds(cc * 16, 16)] = jnp.zeros((16,), _f32)

        for t in range(ROWS_PER_TILE // 128):
            pltpu.sync_copy(zbuf, acc.at[pl.ds(rows0 + t * 128, 128)])

    pl.run_scoped(_zero, pltpu.VMEM((128, H), _f32))
    plsc.subcore_barrier()

    def _phase(idx0, w0, idx1, w1):
        for w_hbm, src_hbm in ((w0_hbm, src0_hbm), (w1_hbm, src1_hbm)):
            pairs = ((idx0, w0, sem0), (idx1, w1, sem1))

            def _start(k, slot):
                i, w, sm = pairs[slot]
                off = base + k * SCH
                pltpu.async_copy(src_hbm.at[pl.ds(off, SCH)], i, sm)
                pltpu.async_copy(w_hbm.at[pl.ds(off, SCH)], w, sm)

            def _wait(k, slot):
                i, w, sm = pairs[slot]
                off = base + k * SCH
                pltpu.make_async_copy(
                    src_hbm.at[pl.ds(off, SCH)], i, sm).wait()
                pltpu.make_async_copy(
                    w_hbm.at[pl.ds(off, SCH)], w, sm).wait()

            _start(0, 0)

            @pl.loop(0, NSCH, step=2)
            def _outer(k):
                for j in range(2):
                    kj = k + j
                    i, w, sm = pairs[j]

                    @pl.when(kj < NSCH)
                    def _():
                        @pl.when(kj + 1 < NSCH)
                        def _():
                            _start(kj + 1, 1 - j)

                        _wait(kj, j)
                        pltpu.sync_copy(w, acc.at[i], add=True)

    pl.run_scoped(_phase, pltpu.VMEM((SCH,), _i32),
                  pltpu.VMEM((SCH, H), _f32), pltpu.VMEM((SCH,), _i32),
                  pltpu.VMEM((SCH, H), _f32))
    plsc.subcore_barrier()

    @pl.loop(0, ROWS_PER_TILE // 128)
    def _wb(t):
        r0 = rows0 + t * 128
        pltpu.sync_copy(acc.at[pl.ds(r0, 128)], out_hbm.at[c, pl.ds(r0, 128)])


@functools.partial(
    pl.kernel,
    out_type=jax.ShapeDtypeStruct((NC, NP, H), _f32),
    mesh=_sc_mesh,
    scratch_types=[
        pltpu.SemaphoreType.DMA,
        pltpu.SemaphoreType.DMA,
        pltpu.VMEM_SHARED((NP, H), _f32),
    ],
    compiler_params=pltpu.CompilerParams(needs_layout_passes=False),
)
def _sc_scatter(w0_hbm, w1_hbm, src0_hbm, src1_hbm, out_hbm, sem0, sem1, acc):
    _sc_scatter_body(w0_hbm, w1_hbm, src0_hbm, src1_hbm, out_hbm,
                     sem0, sem1, acc)


def _head_body(x_ref, p0_ref, p1_ref, fw1a_ref, fw1b_ref,
               fb1_ref, fw2_ref, fb2_ref, w1_ref, b1_ref, w2_ref, b2_ref,
               w3_ref, b3_ref, w4_ref, b4_ref, w5_ref, b5_ref, o_ref):
    xv = x_ref[...]
    mi = p0_ref[0] + p1_ref[0]
    h = _tanh(jnp.dot(xv, fw1a_ref[...], preferred_element_type=_f32)
              + jnp.dot(mi, fw1b_ref[...], preferred_element_type=_f32)
              + fb1_ref[...])
    h = jnp.dot(h, fw2_ref[...], preferred_element_type=_f32) + fb2_ref[...]
    t = xv + h

    def lrelu(z):
        return jnp.where(z >= 0, z, 0.01 * z)

    t = lrelu(jnp.dot(t, w1_ref[...], preferred_element_type=_f32) + b1_ref[...])
    t = lrelu(jnp.dot(t, w2_ref[...], preferred_element_type=_f32) + b2_ref[...])
    t = lrelu(jnp.dot(t, w3_ref[...], preferred_element_type=_f32) + b3_ref[...])
    t = lrelu(jnp.dot(t, w4_ref[...], preferred_element_type=_f32) + b4_ref[...])
    o_ref[...] = (jnp.dot(t, w5_ref[...], preferred_element_type=_f32)
                  + b5_ref[...])


def _head(x, pa, fw1a, fw1b, fb1, fw2, fb2, w1, b1, w2, b2, w3, b3,
          w4, b4, w5, b5):
    bn = 1000
    mat = lambda: pl.BlockSpec((H, H), lambda i: (0, 0))
    vec = lambda: pl.BlockSpec((1, H), lambda i: (0, 0))
    blk = lambda: pl.BlockSpec((bn, H), lambda i: (i, 0))
    part = lambda c: pl.BlockSpec((1, bn, H), lambda i, c=c: (c, i, 0))
    return pl.pallas_call(
        _head_body,
        grid=(N // bn,),
        in_specs=[
            blk(), part(0), part(1),
            mat(), mat(), vec(), mat(), vec(),
            mat(), vec(), mat(), vec(), mat(), vec(), mat(), vec(),
            pl.BlockSpec((H, OUT), lambda i: (0, 0)),
            pl.BlockSpec((1, OUT), lambda i: (0, 0)),
        ],
        out_specs=pl.BlockSpec((bn, OUT), lambda i: (i, 0)),
        out_shape=jax.ShapeDtypeStruct((N, OUT), _f32),
    )(x, pa, pa, fw1a, fw1b, fb1, fw2, fb2, w1, b1, w2, b2, w3, b3,
      w4, b4, w5, b5)


def kernel(x, pos, edge_index, fe_w1, fe_b1, fe_w2, fe_b2, finf_w, finf_b,
           fh_w1, fh_b1, fh_w2, fh_b2, w1, b1, w2, b2, w3, b3, w4, b4, w5, b5):
    src = edge_index[0]
    dst = edge_index[1]
    wa = fe_w1[:D]
    wb = fe_w1[D:2 * D]
    wc = fe_w1[2 * D:2 * D + 1]

    d4 = _sc_d4(src, dst, pos.reshape(-1))
    u, v = _proj(x, wa, wb)
    be = 6400
    mask = (jax.lax.broadcasted_iota(_i32, (be, 128), 0) % 128
            == jax.lax.broadcasted_iota(_i32, (be, 128), 1)).astype(_f32)
    wco = jnp.ones((128, 1), _f32) * wc
    b1r = fe_b1.reshape(1, H)
    b2r = fe_b2.reshape(1, H)
    bir = finf_b.reshape(1, 1)
    d4h = d4.reshape(2, EH // be, be // 128, 128)

    g0 = _sc_gather(u, v, src[:EH], dst[:EH])
    w0 = _edge_mlp(g0, d4h[0], mask, wco, b1r, fe_w2, b2r, finf_w, bir)
    g1 = _sc_gather(u, v, src[EH:], dst[EH:])
    w1_ = _edge_mlp(g1, d4h[1], mask, wco, b1r, fe_w2, b2r, finf_w, bir)
    pa = _sc_scatter(w0, w1_, src[:EH], src[EH:])

    out = _head(x, pa, fh_w1[:D], fh_w1[D:], fh_b1.reshape(1, H),
                fh_w2, fh_b2.reshape(1, H), w1, b1.reshape(1, H), w2,
                b2.reshape(1, H), w3, b3.reshape(1, H), w4, b4.reshape(1, H),
                w5, b5.reshape(1, OUT))
    return out

# --- scband reference (transcript-rebuilt; emitter-appended) ---
"""Pipeline reference for scband-egcnet-38044820308174 (READ-ONLY COPY).

The authoritative reference and input builder live on the scoring server;
editing this copy changes nothing except your own understanding.
"""

import jax, jax.numpy as jnp
import numpy as np

N = 10000
E = 320000
D = 128
H = 128
OUT = 128


def _lin(k, i, o):
    k1, k2 = jax.random.split(k)
    s = 1.0 / np.sqrt(i)
    w = jax.random.uniform(k1, (i, o), minval=-s, maxval=s, dtype=jnp.float32)
    b = jax.random.uniform(k2, (o,), minval=-s, maxval=s, dtype=jnp.float32)
    return w, b


def setup_inputs(seed: int = 0):
    key = jax.random.key(seed)
    ks = jax.random.split(key, 16)
    x = jax.random.normal(ks[0], (N, D), dtype=jnp.float32)
    pos = jax.random.normal(ks[1], (N, 3), dtype=jnp.float32)
    edge_index = jax.random.randint(ks[2], (2, E), 0, N, dtype=jnp.int32)
    fe_w1, fe_b1 = _lin(ks[3], 2 * D + 1, H)
    fe_w2, fe_b2 = _lin(ks[4], H, H)
    finf_w, finf_b = _lin(ks[5], H, 1)
    fh_w1, fh_b1 = _lin(ks[6], D + H, H)
    fh_w2, fh_b2 = _lin(ks[7], H, H)
    w1, b1 = _lin(ks[8], H, H)
    w2, b2 = _lin(ks[9], H, H)
    w3, b3 = _lin(ks[10], H, H)
    w4, b4 = _lin(ks[11], H, H)
    w5, b5 = _lin(ks[12], H, OUT)
    return {
        'x': x, 'pos': pos, 'edge_index': edge_index,
        'fe_w1': fe_w1, 'fe_b1': fe_b1, 'fe_w2': fe_w2, 'fe_b2': fe_b2,
        'finf_w': finf_w, 'finf_b': finf_b,
        'fh_w1': fh_w1, 'fh_b1': fh_b1, 'fh_w2': fh_w2, 'fh_b2': fh_b2,
        'w1': w1, 'b1': b1, 'w2': w2, 'b2': b2, 'w3': w3, 'b3': b3,
        'w4': w4, 'b4': b4, 'w5': w5, 'b5': b5,
    }


def reference(x, pos, edge_index, fe_w1, fe_b1, fe_w2, fe_b2, finf_w, finf_b,
              fh_w1, fh_b1, fh_w2, fh_b2, w1, b1, w2, b2, w3, b3, w4, b4, w5, b5):
    e_st = edge_index[0, :]
    e_end = edge_index[1, :]
    diff = pos[e_st] - pos[e_end]
    # torch.norm(torch.square(diff), dim=1): L2 norm of elementwise-squared diff
    dists = jnp.sqrt(jnp.sum(jnp.square(jnp.square(diff)), axis=1)).reshape(-1, 1)
    tmp = jnp.concatenate([x[e_st], x[e_end], dists], axis=1)
    m_ij = jnp.tanh(jnp.tanh(tmp @ fe_w1 + fe_b1) @ fe_w2 + fe_b2)
    e_ij = jnp.tanh(m_ij @ finf_w + finf_b)
    m_i = jax.ops.segment_sum(e_ij * m_ij, e_st, num_segments=x.shape[0])
    h = jnp.tanh(jnp.concatenate([x, m_i], axis=1) @ fh_w1 + fh_b1) @ fh_w2 + fh_b2
    b = x + h
    a = lambda t: jax.nn.leaky_relu(t, negative_slope=0.01)
    out = a(b @ w1 + b1)
    out = a(out @ w2 + b2)
    out = a(out @ w3 + b3)
    out = a(out @ w4 + b4)
    out = out @ w5 + b5
    return out

if __name__ == "__main__":
    import jax
    _d = setup_inputs()
    print(jax.jit(kernel)(*tuple(_d.values())))

</pallas_src>

<mosaic_0001>
#map = affine_map<(d0, d1) -> (0)>
module attributes {stable_mosaic.version = 14 : i64} {
  func.func @_sc_d4(%arg0: i32, %arg1: i32, %arg2: memref<320000xi32, #tpu.memory_space<hbm>>, %arg3: memref<320000xi32, #tpu.memory_space<hbm>>, %arg4: memref<30000xf32, #tpu.memory_space<hbm>>, %arg5: memref<320000xf32, #tpu.memory_space<hbm>>, %arg6: memref<10000xi32, #tpu.memory_space<vmem>>, %arg7: memref<10000xi32, #tpu.memory_space<vmem>>) attributes {dimension_semantics = [#tpu.dimension_semantics<core_parallel>, #tpu.dimension_semantics<subcore_parallel>], iteration_bounds = array<i64: 2, 16>, scalar_prefetch = 0 : i64, scratch_operands = 2 : i64, tpu.core_type = #tpu.core_type<sc_vector_subcore>, window_params = [{transform_indices = #map}, {transform_indices = #map}, {transform_indices = #map}, {transform_indices = #map}]} {
    %mul3A = arith.constant 2 : i32
    %mul3A_0 = arith.muli %arg1, %mul3A : i32
    %add3A = arith.addi %mul3A_0, %arg0 : i32
    %mul3A_1 = arith.constant 10000 : i32
    %mul3A_2 = arith.muli %add3A, %mul3A_1 : i32
    "tpu.region"() ({
      %run_scoped3A = tpu.sem_alloc : memref<!tpu.dma_semaphore, #tpu.memory_space<semaphore_mem>>
      %dma_start3A = tpu.memref_slice %arg2[%mul3A_2] : memref<320000xi32, #tpu.memory_space<hbm>> -> memref<10000xi32, #tpu.memory_space<hbm>>
      %dma_start3A_3 = tpu.memref_slice %arg2[%mul3A_2] : memref<320000xi32, #tpu.memory_space<hbm>> -> memref<10000xi32, #tpu.memory_space<hbm>>
      tpu.enqueue_dma source(%dma_start3A_3 : memref<10000xi32, #tpu.memory_space<hbm>>) target(%arg6 : memref<10000xi32, #tpu.memory_space<vmem>>) target_semaphore(%run_scoped3A : memref<!tpu.dma_semaphore, #tpu.memory_space<semaphore_mem>>)
      %dma_wait3A = tpu.memref_slice %arg2[%mul3A_2] : memref<320000xi32, #tpu.memory_space<hbm>> -> memref<10000xi32, #tpu.memory_space<hbm>>
      %dma_wait3A_4 = tpu.memref_slice %arg2[%mul3A_2] : memref<320000xi32, #tpu.memory_space<hbm>> -> memref<10000xi32, #tpu.memory_space<hbm>>
      tpu.wait_dma2 semaphore(%run_scoped3A : memref<!tpu.dma_semaphore, #tpu.memory_space<semaphore_mem>>) src(%dma_wait3A_4 : memref<10000xi32, #tpu.memory_space<hbm>>) dst(%arg6 : memref<10000xi32, #tpu.memory_space<vmem>>)
      tpu.yield
    }) : () -> ()
    "tpu.region"() ({
      %run_scoped3A = tpu.sem_alloc : memref<!tpu.dma_semaphore, #tpu.memory_space<semaphore_mem>>
      %dma_start3A = tpu.memref_slice %arg3[%mul3A_2] : memref<320000xi32, #tpu.memory_space<hbm>> -> memref<10000xi32, #tpu.memory_space<hbm>>
      %dma_start3A_3 = tpu.memref_slice %arg3[%mul3A_2] : memref<320000xi32, #tpu.memory_space<hbm>> -> memref<10000xi32, #tpu.memory_space<hbm>>
      tpu.enqueue_dma source(%dma_start3A_3 : memref<10000xi32, #tpu.memory_space<hbm>>) target(%arg7 : memref<10000xi32, #tpu.memory_space<vmem>>) target_semaphore(%run_scoped3A : memref<!tpu.dma_semaphore, #tpu.memory_space<semaphore_mem>>)
      %dma_wait3A = tpu.memref_slice %arg3[%mul3A_2] : memref<320000xi32, #tpu.memory_space<hbm>> -> memref<10000xi32, #tpu.memory_space<hbm>>
      %dma_wait3A_4 = tpu.memref_slice %arg3[%mul3A_2] : memref<320000xi32, #tpu.memory_space<hbm>> -> memref<10000xi32, #tpu.memory_space<hbm>>
      tpu.wait_dma2 semaphore(%run_scoped3A : memref<!tpu.dma_semaphore, #tpu.memory_space<semaphore_mem>>) src(%dma_wait3A_4 : memref<10000xi32, #tpu.memory_space<hbm>>) dst(%arg7 : memref<10000xi32, #tpu.memory_space<vmem>>)
      tpu.yield
    }) : () -> ()
    "tpu.region"() ({
      %run_scoped3A = memref.alloca() : memref<30000xf32, #tpu.memory_space<vmem>>
      %run_scoped3A_3 = memref.alloca() : memref<10000xf32, #tpu.memory_space<vmem>>
      "tpu.region"() ({
        %run_scoped3A_8 = tpu.sem_alloc : memref<!tpu.dma_semaphore, #tpu.memory_space<semaphore_mem>>
        tpu.enqueue_dma source(%arg4 : memref<30000xf32, #tpu.memory_space<hbm>>) target(%run_scoped3A : memref<30000xf32, #tpu.memory_space<vmem>>) target_semaphore(%run_scoped3A_8 : memref<!tpu.dma_semaphore, #tpu.memory_space<semaphore_mem>>)
        tpu.wait_dma2 semaphore(%run_scoped3A_8 : memref<!tpu.dma_semaphore, #tpu.memory_space<semaphore_mem>>) src(%arg4 : memref<30000xf32, #tpu.memory_space<hbm>>) dst(%run_scoped3A : memref<30000xf32, #tpu.memory_space<vmem>>)
        tpu.yield
      }) : () -> ()
      %scan3A = arith.constant 0 : i32
      %scan3A_4 = arith.constant 625 : i32
      %scan3A_5 = arith.addi %scan3A, %scan3A_4 : i32
      %scan3A_6 = arith.constant 1 : i32
      scf.for %scan3A_8 = %scan3A to %scan3A_5 step %scan3A_6  : i32 {
        %mul3A_9 = arith.constant 1 : i32
        %mul3A_10 = arith.muli %scan3A_8, %mul3A_9 : i32
        %add3A_11 = arith.constant 0 : i32
        %add3A_12 = arith.addi %add3A_11, %mul3A_10 : i32
        %mul3A_13 = arith.constant 16 : i32
        %mul3A_14 = arith.muli %add3A_12, %mul3A_13 : i32
        %get3A = arith.index_cast %mul3A_14 : i32 to index
        %get3A_15 = tpu.vector_load %arg6[%get3A] {strides = array<i32>} : memref<10000xi32, #tpu.memory_space<vmem>>, vector<16xi32>,
        %mul3A_16 = arith.constant 16 : i32
        %mul3A_17 = arith.muli %add3A_12, %mul3A_16 : i32
        %get3A_18 = arith.index_cast %mul3A_17 : i32 to index
        %get3A_19 = tpu.vector_load %arg7[%get3A_18] {strides = array<i32>} : memref<10000xi32, #tpu.memory_space<vmem>>, vector<16xi32>,
        %mul3A_20 = arith.constant 3 : i32
        %mul3A_21 = vector.broadcast %mul3A_20 : i32 to vector<16xi32>
        %mul3A_22 = arith.muli %get3A_15, %mul3A_21 : vector<16xi32>
        %mul3A_23 = arith.constant 3 : i32
        %mul3A_24 = vector.broadcast %mul3A_23 : i32 to vector<16xi32>
        %mul3A_25 = arith.muli %get3A_19, %mul3A_24 : vector<16xi32>
        %broadcast_in_dim3A = arith.constant 0.000000e+00 : f32
        %broadcast_in_dim3A_26 = vector.broadcast %broadcast_in_dim3A : f32 to vector<16xf32>
        %broadcast_in_dim3A_27 = arith.constant 0 : i32
        %broadcast_in_dim3A_28 = vector.broadcast %broadcast_in_dim3A_27 : i32 to vector<16xi32>
        %add3A_29 = arith.addi %mul3A_22, %broadcast_in_dim3A_28 : vector<16xi32>
        %gather3A = tpu.vector_load_idx %run_scoped3A[%add3A_29] : memref<30000xf32, #tpu.memory_space<vmem>>[vector<16xi32>], vector<16xf32>,
        %add3A_30 = arith.addi %mul3A_25, %broadcast_in_dim3A_28 : vector<16xi32>
        %gather3A_31 = tpu.vector_load_idx %run_scoped3A[%add3A_30] : memref<30000xf32, #tpu.memory_space<vmem>>[vector<16xi32>], vector<16xf32>,
        %sub3A = arith.subf %gather3A, %gather3A_31 : vector<16xf32>
        %mul3A_32 = arith.mulf %sub3A, %sub3A : vector<16xf32>
        %mul3A_33 = arith.mulf %mul3A_32, %mul3A_32 : vector<16xf32>
        %add3A_34 = arith.addf %broadcast_in_dim3A_26, %mul3A_33 : vector<16xf32>
        %broadcast_in_dim3A_35 = arith.constant 1 : i32
        %broadcast_in_dim3A_36 = vector.broadcast %broadcast_in_dim3A_35 : i32 to vector<16xi32>
        %add3A_37 = arith.addi %mul3A_22, %broadcast_in_dim3A_36 : vector<16xi32>
        %gather3A_38 = tpu.vector_load_idx %run_scoped3A[%add3A_37] : memref<30000xf32, #tpu.memory_space<vmem>>[vector<16xi32>], vector<16xf32>,
        %add3A_39 = arith.addi %mul3A_25, %broadcast_in_dim3A_36 : vector<16xi32>
        %gather3A_40 = tpu.vector_load_idx %run_scoped3A[%add3A_39] : memref<30000xf32, #tpu.memory_space<vmem>>[vector<16xi32>], vector<16xf32>,
        %sub3A_41 = arith.subf %gather3A_38, %gather3A_40 : vector<16xf32>
        %mul3A_42 = arith.mulf %sub3A_41, %sub3A_41 : vector<16xf32>
        %mul3A_43 = arith.mulf %mul3A_42, %mul3A_42 : vector<16xf32>
        %add3A_44 = arith.addf %add3A_34, %mul3A_43 : vector<16xf32>
        %broadcast_in_dim3A_45 = arith.constant 2 : i32
        %broadcast_in_dim3A_46 = vector.broadcast %broadcast_in_dim3A_45 : i32 to vector<16xi32>
        %add3A_47 = arith.addi %mul3A_22, %broadcast_in_dim3A_46 : vector<16xi32>
        %gather3A_48 = tpu.vector_load_idx %run_scoped3A[%add3A_47] : memref<30000xf32, #tpu.memory_space<vmem>>[vector<16xi32>], vector<16xf32>,
        %add3A_49 = arith.addi %mul3A_25, %broadcast_in_dim3A_46 : vector<16xi32>
        %gather3A_50 = tpu.vector_load_idx %run_scoped3A[%add3A_49] : memref<30000xf32, #tpu.memory_space<vmem>>[vector<16xi32>], vector<16xf32>,
        %sub3A_51 = arith.subf %gather3A_48, %gather3A_50 : vector<16xf32>
        %mul3A_52 = arith.mulf %sub3A_51, %sub3A_51 : vector<16xf32>
        %mul3A_53 = arith.mulf %mul3A_52, %mul3A_52 : vector<16xf32>
        %add3A_54 = arith.addf %add3A_44, %mul3A_53 : vector<16xf32>
        %mul3A_55 = arith.constant 16 : i32
        %mul3A_56 = arith.muli %add3A_12, %mul3A_55 : i32
        %swap3A = arith.index_cast %mul3A_56 : i32 to index
        %swap3A_57 = tpu.vector_load %run_scoped3A_3[%swap3A] {strides = array<i32>} : memref<10000xf32, #tpu.memory_space<vmem>>, vector<16xf32>,
        tpu.vector_store %run_scoped3A_3[%swap3A], %add3A_54 {strides = array<i32>} : memref<10000xf32, #tpu.memory_space<vmem>>, vector<16xf32>,
      }
      %scan3A_7 = arith.constant 625 : i32
      "tpu.region"() ({
        %run_scoped3A_8 = tpu.sem_alloc : memref<!tpu.dma_semaphore, #tpu.memory_space<semaphore_mem>>
        %dma_start3A = tpu.memref_slice %arg5[%mul3A_2] : memref<320000xf32, #tpu.memory_space<hbm>> -> memref<10000xf32, #tpu.memory_space<hbm>>
        %dma_start3A_9 = tpu.memref_slice %arg5[%mul3A_2] : memref<320000xf32, #tpu.memory_space<hbm>> -> memref<10000xf32, #tpu.memory_space<hbm>>
        tpu.enqueue_dma source(%run_scoped3A_3 : memref<10000xf32, #tpu.memory_space<vmem>>) target(%dma_start3A_9 : memref<10000xf32, #tpu.memory_space<hbm>>) target_semaphore(%run_scoped3A_8 : memref<!tpu.dma_semaphore, #tpu.memory_space<semaphore_mem>>)
        %dma_wait3A = tpu.memref_slice %arg5[%mul3A_2] : memref<320000xf32, #tpu.memory_space<hbm>> -> memref<10000xf32, #tpu.memory_space<hbm>>
        %dma_wait3A_10 = tpu.memref_slice %arg5[%mul3A_2] : memref<320000xf32, #tpu.memory_space<hbm>> -> memref<10000xf32, #tpu.memory_space<hbm>>
        tpu.wait_dma2 semaphore(%run_scoped3A_8 : memref<!tpu.dma_semaphore, #tpu.memory_space<semaphore_mem>>) src(%run_scoped3A_3 : memref<10000xf32, #tpu.memory_space<vmem>>) dst(%dma_wait3A_10 : memref<10000xf32, #tpu.memory_space<hbm>>)
        tpu.yield
      }) : () -> ()
      tpu.yield
    }) : () -> ()
    return
  }
}

#map = affine_map<(d0, d1) -> (0, 0)>
#map1 = affine_map<(d0, d1) -> (0)>
module attributes {stable_mosaic.version = 14 : i64} {
  func.func @_sc_gather(%arg0: i32, %arg1: i32, %arg2: memref<10000x128xf32, #tpu.memory_space<hbm>>, %arg3: memref<10000x128xf32, #tpu.memory_space<hbm>>, %arg4: memref<160000xi32, #tpu.memory_space<hbm>>, %arg5: memref<160000xi32, #tpu.memory_space<hbm>>, %arg6: memref<160000x128xf32, #tpu.memory_space<hbm>>, %arg7: memref<5000xi32, #tpu.memory_space<vmem>>, %arg8: memref<5000xi32, #tpu.memory_space<vmem>>, %arg9: memref<!tpu.dma_semaphore, #tpu.memory_space<semaphore_mem>>, %arg10: memref<!tpu.dma_semaphore, #tpu.memory_space<semaphore_mem>>) attributes {dimension_semantics = [#tpu.dimension_semantics<core_parallel>, #tpu.dimension_semantics<subcore_parallel>], iteration_bounds = array<i64: 2, 16>, scalar_prefetch = 0 : i64, scratch_operands = 4 : i64, tpu.core_type = #tpu.core_type<sc_vector_subcore>, window_params = [{transform_indices = #map}, {transform_indices = #map}, {transform_indices = #map1}, {transform_indices = #map1}, {transform_indices = #map}]} {
    %mul3A = arith.constant 2 : i32
    %mul3A_0 = arith.muli %arg1, %mul3A : i32
    %add3A = arith.addi %mul3A_0, %arg0 : i32
    %mul3A_1 = arith.constant 5000 : i32
    %mul3A_2 = arith.muli %add3A, %mul3A_1 : i32
    "tpu.region"() ({
      %run_scoped3A = tpu.sem_alloc : memref<!tpu.dma_semaphore, #tpu.memory_space<semaphore_mem>>
      %dma_start3A = tpu.memref_slice %arg4[%mul3A_2] : memref<160000xi32, #tpu.memory_space<hbm>> -> memref<5000xi32, #tpu.memory_space<hbm>>
      %dma_start3A_3 = tpu.memref_slice %arg4[%mul3A_2] : memref<160000xi32, #tpu.memory_space<hbm>> -> memref<5000xi32, #tpu.memory_space<hbm>>
      tpu.enqueue_dma source(%dma_start3A_3 : memref<5000xi32, #tpu.memory_space<hbm>>) target(%arg7 : memref<5000xi32, #tpu.memory_space<vmem>>) target_semaphore(%run_scoped3A : memref<!tpu.dma_semaphore, #tpu.memory_space<semaphore_mem>>)
      %dma_wait3A = tpu.memref_slice %arg4[%mul3A_2] : memref<160000xi32, #tpu.memory_space<hbm>> -> memref<5000xi32, #tpu.memory_space<hbm>>
      %dma_wait3A_4 = tpu.memref_slice %arg4[%mul3A_2] : memref<160000xi32, #tpu.memory_space<hbm>> -> memref<5000xi32, #tpu.memory_space<hbm>>
      tpu.wait_dma2 semaphore(%run_scoped3A : memref<!tpu.dma_semaphore, #tpu.memory_space<semaphore_mem>>) src(%dma_wait3A_4 : memref<5000xi32, #tpu.memory_space<hbm>>) dst(%arg7 : memref<5000xi32, #tpu.memory_space<vmem>>)
      tpu.yield
    }) : () -> ()
    "tpu.region"() ({
      %run_scoped3A = tpu.sem_alloc : memref<!tpu.dma_semaphore, #tpu.memory_space<semaphore_mem>>
      %dma_start3A = tpu.memref_slice %arg5[%mul3A_2] : memref<160000xi32, #tpu.memory_space<hbm>> -> memref<5000xi32, #tpu.memory_space<hbm>>
      %dma_start3A_3 = tpu.memref_slice %arg5[%mul3A_2] : memref<160000xi32, #tpu.memory_space<hbm>> -> memref<5000xi32, #tpu.memory_space<hbm>>
      tpu.enqueue_dma source(%dma_start3A_3 : memref<5000xi32, #tpu.memory_space<hbm>>) target(%arg8 : memref<5000xi32, #tpu.memory_space<vmem>>) target_semaphore(%run_scoped3A : memref<!tpu.dma_semaphore, #tpu.memory_space<semaphore_mem>>)
      %dma_wait3A = tpu.memref_slice %arg5[%mul3A_2] : memref<160000xi32, #tpu.memory_space<hbm>> -> memref<5000xi32, #tpu.memory_space<hbm>>
      %dma_wait3A_4 = tpu.memref_slice %arg5[%mul3A_2] : memref<160000xi32, #tpu.memory_space<hbm>> -> memref<5000xi32, #tpu.memory_space<hbm>>
      tpu.wait_dma2 semaphore(%run_scoped3A : memref<!tpu.dma_semaphore, #tpu.memory_space<semaphore_mem>>) src(%dma_wait3A_4 : memref<5000xi32, #tpu.memory_space<hbm>>) dst(%arg8 : memref<5000xi32, #tpu.memory_space<vmem>>)
      tpu.yield
    }) : () -> ()
    "tpu.region"() ({
      %run_scoped3A = memref.alloca() : memref<40x128xf32, #tpu.memory_space<vmem>>
      %run_scoped3A_3 = memref.alloca() : memref<40x128xf32, #tpu.memory_space<vmem>>
      %run_scoped3A_4 = memref.alloca() : memref<40x128xf32, #tpu.memory_space<vmem>>
      %run_scoped3A_5 = memref.alloca() : memref<40x128xf32, #tpu.memory_space<vmem>>
      %dma_start3A = arith.constant 0 : i32
      %dma_start3A_6 = tpu.memref_slice %arg7[%dma_start3A] : memref<5000xi32, #tpu.memory_space<vmem>> -> memref<40xi32, #tpu.memory_space<vmem>>
      %dma_start3A_7 = arith.constant 0 : i32
      %dma_start3A_8 = arith.constant 0 : i32
      %dma_start3A_9 = tpu.memref_slice %arg2[%dma_start3A_7, %dma_start3A_8] : memref<10000x128xf32, #tpu.memory_space<hbm>> -> memref<10000x128xf32, #tpu.memory_space<hbm>>
      tpu.enqueue_indirect_dma source(%dma_start3A_9 : memref<10000x128xf32, #tpu.memory_space<hbm>>) target(%run_scoped3A : memref<40x128xf32, #tpu.memory_space<vmem>>) offsets(%dma_start3A_6 : memref<40xi32, #tpu.memory_space<vmem>>) semaphore(%arg9 : memref<!tpu.dma_semaphore, #tpu.memory_space<semaphore_mem>>)
      %dma_start3A_10 = arith.constant 0 : i32
      %dma_start3A_11 = tpu.memref_slice %arg8[%dma_start3A_10] : memref<5000xi32, #tpu.memory_space<vmem>> -> memref<40xi32, #tpu.memory_space<vmem>>
      %dma_start3A_12 = arith.constant 0 : i32
      %dma_start3A_13 = arith.constant 0 : i32
      %dma_start3A_14 = tpu.memref_slice %arg3[%dma_start3A_12, %dma_start3A_13] : memref<10000x128xf32, #tpu.memory_space<hbm>> -> memref<10000x128xf32, #tpu.memory_space<hbm>>
      tpu.enqueue_indirect_dma source(%dma_start3A_14 : memref<10000x128xf32, #tpu.memory_space<hbm>>) target(%run_scoped3A_3 : memref<40x128xf32, #tpu.memory_space<vmem>>) offsets(%dma_start3A_11 : memref<40xi32, #tpu.memory_space<vmem>>) semaphore(%arg9 : memref<!tpu.dma_semaphore, #tpu.memory_space<semaphore_mem>>)
      %scan3A = arith.constant 0 : i32
      %scan3A_15 = arith.constant 63 : i32
      %scan3A_16 = arith.addi %scan3A, %scan3A_15 : i32
      %scan3A_17 = arith.constant 1 : i32
      scf.for %scan3A_19 = %scan3A to %scan3A_16 step %scan3A_17  : i32 {
        %mul3A_20 = arith.constant 2 : i32
        %mul3A_21 = arith.muli %scan3A_19, %mul3A_20 : i32
        %add3A_22 = arith.constant 0 : i32
        %add3A_23 = arith.addi %add3A_22, %mul3A_21 : i32
        %add3A_24 = arith.constant 0 : i32
        %add3A_25 = arith.addi %add3A_23, %add3A_24 : i32
        %lt3A = arith.constant 125 : i32
        %lt3A_26 = arith.cmpi slt, %add3A_25, %lt3A : i32
        %convert_element_type3A = arith.extui %lt3A_26 : i1 to i32
        %cond3A = arith.constant 0 : i32
        %cond3A_27 = arith.cmpi ne, %convert_element_type3A, %cond3A : i32
        scf.if %cond3A_27 {
          %add3A_35 = arith.constant 1 : i32
          %add3A_36 = arith.addi %add3A_25, %add3A_35 : i32
          %lt3A_37 = arith.constant 125 : i32
          %lt3A_38 = arith.cmpi slt, %add3A_36, %lt3A_37 : i32
          %convert_element_type3A_39 = arith.extui %lt3A_38 : i1 to i32
          %cond3A_40 = arith.constant 0 : i32
          %cond3A_41 = arith.cmpi ne, %convert_element_type3A_39, %cond3A_40 : i32
          scf.if %cond3A_41 {
            %add3A_59 = arith.constant 1 : i32
            %add3A_60 = arith.addi %add3A_25, %add3A_59 : i32
            %mul3A_61 = arith.constant 40 : i32
            %mul3A_62 = arith.muli %add3A_60, %mul3A_61 : i32
            %dma_start3A_63 = tpu.memref_slice %arg7[%mul3A_62] : memref<5000xi32, #tpu.memory_space<vmem>> -> memref<40xi32, #tpu.memory_space<vmem>>
            %dma_start3A_64 = arith.constant 0 : i32
            %dma_start3A_65 = arith.constant 0 : i32
            %dma_start3A_66 = tpu.memref_slice %arg2[%dma_start3A_64, %dma_start3A_65] : memref<10000x128xf32, #tpu.memory_space<hbm>> -> memref<10000x128xf32, #tpu.memory_space<hbm>>
            tpu.enqueue_indirect_dma source(%dma_start3A_66 : memref<10000x128xf32, #tpu.memory_space<hbm>>) target(%run_scoped3A_4 : memref<40x128xf32, #tpu.memory_space<vmem>>) offsets(%dma_start3A_63 : memref<40xi32, #tpu.memory_space<vmem>>) semaphore(%arg10 : memref<!tpu.dma_semaphore, #tpu.memory_space<semaphore_mem>>)
            %dma_start3A_67 = tpu.memref_slice %arg8[%mul3A_62] : memref<5000xi32, #tpu.memory_space<vmem>> -> memref<40xi32, #tpu.memory_space<vmem>>
            %dma_start3A_68 = arith.constant 0 : i32
            %dma_start3A_69 = arith.constant 0 : i32
            %dma_start3A_70 = tpu.memref_slice %arg3[%dma_start3A_68, %dma_start3A_69] : memref<10000x128xf32, #tpu.memory_space<hbm>> -> memref<10000x128xf32, #tpu.memory_space<hbm>>
            tpu.enqueue_indirect_dma source(%dma_start3A_70 : memref<10000x128xf32, #tpu.memory_space<hbm>>) target(%run_scoped3A_5 : memref<40x128xf32, #tpu.memory_space<vmem>>) offsets(%dma_start3A_67 : memref<40xi32, #tpu.memory_space<vmem>>) semaphore(%arg10 : memref<!tpu.dma_semaphore, #tpu.memory_space<semaphore_mem>>)
          } else {
          }
          %mul3A_42 = arith.constant 40 : i32
          %mul3A_43 = arith.muli %add3A_25, %mul3A_42 : i32
          %dma_wait3A = tpu.memref_slice %arg7[%mul3A_43] : memref<5000xi32, #tpu.memory_space<vmem>> -> memref<40xi32, #tpu.memory_space<vmem>>
          %dma_wait3A_44 = arith.constant 0 : i32
          %dma_wait3A_45 = arith.constant 0 : i32
          %dma_wait3A_46 = tpu.memref_slice %arg2[%dma_wait3A_44, %dma_wait3A_45] : memref<10000x128xf32, #tpu.memory_space<hbm>> -> memref<10000x128xf32, #tpu.memory_space<hbm>>
          tpu.wait_indirect_dma semaphore(%arg9 : memref<!tpu.dma_semaphore, #tpu.memory_space<semaphore_mem>>) src(%dma_wait3A_46 : memref<10000x128xf32, #tpu.memory_space<hbm>>) dst(%run_scoped3A : memref<40x128xf32, #tpu.memory_space<vmem>>)
          %dma_wait3A_47 = tpu.memref_slice %arg8[%mul3A_43] : memref<5000xi32, #tpu.memory_space<vmem>> -> memref<40xi32, #tpu.memory_space<vmem>>
          %dma_wait3A_48 = arith.constant 0 : i32
          %dma_wait3A_49 = arith.constant 0 : i32
          %dma_wait3A_50 = tpu.memref_slice %arg3[%dma_wait3A_48, %dma_wait3A_49] : memref<10000x128xf32, #tpu.memory_space<hbm>> -> memref<10000x128xf32, #tpu.memory_space<hbm>>
          tpu.wait_indirect_dma semaphore(%arg9 : memref<!tpu.dma_semaphore, #tpu.memory_space<semaphore_mem>>) src(%dma_wait3A_50 : memref<10000x128xf32, #tpu.memory_space<hbm>>) dst(%run_scoped3A_3 : memref<40x128xf32, #tpu.memory_space<vmem>>)
          %scan3A_51 = arith.constant 0 : i32
          %scan3A_52 = arith.constant 40 : i32
          %scan3A_53 = arith.addi %scan3A_51, %scan3A_52 : i32
          %scan3A_54 = arith.constant 1 : i32
          scf.for %scan3A_59 = %scan3A_51 to %scan3A_53 step %scan3A_54  : i32 {
            %mul3A_60 = arith.constant 1 : i32
            %mul3A_61 = arith.muli %scan3A_59, %mul3A_60 : i32
            %add3A_62 = arith.constant 0 : i32
            %add3A_63 = arith.addi %add3A_62, %mul3A_61 : i32
            %get3A = arith.index_cast %add3A_63 : i32 to index
            %get3A_64 = arith.constant 0 : index
            %get3A_65 = tpu.vector_load %run_scoped3A_3[%get3A, %get3A_64] {strides = array<i32>} : memref<40x128xf32, #tpu.memory_space<vmem>>, vector<16xf32>,
            %swap3A = arith.index_cast %add3A_63 : i32 to index
            %swap3A_66 = arith.constant 0 : index
            %swap3A_67 = tpu.vector_load %run_scoped3A[%swap3A, %swap3A_66] {strides = array<i32>} : memref<40x128xf32, #tpu.memory_space<vmem>>, vector<16xf32>,
            tpu.vector_store %run_scoped3A[%swap3A, %swap3A_66], %get3A_65 {add = true, strides = array<i32>} : memref<40x128xf32, #tpu.memory_space<vmem>>, vector<16xf32>,
            %get3A_68 = arith.index_cast %add3A_63 : i32 to index
            %get3A_69 = arith.constant 16 : index
            %get3A_70 = tpu.vector_load %run_scoped3A_3[%get3A_68, %get3A_69] {strides = array<i32>} : memref<40x128xf32, #tpu.memory_space<vmem>>, vector<16xf32>,
            %swap3A_71 = arith.index_cast %add3A_63 : i32 to index
            %swap3A_72 = arith.constant 16 : index
            %swap3A_73 = tpu.vector_load %run_scoped3A[%swap3A_71, %swap3A_72] {strides = array<i32>} : memref<40x128xf32, #tpu.memory_space<vmem>>, vector<16xf32>,
            tpu.vector_store %run_scoped3A[%swap3A_71, %swap3A_72], %get3A_70 {add = true, strides = array<i32>} : memref<40x128xf32, #tpu.memory_space<vmem>>, vector<16xf32>,
            %get3A_74 = arith.index_cast %add3A_63 : i32 to index
            %get3A_75 = arith.constant 32 : index
            %get3A_76 = tpu.vector_load %run_scoped3A_3[%get3A_74, %get3A_75] {strides = array<i32>} : memref<40x128xf32, #tpu.memory_space<vmem>>, vector<16xf32>,
            %swap3A_77 = arith.index_cast %add3A_63 : i32 to index
            %swap3A_78 = arith.constant 32 : index
            %swap3A_79 = tpu.vector_load %run_scoped3A[%swap3A_77, %swap3A_78] {strides = array<i32>} : memref<40x128xf32, #tpu.memory_space<vmem>>, vector<16xf32>,
            tpu.vector_store %run_scoped3A[%swap3A_77, %swap3A_78], %get3A_76 {add = true, strides = array<i32>} : memref<40x128xf32, #tpu.memory_space<vmem>>, vector<16xf32>,
            %get3A_80 = arith.index_cast %add3A_63 : i32 to index
            %get3A_81 = arith.constant 48 : index
            %get3A_82 = tpu.vector_load %run_scoped3A_3[%get3A_80, %get3A_81] {strides = array<i32>} : memref<40x128xf32, #tpu.memory_space<vmem>>, vector<16xf32>,
            %swap3A_83 = arith.index_cast %add3A_63 : i32 to index
            %swap3A_84 = arith.constant 48 : index
            %swap3A_85 = tpu.vector_load %run_scoped3A[%swap3A_83, %swap3A_84] {strides = array<i32>} : memref<40x128xf32, #tpu.memory_space<vmem>>, vector<16xf32>,
            tpu.vector_store %run_scoped3A[%swap3A_83, %swap3A_84], %get3A_82 {add = true, strides = array<i32>} : memref<40x128xf32, #tpu.memory_space<vmem>>, vector<16xf32>,
            %get3A_86 = arith.index_cast %add3A_63 : i32 to index
            %get3A_87 = arith.constant 64 : index
            %get3A_88 = tpu.vector_load %run_scoped3A_3[%get3A_86, %get3A_87] {strides = array<i32>} : memref<40x128xf32, #tpu.memory_space<vmem>>, vector<16xf32>,
            %swap3A_89 = arith.index_cast %add3A_63 : i32 to index
            %swap3A_90 = arith.constant 64 : index
            %swap3A_91 = tpu.vector_load %run_scoped3A[%swap3A_89, %swap3A_90] {strides = array<i32>} : memref<40x128xf32, #tpu.memory_space<vmem>>, vector<16xf32>,
            tpu.vector_store %run_scoped3A[%swap3A_89, %swap3A_90], %get3A_88 {add = true, strides = array<i32>} : memref<40x128xf32, #tpu.memory_space<vmem>>, vector<16xf32>,
            %get3A_92 = arith.index_cast %add3A_63 : i32 to index
            %get3A_93 = arith.constant 80 : index
            %get3A_94 = tpu.vector_load %run_scoped3A_3[%get3A_92, %get3A_93] {strides = array<i32>} : memref<40x128xf32, #tpu.memory_space<vmem>>, vector<16xf32>,
            %swap3A_95 = arith.index_cast %add3A_63 : i32 to index
            %swap3A_96 = arith.constant 80 : index
            %swap3A_97 = tpu.vector_load %run_scoped3A[%swap3A_95, %swap3A_96] {strides = array<i32>} : memref<40x128xf32, #tpu.memory_space<vmem>>, vector<16xf32>,
            tpu.vector_store %run_scoped3A[%swap3A_95, %swap3A_96], %get3A_94 {add = true, strides = array<i32>} : memref<40x128xf32, #tpu.memory_space<vmem>>, vector<16xf32>,
            %get3A_98 = arith.index_cast %add3A_63 : i32 to index
            %get3A_99 = arith.constant 96 : index
            %get3A_100 = tpu.vector_load %run_scoped3A_3[%get3A_98, %get3A_99] {strides = array<i32>} : memref<40x128xf32, #tpu.memory_space<vmem>>, vector<16xf32>,
            %swap3A_101 = arith.index_cast %add3A_63 : i32 to index
            %swap3A_102 = arith.constant 96 : index
            %swap3A_103 = tpu.vector_load %run_scoped3A[%swap3A_101, %swap3A_102] {strides = array<i32>} : memref<40x128xf32, #tpu.memory_space<vmem>>, vector<16xf32>,
            tpu.vector_store %run_scoped3A[%swap3A_101, %swap3A_102], %get3A_100 {add = true, strides = array<i32>} : memref<40x128xf32, #tpu.memory_space<vmem>>, vector<16xf32>,
            %get3A_104 = arith.index_cast %add3A_63 : i32 to index
            %get3A_105 = arith.constant 112 : index
            %get3A_106 = tpu.vector_load %run_scoped3A_3[%get3A_104, %get3A_105] {strides = array<i32>} : memref<40x128xf32, #tpu.memory_space<vmem>>, vector<16xf32>,
            %swap3A_107 = arith.index_cast %add3A_63 : i32 to index
            %swap3A_108 = arith.constant 112 : index
            %swap3A_109 = tpu.vector_load %run_scoped3A[%swap3A_107, %swap3A_108] {strides = array<i32>} : memref<40x128xf32, #tpu.memory_space<vmem>>, vector<16xf32>,
            tpu.vector_store %run_scoped3A[%swap3A_107, %swap3A_108], %get3A_106 {add = true, strides = array<i32>} : memref<40x128xf32, #tpu.memory_space<vmem>>, vector<16xf32>,
          }
          %scan3A_55 = arith.constant 40 : i32
          %mul3A_56 = arith.constant 40 : i32
          %mul3A_57 = arith.muli %add3A_25, %mul3A_56 : i32
          %add3A_58 = arith.addi %mul3A_2, %mul3A_57 : i32
          "tpu.region"() ({
            %run_scoped3A_59 = tpu.sem_alloc : memref<!tpu.dma_semaphore, #tpu.memory_space<semaphore_mem>>
            %dma_start3A_60 = arith.constant 0 : i32
            %dma_start3A_61 = tpu.memref_slice %arg6[%add3A_58, %dma_start3A_60] : memref<160000x128xf32, #tpu.memory_space<hbm>> -> memref<40x128xf32, #tpu.memory_space<hbm>>
            %dma_start3A_62 = arith.constant 0 : i32
            %dma_start3A_63 = tpu.memref_slice %arg6[%add3A_58, %dma_start3A_62] : memref<160000x128xf32, #tpu.memory_space<hbm>> -> memref<40x128xf32, #tpu.memory_space<hbm>>
            tpu.enqueue_dma source(%run_scoped3A : memref<40x128xf32, #tpu.memory_space<vmem>>) target(%dma_start3A_63 : memref<40x128xf32, #tpu.memory_space<hbm>>) target_semaphore(%run_scoped3A_59 : memref<!tpu.dma_semaphore, #tpu.memory_space<semaphore_mem>>)
            %dma_wait3A_64 = arith.constant 0 : i32
            %dma_wait3A_65 = tpu.memref_slice %arg6[%add3A_58, %dma_wait3A_64] : memref<160000x128xf32, #tpu.memory_space<hbm>> -> memref<40x128xf32, #tpu.memory_space<hbm>>
            %dma_wait3A_66 = arith.constant 0 : i32
            %dma_wait3A_67 = tpu.memref_slice %arg6[%add3A_58, %dma_wait3A_66] : memref<160000x128xf32, #tpu.memory_space<hbm>> -> memref<40x128xf32, #tpu.memory_space<hbm>>
            tpu.wait_dma2 semaphore(%run_scoped3A_59 : memref<!tpu.dma_semaphore, #tpu.memory_space<semaphore_mem>>) src(%run_scoped3A : memref<40x128xf32, #tpu.memory_space<vmem>>) dst(%dma_wait3A_67 : memref<40x128xf32, #tpu.memory_space<hbm>>)
            tpu.yield
          }) : () -> ()
        } else {
        }
        %add3A_28 = arith.constant 1 : i32
        %add3A_29 = arith.addi %add3A_23, %add3A_28 : i32
        %lt3A_30 = arith.constant 125 : i32
        %lt3A_31 = arith.cmpi slt, %add3A_29, %lt3A_30 : i32
        %convert_element_type3A_32 = arith.extui %lt3A_31 : i1 to i32
        %cond3A_33 = arith.constant 0 : i32
        %cond3A_34 = arith.cmpi ne, %convert_element_type3A_32, %cond3A_33 : i32
        scf.if %cond3A_34 {
          %add3A_35 = arith.constant 1 : i32
          %add3A_36 = arith.addi %add3A_29, %add3A_35 : i32
          %lt3A_37 = arith.constant 125 : i32
          %lt3A_38 = arith.cmpi slt, %add3A_36, %lt3A_37 : i32
          %convert_element_type3A_39 = arith.extui %lt3A_38 : i1 to i32
          %cond3A_40 = arith.constant 0 : i32
          %cond3A_41 = arith.cmpi ne, %convert_element_type3A_39, %cond3A_40 : i32
          scf.if %cond3A_41 {
            %add3A_59 = arith.constant 1 : i32
            %add3A_60 = arith.addi %add3A_29, %add3A_59 : i32
            %mul3A_61 = arith.constant 40 : i32
            %mul3A_62 = arith.muli %add3A_60, %mul3A_61 : i32
            %dma_start3A_63 = tpu.memref_slice %arg7[%mul3A_62] : memref<5000xi32, #tpu.memory_space<vmem>> -> memref<40xi32, #tpu.memory_space<vmem>>
            %dma_start3A_64 = arith.constant 0 : i32
            %dma_start3A_65 = arith.constant 0 : i32
            %dma_start3A_66 = tpu.memref_slice %arg2[%dma_start3A_64, %dma_start3A_65] : memref<10000x128xf32, #tpu.memory_space<hbm>> -> memref<10000x128xf32, #tpu.memory_space<hbm>>
            tpu.enqueue_indirect_dma source(%dma_start3A_66 : memref<10000x128xf32, #tpu.memory_space<hbm>>) target(%run_scoped3A : memref<40x128xf32, #tpu.memory_space<vmem>>) offsets(%dma_start3A_63 : memref<40xi32, #tpu.memory_space<vmem>>) semaphore(%arg9 : memref<!tpu.dma_semaphore, #tpu.memory_space<semaphore_mem>>)
            %dma_start3A_67 = tpu.memref_slice %arg8[%mul3A_62] : memref<5000xi32, #tpu.memory_space<vmem>> -> memref<40xi32, #tpu.memory_space<vmem>>
            %dma_start3A_68 = arith.constant 0 : i32
            %dma_start3A_69 = arith.constant 0 : i32
            %dma_start3A_70 = tpu.memref_slice %arg3[%dma_start3A_68, %dma_start3A_69] : memref<10000x128xf32, #tpu.memory_space<hbm>> -> memref<10000x128xf32, #tpu.memory_space<hbm>>
            tpu.enqueue_indirect_dma source(%dma_start3A_70 : memref<10000x128xf32, #tpu.memory_space<hbm>>) target(%run_scoped3A_3 : memref<40x128xf32, #tpu.memory_space<vmem>>) offsets(%dma_start3A_67 : memref<40xi32, #tpu.memory_space<vmem>>) semaphore(%arg9 : memref<!tpu.dma_semaphore, #tpu.memory_space<semaphore_mem>>)
          } else {
          }
          %mul3A_42 = arith.constant 40 : i32
          %mul3A_43 = arith.muli %add3A_29, %mul3A_42 : i32
          %dma_wait3A = tpu.memref_slice %arg7[%mul3A_43] : memref<5000xi32, #tpu.memory_space<vmem>> -> memref<40xi32, #tpu.memory_space<vmem>>
          %dma_wait3A_44 = arith.constant 0 : i32
          %dma_wait3A_45 = arith.constant 0 : i32
          %dma_wait3A_46 = tpu.memref_slice %arg2[%dma_wait3A_44, %dma_wait3A_45] : memref<10000x128xf32, #tpu.memory_space<hbm>> -> memref<10000x128xf32, #tpu.memory_space<hbm>>
          tpu.wait_indirect_dma semaphore(%arg10 : memref<!tpu.dma_semaphore, #tpu.memory_space<semaphore_mem>>) src(%dma_wait3A_46 : memref<10000x128xf32, #tpu.memory_space<hbm>>) dst(%run_scoped3A_4 : memref<40x128xf32, #tpu.memory_space<vmem>>)
          %dma_wait3A_47 = tpu.memref_slice %arg8[%mul3A_43] : memref<5000xi32, #tpu.memory_space<vmem>> -> memref<40xi32, #tpu.memory_space<vmem>>
          %dma_wait3A_48 = arith.constant 0 : i32
          %dma_wait3A_49 = arith.constant 0 : i32
          %dma_wait3A_50 = tpu.memref_slice %arg3[%dma_wait3A_48, %dma_wait3A_49] : memref<10000x128xf32, #tpu.memory_space<hbm>> -> memref<10000x128xf32, #tpu.memory_space<hbm>>
          tpu.wait_indirect_dma semaphore(%arg10 : memref<!tpu.dma_semaphore, #tpu.memory_space<semaphore_mem>>) src(%dma_wait3A_50 : memref<10000x128xf32, #tpu.memory_space<hbm>>) dst(%run_scoped3A_5 : memref<40x128xf32, #tpu.memory_space<vmem>>)
          %scan3A_51 = arith.constant 0 : i32
          %scan3A_52 = arith.constant 40 : i32
          %scan3A_53 = arith.addi %scan3A_51, %scan3A_52 : i32
          %scan3A_54 = arith.constant 1 : i32
          scf.for %scan3A_59 = %scan3A_51 to %scan3A_53 step %scan3A_54  : i32 {
            %mul3A_60 = arith.constant 1 : i32
            %mul3A_61 = arith.muli %scan3A_59, %mul3A_60 : i32
            %add3A_62 = arith.constant 0 : i32
            %add3A_63 = arith.addi %add3A_62, %mul3A_61 : i32
            %get3A = arith.index_cast %add3A_63 : i32 to index
            %get3A_64 = arith.constant 0 : index
            %get3A_65 = tpu.vector_load %run_scoped3A_5[%get3A, %get3A_64] {strides = array<i32>} : memref<40x128xf32, #tpu.memory_space<vmem>>, vector<16xf32>,
            %swap3A = arith.index_cast %add3A_63 : i32 to index
            %swap3A_66 = arith.constant 0 : index
            %swap3A_67 = tpu.vector_load %run_scoped3A_4[%swap3A, %swap3A_66] {strides = array<i32>} : memref<40x128xf32, #tpu.memory_space<vmem>>, vector<16xf32>,
            tpu.vector_store %run_scoped3A_4[%swap3A, %swap3A_66], %get3A_65 {add = true, strides = array<i32>} : memref<40x128xf32, #tpu.memory_space<vmem>>, vector<16xf32>,
            %get3A_68 = arith.index_cast %add3A_63 : i32 to index
            %get3A_69 = arith.constant 16 : index
            %get3A_70 = tpu.vector_load %run_scoped3A_5[%get3A_68, %get3A_69] {strides = array<i32>} : memref<40x128xf32, #tpu.memory_space<vmem>>, vector<16xf32>,
            %swap3A_71 = arith.index_cast %add3A_63 : i32 to index
            %swap3A_72 = arith.constant 16 : index
            %swap3A_73 = tpu.vector_load %run_scoped3A_4[%swap3A_71, %swap3A_72] {strides = array<i32>} : memref<40x128xf32, #tpu.memory_space<vmem>>, vector<16xf32>,
            tpu.vector_store %run_scoped3A_4[%swap3A_71, %swap3A_72], %get3A_70 {add = true, strides = array<i32>} : memref<40x128xf32, #tpu.memory_space<vmem>>, vector<16xf32>,
            %get3A_74 = arith.index_cast %add3A_63 : i32 to index
            %get3A_75 = arith.constant 32 : index
            %get3A_76 = tpu.vector_load %run_scoped3A_5[%get3A_74, %get3A_75] {strides = array<i32>} : memref<40x128xf32, #tpu.memory_space<vmem>>, vector<16xf32>,
            %swap3A_77 = arith.index_cast %add3A_63 : i32 to index
            %swap3A_78 = arith.constant 32 : index
            %swap3A_79 = tpu.vector_load %run_scoped3A_4[%swap3A_77, %swap3A_78] {strides = array<i32>} : memref<40x128xf32, #tpu.memory_space<vmem>>, vector<16xf32>,
            tpu.vector_store %run_scoped3A_4[%swap3A_77, %swap3A_78], %get3A_76 {add = true, strides = array<i32>} : memref<40x128xf32, #tpu.memory_space<vmem>>, vector<16xf32>,
            %get3A_80 = arith.index_cast %add3A_63 : i32 to index
            %get3A_81 = arith.constant 48 : index
            %get3A_82 = tpu.vector_load %run_scoped3A_5[%get3A_80, %get3A_81] {strides = array<i32>} : memref<40x128xf32, #tpu.memory_space<vmem>>, vector<16xf32>,
            %swap3A_83 = arith.index_cast %add3A_63 : i32 to index
            %swap3A_84 = arith.constant 48 : index
            %swap3A_85 = tpu.vector_load %run_scoped3A_4[%swap3A_83, %swap3A_84] {strides = array<i32>} : memref<40x128xf32, #tpu.memory_space<vmem>>, vector<16xf32>,
            tpu.vector_store %run_scoped3A_4[%swap3A_83, %swap3A_84], %get3A_82 {add = true, strides = array<i32>} : memref<40x128xf32, #tpu.memory_space<vmem>>, vector<16xf32>,
            %get3A_86 = arith.index_cast %add3A_63 : i32 to index
            %get3A_87 = arith.constant 64 : index
            %get3A_88 = tpu.vector_load %run_scoped3A_5[%get3A_86, %get3A_87] {strides = array<i32>} : memref<40x128xf32, #tpu.memory_space<vmem>>, vector<16xf32>,
            %swap3A_89 = arith.index_cast %add3A_63 : i32 to index
            %swap3A_90 = arith.constant 64 : index
            %swap3A_91 = tpu.vector_load %run_scoped3A_4[%swap3A_89, %swap3A_90] {strides = array<i32>} : memref<40x128xf32, #tpu.memory_space<vmem>>, vector<16xf32>,
            tpu.vector_store %run_scoped3A_4[%swap3A_89, %swap3A_90], %get3A_88 {add = true, strides = array<i32>} : memref<40x128xf32, #tpu.memory_space<vmem>>, vector<16xf32>,
            %get3A_92 = arith.index_cast %add3A_63 : i32 to index
            %get3A_93 = arith.constant 80 : index
            %get3A_94 = tpu.vector_load %run_scoped3A_5[%get3A_92, %get3A_93] {strides = array<i32>} : memref<40x128xf32, #tpu.memory_space<vmem>>, vector<16xf32>,
            %swap3A_95 = arith.index_cast %add3A_63 : i32 to index
            %swap3A_96 = arith.constant 80 : index
            %swap3A_97 = tpu.vector_load %run_scoped3A_4[%swap3A_95, %swap3A_96] {strides = array<i32>} : memref<40x128xf32, #tpu.memory_space<vmem>>, vector<16xf32>,
            tpu.vector_store %run_scoped3A_4[%swap3A_95, %swap3A_96], %get3A_94 {add = true, strides = array<i32>} : memref<40x128xf32, #tpu.memory_space<vmem>>, vector<16xf32>,
            %get3A_98 = arith.index_cast %add3A_63 : i32 to index
            %get3A_99 = arith.constant 96 : index
            %get3A_100 = tpu.vector_load %run_scoped3A_5[%get3A_98, %get3A_99] {strides = array<i32>} : memref<40x128xf32, #tpu.memory_space<vmem>>, vector<16xf32>,
            %swap3A_101 = arith.index_cast %add3A_63 : i32 to index
            %swap3A_102 = arith.constant 96 : index
            %swap3A_103 = tpu.vector_load %run_scoped3A_4[%swap3A_101, %swap3A_102] {strides = array<i32>} : memref<40x128xf32, #tpu.memory_space<vmem>>, vector<16xf32>,
            tpu.vector_store %run_scoped3A_4[%swap3A_101, %swap3A_102], %get3A_100 {add = true, strides = array<i32>} : memref<40x128xf32, #tpu.memory_space<vmem>>, vector<16xf32>,
            %get3A_104 = arith.index_cast %add3A_63 : i32 to index
            %get3A_105 = arith.constant 112 : index
            %get3A_106 = tpu.vector_load %run_scoped3A_5[%get3A_104, %get3A_105] {strides = array<i32>} : memref<40x128xf32, #tpu.memory_space<vmem>>, vector<16xf32>,
            %swap3A_107 = arith.index_cast %add3A_63 : i32 to index
            %swap3A_108 = arith.constant 112 : index
            %swap3A_109 = tpu.vector_load %run_scoped3A_4[%swap3A_107, %swap3A_108] {strides = array<i32>} : memref<40x128xf32, #tpu.memory_space<vmem>>, vector<16xf32>,
            tpu.vector_store %run_scoped3A_4[%swap3A_107, %swap3A_108], %get3A_106 {add = true, strides = array<i32>} : memref<40x128xf32, #tpu.memory_space<vmem>>, vector<16xf32>,
          }
          %scan3A_55 = arith.constant 40 : i32
          %mul3A_56 = arith.constant 40 : i32
          %mul3A_57 = arith.muli %add3A_29, %mul3A_56 : i32
          %add3A_58 = arith.addi %mul3A_2, %mul3A_57 : i32
          "tpu.region"() ({
            %run_scoped3A_59 = tpu.sem_alloc : memref<!tpu.dma_semaphore, #tpu.memory_space<semaphore_mem>>
            %dma_start3A_60 = arith.constant 0 : i32
            %dma_start3A_61 = tpu.memref_slice %arg6[%add3A_58, %dma_start3A_60] : memref<160000x128xf32, #tpu.memory_space<hbm>> -> memref<40x128xf32, #tpu.memory_space<hbm>>
            %dma_start3A_62 = arith.constant 0 : i32
            %dma_start3A_63 = tpu.memref_slice %arg6[%add3A_58, %dma_start3A_62] : memref<160000x128xf32, #tpu.memory_space<hbm>> -> memref<40x128xf32, #tpu.memory_space<hbm>>
            tpu.enqueue_dma source(%run_scoped3A_4 : memref<40x128xf32, #tpu.memory_space<vmem>>) target(%dma_start3A_63 : memref<40x128xf32, #tpu.memory_space<hbm>>) target_semaphore(%run_scoped3A_59 : memref<!tpu.dma_semaphore, #tpu.memory_space<semaphore_mem>>)
            %dma_wait3A_64 = arith.constant 0 : i32
            %dma_wait3A_65 = tpu.memref_slice %arg6[%add3A_58, %dma_wait3A_64] : memref<160000x128xf32, #tpu.memory_space<hbm>> -> memref<40x128xf32, #tpu.memory_space<hbm>>
            %dma_wait3A_66 = arith.constant 0 : i32
            %dma_wait3A_67 = tpu.memref_slice %arg6[%add3A_58, %dma_wait3A_66] : memref<160000x128xf32, #tpu.memory_space<hbm>> -> memref<40x128xf32, #tpu.memory_space<hbm>>
            tpu.wait_dma2 semaphore(%run_scoped3A_59 : memref<!tpu.dma_semaphore, #tpu.memory_space<semaphore_mem>>) src(%run_scoped3A_4 : memref<40x128xf32, #tpu.memory_space<vmem>>) dst(%dma_wait3A_67 : memref<40x128xf32, #tpu.memory_space<hbm>>)
            tpu.yield
          }) : () -> ()
        } else {
        }
      }
      %scan3A_18 = arith.constant 63 : i32
      tpu.yield
    }) : () -> ()
    return
  }
}

#map = affine_map<(d0, d1) -> (0, 0)>
#map1 = affine_map<(d0, d1) -> (0)>
module attributes {stable_mosaic.version = 14 : i64} {
  func.func @_sc_gather(%arg0: i32, %arg1: i32, %arg2: memref<10000x128xf32, #tpu.memory_space<hbm>>, %arg3: memref<10000x128xf32, #tpu.memory_space<hbm>>, %arg4: memref<160000xi32, #tpu.memory_space<hbm>>, %arg5: memref<160000xi32, #tpu.memory_space<hbm>>, %arg6: memref<160000x128xf32, #tpu.memory_space<hbm>>, %arg7: memref<5000xi32, #tpu.memory_space<vmem>>, %arg8: memref<5000xi32, #tpu.memory_space<vmem>>, %arg9: memref<!tpu.dma_semaphore, #tpu.memory_space<semaphore_mem>>, %arg10: memref<!tpu.dma_semaphore, #tpu.memory_space<semaphore_mem>>) attributes {dimension_semantics = [#tpu.dimension_semantics<core_parallel>, #tpu.dimension_semantics<subcore_parallel>], iteration_bounds = array<i64: 2, 16>, scalar_prefetch = 0 : i64, scratch_operands = 4 : i64, tpu.core_type = #tpu.core_type<sc_vector_subcore>, window_params = [{transform_indices = #map}, {transform_indices = #map}, {transform_indices = #map1}, {transform_indices = #map1}, {transform_indices = #map}]} {
    %mul3A = arith.constant 2 : i32
    %mul3A_0 = arith.muli %arg1, %mul3A : i32
    %add3A = arith.addi %mul3A_0, %arg0 : i32
    %mul3A_1 = arith.constant 5000 : i32
    %mul3A_2 = arith.muli %add3A, %mul3A_1 : i32
    "tpu.region"() ({
      %run_scoped3A = tpu.sem_alloc : memref<!tpu.dma_semaphore, #tpu.memory_space<semaphore_mem>>
      %dma_start3A = tpu.memref_slice %arg4[%mul3A_2] : memref<160000xi32, #tpu.memory_space<hbm>> -> memref<5000xi32, #tpu.memory_space<hbm>>
      %dma_start3A_3 = tpu.memref_slice %arg4[%mul3A_2] : memref<160000xi32, #tpu.memory_space<hbm>> -> memref<5000xi32, #tpu.memory_space<hbm>>
      tpu.enqueue_dma source(%dma_start3A_3 : memref<5000xi32, #tpu.memory_space<hbm>>) target(%arg7 : memref<5000xi32, #tpu.memory_space<vmem>>) target_semaphore(%run_scoped3A : memref<!tpu.dma_semaphore, #tpu.memory_space<semaphore_mem>>)
      %dma_wait3A = tpu.memref_slice %arg4[%mul3A_2] : memref<160000xi32, #tpu.memory_space<hbm>> -> memref<5000xi32, #tpu.memory_space<hbm>>
      %dma_wait3A_4 = tpu.memref_slice %arg4[%mul3A_2] : memref<160000xi32, #tpu.memory_space<hbm>> -> memref<5000xi32, #tpu.memory_space<hbm>>
      tpu.wait_dma2 semaphore(%run_scoped3A : memref<!tpu.dma_semaphore, #tpu.memory_space<semaphore_mem>>) src(%dma_wait3A_4 : memref<5000xi32, #tpu.memory_space<hbm>>) dst(%arg7 : memref<5000xi32, #tpu.memory_space<vmem>>)
      tpu.yield
    }) : () -> ()
    "tpu.region"() ({
      %run_scoped3A = tpu.sem_alloc : memref<!tpu.dma_semaphore, #tpu.memory_space<semaphore_mem>>
      %dma_start3A = tpu.memref_slice %arg5[%mul3A_2] : memref<160000xi32, #tpu.memory_space<hbm>> -> memref<5000xi32, #tpu.memory_space<hbm>>
      %dma_start3A_3 = tpu.memref_slice %arg5[%mul3A_2] : memref<160000xi32, #tpu.memory_space<hbm>> -> memref<5000xi32, #tpu.memory_space<hbm>>
      tpu.enqueue_dma source(%dma_start3A_3 : memref<5000xi32, #tpu.memory_space<hbm>>) target(%arg8 : memref<5000xi32, #tpu.memory_space<vmem>>) target_semaphore(%run_scoped3A : memref<!tpu.dma_semaphore, #tpu.memory_space<semaphore_mem>>)
      %dma_wait3A = tpu.memref_slice %arg5[%mul3A_2] : memref<160000xi32, #tpu.memory_space<hbm>> -> memref<5000xi32, #tpu.memory_space<hbm>>
      %dma_wait3A_4 = tpu.memref_slice %arg5[%mul3A_2] : memref<160000xi32, #tpu.memory_space<hbm>> -> memref<5000xi32, #tpu.memory_space<hbm>>
      tpu.wait_dma2 semaphore(%run_scoped3A : memref<!tpu.dma_semaphore, #tpu.memory_space<semaphore_mem>>) src(%dma_wait3A_4 : memref<5000xi32, #tpu.memory_space<hbm>>) dst(%arg8 : memref<5000xi32, #tpu.memory_space<vmem>>)
      tpu.yield
    }) : () -> ()
    "tpu.region"() ({
      %run_scoped3A = memref.alloca() : memref<40x128xf32, #tpu.memory_space<vmem>>
      %run_scoped3A_3 = memref.alloca() : memref<40x128xf32, #tpu.memory_space<vmem>>
      %run_scoped3A_4 = memref.alloca() : memref<40x128xf32, #tpu.memory_space<vmem>>
      %run_scoped3A_5 = memref.alloca() : memref<40x128xf32, #tpu.memory_space<vmem>>
      %dma_start3A = arith.constant 0 : i32
      %dma_start3A_6 = tpu.memref_slice %arg7[%dma_start3A] : memref<5000xi32, #tpu.memory_space<vmem>> -> memref<40xi32, #tpu.memory_space<vmem>>
      %dma_start3A_7 = arith.constant 0 : i32
      %dma_start3A_8 = arith.constant 0 : i32
      %dma_start3A_9 = tpu.memref_slice %arg2[%dma_start3A_7, %dma_start3A_8] : memref<10000x128xf32, #tpu.memory_space<hbm>> -> memref<10000x128xf32, #tpu.memory_space<hbm>>
      tpu.enqueue_indirect_dma source(%dma_start3A_9 : memref<10000x128xf32, #tpu.memory_space<hbm>>) target(%run_scoped3A : memref<40x128xf32, #tpu.memory_space<vmem>>) offsets(%dma_start3A_6 : memref<40xi32, #tpu.memory_space<vmem>>) semaphore(%arg9 : memref<!tpu.dma_semaphore, #tpu.memory_space<semaphore_mem>>)
      %dma_start3A_10 = arith.constant 0 : i32
      %dma_start3A_11 = tpu.memref_slice %arg8[%dma_start3A_10] : memref<5000xi32, #tpu.memory_space<vmem>> -> memref<40xi32, #tpu.memory_space<vmem>>
      %dma_start3A_12 = arith.constant 0 : i32
      %dma_start3A_13 = arith.constant 0 : i32
      %dma_start3A_14 = tpu.memref_slice %arg3[%dma_start3A_12, %dma_start3A_13] : memref<10000x128xf32, #tpu.memory_space<hbm>> -> memref<10000x128xf32, #tpu.memory_space<hbm>>
      tpu.enqueue_indirect_dma source(%dma_start3A_14 : memref<10000x128xf32, #tpu.memory_space<hbm>>) target(%run_scoped3A_3 : memref<40x128xf32, #tpu.memory_space<vmem>>) offsets(%dma_start3A_11 : memref<40xi32, #tpu.memory_space<vmem>>) semaphore(%arg9 : memref<!tpu.dma_semaphore, #tpu.memory_space<semaphore_mem>>)
      %scan3A = arith.constant 0 : i32
      %scan3A_15 = arith.constant 63 : i32
      %scan3A_16 = arith.addi %scan3A, %scan3A_15 : i32
      %scan3A_17 = arith.constant 1 : i32
      scf.for %scan3A_19 = %scan3A to %scan3A_16 step %scan3A_17  : i32 {
        %mul3A_20 = arith.constant 2 : i32
        %mul3A_21 = arith.muli %scan3A_19, %mul3A_20 : i32
        %add3A_22 = arith.constant 0 : i32
        %add3A_23 = arith.addi %add3A_22, %mul3A_21 : i32
        %add3A_24 = arith.constant 0 : i32
        %add3A_25 = arith.addi %add3A_23, %add3A_24 : i32
        %lt3A = arith.constant 125 : i32
        %lt3A_26 = arith.cmpi slt, %add3A_25, %lt3A : i32
        %convert_element_type3A = arith.extui %lt3A_26 : i1 to i32
        %cond3A = arith.constant 0 : i32
        %cond3A_27 = arith.cmpi ne, %convert_element_type3A, %cond3A : i32
        scf.if %cond3A_27 {
          %add3A_35 = arith.constant 1 : i32
          %add3A_36 = arith.addi %add3A_25, %add3A_35 : i32
          %lt3A_37 = arith.constant 125 : i32
          %lt3A_38 = arith.cmpi slt, %add3A_36, %lt3A_37 : i32
          %convert_element_type3A_39 = arith.extui %lt3A_38 : i1 to i32
          %cond3A_40 = arith.constant 0 : i32
          %cond3A_41 = arith.cmpi ne, %convert_element_type3A_39, %cond3A_40 : i32
          scf.if %cond3A_41 {
            %add3A_59 = arith.constant 1 : i32
            %add3A_60 = arith.addi %add3A_25, %add3A_59 : i32
            %mul3A_61 = arith.constant 40 : i32
            %mul3A_62 = arith.muli %add3A_60, %mul3A_61 : i32
            %dma_start3A_63 = tpu.memref_slice %arg7[%mul3A_62] : memref<5000xi32, #tpu.memory_space<vmem>> -> memref<40xi32, #tpu.memory_space<vmem>>
            %dma_start3A_64 = arith.constant 0 : i32
            %dma_start3A_65 = arith.constant 0 : i32
            %dma_start3A_66 = tpu.memref_slice %arg2[%dma_start3A_64, %dma_start3A_65] : memref<10000x128xf32, #tpu.memory_space<hbm>> -> memref<10000x128xf32, #tpu.memory_space<hbm>>
            tpu.enqueue_indirect_dma source(%dma_start3A_66 : memref<10000x128xf32, #tpu.memory_space<hbm>>) target(%run_scoped3A_4 : memref<40x128xf32, #tpu.memory_space<vmem>>) offsets(%dma_start3A_63 : memref<40xi32, #tpu.memory_space<vmem>>) semaphore(%arg10 : memref<!tpu.dma_semaphore, #tpu.memory_space<semaphore_mem>>)
            %dma_start3A_67 = tpu.memref_slice %arg8[%mul3A_62] : memref<5000xi32, #tpu.memory_space<vmem>> -> memref<40xi32, #tpu.memory_space<vmem>>
            %dma_start3A_68 = arith.constant 0 : i32
            %dma_start3A_69 = arith.constant 0 : i32
            %dma_start3A_70 = tpu.memref_slice %arg3[%dma_start3A_68, %dma_start3A_69] : memref<10000x128xf32, #tpu.memory_space<hbm>> -> memref<10000x128xf32, #tpu.memory_space<hbm>>
            tpu.enqueue_indirect_dma source(%dma_start3A_70 : memref<10000x128xf32, #tpu.memory_space<hbm>>) target(%run_scoped3A_5 : memref<40x128xf32, #tpu.memory_space<vmem>>) offsets(%dma_start3A_67 : memref<40xi32, #tpu.memory_space<vmem>>) semaphore(%arg10 : memref<!tpu.dma_semaphore, #tpu.memory_space<semaphore_mem>>)
          } else {
          }
          %mul3A_42 = arith.constant 40 : i32
          %mul3A_43 = arith.muli %add3A_25, %mul3A_42 : i32
          %dma_wait3A = tpu.memref_slice %arg7[%mul3A_43] : memref<5000xi32, #tpu.memory_space<vmem>> -> memref<40xi32, #tpu.memory_space<vmem>>
          %dma_wait3A_44 = arith.constant 0 : i32
          %dma_wait3A_45 = arith.constant 0 : i32
          %dma_wait3A_46 = tpu.memref_slice %arg2[%dma_wait3A_44, %dma_wait3A_45] : memref<10000x128xf32, #tpu.memory_space<hbm>> -> memref<10000x128xf32, #tpu.memory_space<hbm>>
          tpu.wait_indirect_dma semaphore(%arg9 : memref<!tpu.dma_semaphore, #tpu.memory_space<semaphore_mem>>) src(%dma_wait3A_46 : memref<10000x128xf32, #tpu.memory_space<hbm>>) dst(%run_scoped3A : memref<40x128xf32, #tpu.memory_space<vmem>>)
          %dma_wait3A_47 = tpu.memref_slice %arg8[%mul3A_43] : memref<5000xi32, #tpu.memory_space<vmem>> -> memref<40xi32, #tpu.memory_space<vmem>>
          %dma_wait3A_48 = arith.constant 0 : i32
          %dma_wait3A_49 = arith.constant 0 : i32
          %dma_wait3A_50 = tpu.memref_slice %arg3[%dma_wait3A_48, %dma_wait3A_49] : memref<10000x128xf32, #tpu.memory_space<hbm>> -> memref<10000x128xf32, #tpu.memory_space<hbm>>
          tpu.wait_indirect_dma semaphore(%arg9 : memref<!tpu.dma_semaphore, #tpu.memory_space<semaphore_mem>>) src(%dma_wait3A_50 : memref<10000x128xf32, #tpu.memory_space<hbm>>) dst(%run_scoped3A_3 : memref<40x128xf32, #tpu.memory_space<vmem>>)
          %scan3A_51 = arith.constant 0 : i32
          %scan3A_52 = arith.constant 40 : i32
          %scan3A_53 = arith.addi %scan3A_51, %scan3A_52 : i32
          %scan3A_54 = arith.constant 1 : i32
          scf.for %scan3A_59 = %scan3A_51 to %scan3A_53 step %scan3A_54  : i32 {
            %mul3A_60 = arith.constant 1 : i32
            %mul3A_61 = arith.muli %scan3A_59, %mul3A_60 : i32
            %add3A_62 = arith.constant 0 : i32
            %add3A_63 = arith.addi %add3A_62, %mul3A_61 : i32
            %get3A = arith.index_cast %add3A_63 : i32 to index
            %get3A_64 = arith.constant 0 : index
            %get3A_65 = tpu.vector_load %run_scoped3A_3[%get3A, %get3A_64] {strides = array<i32>} : memref<40x128xf32, #tpu.memory_space<vmem>>, vector<16xf32>,
            %swap3A = arith.index_cast %add3A_63 : i32 to index
            %swap3A_66 = arith.constant 0 : index
            %swap3A_67 = tpu.vector_load %run_scoped3A[%swap3A, %swap3A_66] {strides = array<i32>} : memref<40x128xf32, #tpu.memory_space<vmem>>, vector<16xf32>,
            tpu.vector_store %run_scoped3A[%swap3A, %swap3A_66], %get3A_65 {add = true, strides = array<i32>} : memref<40x128xf32, #tpu.memory_space<vmem>>, vector<16xf32>,
            %get3A_68 = arith.index_cast %add3A_63 : i32 to index
            %get3A_69 = arith.constant 16 : index
            %get3A_70 = tpu.vector_load %run_scoped3A_3[%get3A_68, %get3A_69] {strides = array<i32>} : memref<40x128xf32, #tpu.memory_space<vmem>>, vector<16xf32>,
            %swap3A_71 = arith.index_cast %add3A_63 : i32 to index
            %swap3A_72 = arith.constant 16 : index
            %swap3A_73 = tpu.vector_load %run_scoped3A[%swap3A_71, %swap3A_72] {strides = array<i32>} : memref<40x128xf32, #tpu.memory_space<vmem>>, vector<16xf32>,
            tpu.vector_store %run_scoped3A[%swap3A_71, %swap3A_72], %get3A_70 {add = true, strides = array<i32>} : memref<40x128xf32, #tpu.memory_space<vmem>>, vector<16xf32>,
            %get3A_74 = arith.index_cast %add3A_63 : i32 to index
            %get3A_75 = arith.constant 32 : index
            %get3A_76 = tpu.vector_load %run_scoped3A_3[%get3A_74, %get3A_75] {strides = array<i32>} : memref<40x128xf32, #tpu.memory_space<vmem>>, vector<16xf32>,
            %swap3A_77 = arith.index_cast %add3A_63 : i32 to index
            %swap3A_78 = arith.constant 32 : index
            %swap3A_79 = tpu.vector_load %run_scoped3A[%swap3A_77, %swap3A_78] {strides = array<i32>} : memref<40x128xf32, #tpu.memory_space<vmem>>, vector<16xf32>,
            tpu.vector_store %run_scoped3A[%swap3A_77, %swap3A_78], %get3A_76 {add = true, strides = array<i32>} : memref<40x128xf32, #tpu.memory_space<vmem>>, vector<16xf32>,
            %get3A_80 = arith.index_cast %add3A_63 : i32 to index
            %get3A_81 = arith.constant 48 : index
            %get3A_82 = tpu.vector_load %run_scoped3A_3[%get3A_80, %get3A_81] {strides = array<i32>} : memref<40x128xf32, #tpu.memory_space<vmem>>, vector<16xf32>,
            %swap3A_83 = arith.index_cast %add3A_63 : i32 to index
            %swap3A_84 = arith.constant 48 : index
            %swap3A_85 = tpu.vector_load %run_scoped3A[%swap3A_83, %swap3A_84] {strides = array<i32>} : memref<40x128xf32, #tpu.memory_space<vmem>>, vector<16xf32>,
            tpu.vector_store %run_scoped3A[%swap3A_83, %swap3A_84], %get3A_82 {add = true, strides = array<i32>} : memref<40x128xf32, #tpu.memory_space<vmem>>, vector<16xf32>,
            %get3A_86 = arith.index_cast %add3A_63 : i32 to index
            %get3A_87 = arith.constant 64 : index
            %get3A_88 = tpu.vector_load %run_scoped3A_3[%get3A_86, %get3A_87] {strides = array<i32>} : memref<40x128xf32, #tpu.memory_space<vmem>>, vector<16xf32>,
            %swap3A_89 = arith.index_cast %add3A_63 : i32 to index
            %swap3A_90 = arith.constant 64 : index
            %swap3A_91 = tpu.vector_load %run_scoped3A[%swap3A_89, %swap3A_90] {strides = array<i32>} : memref<40x128xf32, #tpu.memory_space<vmem>>, vector<16xf32>,
            tpu.vector_store %run_scoped3A[%swap3A_89, %swap3A_90], %get3A_88 {add = true, strides = array<i32>} : memref<40x128xf32, #tpu.memory_space<vmem>>, vector<16xf32>,
            %get3A_92 = arith.index_cast %add3A_63 : i32 to index
            %get3A_93 = arith.constant 80 : index
            %get3A_94 = tpu.vector_load %run_scoped3A_3[%get3A_92, %get3A_93] {strides = array<i32>} : memref<40x128xf32, #tpu.memory_space<vmem>>, vector<16xf32>,
            %swap3A_95 = arith.index_cast %add3A_63 : i32 to index
            %swap3A_96 = arith.constant 80 : index
            %swap3A_97 = tpu.vector_load %run_scoped3A[%swap3A_95, %swap3A_96] {strides = array<i32>} : memref<40x128xf32, #tpu.memory_space<vmem>>, vector<16xf32>,
            tpu.vector_store %run_scoped3A[%swap3A_95, %swap3A_96], %get3A_94 {add = true, strides = array<i32>} : memref<40x128xf32, #tpu.memory_space<vmem>>, vector<16xf32>,
            %get3A_98 = arith.index_cast %add3A_63 : i32 to index
            %get3A_99 = arith.constant 96 : index
            %get3A_100 = tpu.vector_load %run_scoped3A_3[%get3A_98, %get3A_99] {strides = array<i32>} : memref<40x128xf32, #tpu.memory_space<vmem>>, vector<16xf32>,
            %swap3A_101 = arith.index_cast %add3A_63 : i32 to index
            %swap3A_102 = arith.constant 96 : index
            %swap3A_103 = tpu.vector_load %run_scoped3A[%swap3A_101, %swap3A_102] {strides = array<i32>} : memref<40x128xf32, #tpu.memory_space<vmem>>, vector<16xf32>,
            tpu.vector_store %run_scoped3A[%swap3A_101, %swap3A_102], %get3A_100 {add = true, strides = array<i32>} : memref<40x128xf32, #tpu.memory_space<vmem>>, vector<16xf32>,
            %get3A_104 = arith.index_cast %add3A_63 : i32 to index
            %get3A_105 = arith.constant 112 : index
            %get3A_106 = tpu.vector_load %run_scoped3A_3[%get3A_104, %get3A_105] {strides = array<i32>} : memref<40x128xf32, #tpu.memory_space<vmem>>, vector<16xf32>,
            %swap3A_107 = arith.index_cast %add3A_63 : i32 to index
            %swap3A_108 = arith.constant 112 : index
            %swap3A_109 = tpu.vector_load %run_scoped3A[%swap3A_107, %swap3A_108] {strides = array<i32>} : memref<40x128xf32, #tpu.memory_space<vmem>>, vector<16xf32>,
            tpu.vector_store %run_scoped3A[%swap3A_107, %swap3A_108], %get3A_106 {add = true, strides = array<i32>} : memref<40x128xf32, #tpu.memory_space<vmem>>, vector<16xf32>,
          }
          %scan3A_55 = arith.constant 40 : i32
          %mul3A_56 = arith.constant 40 : i32
          %mul3A_57 = arith.muli %add3A_25, %mul3A_56 : i32
          %add3A_58 = arith.addi %mul3A_2, %mul3A_57 : i32
          "tpu.region"() ({
            %run_scoped3A_59 = tpu.sem_alloc : memref<!tpu.dma_semaphore, #tpu.memory_space<semaphore_mem>>
            %dma_start3A_60 = arith.constant 0 : i32
            %dma_start3A_61 = tpu.memref_slice %arg6[%add3A_58, %dma_start3A_60] : memref<160000x128xf32, #tpu.memory_space<hbm>> -> memref<40x128xf32, #tpu.memory_space<hbm>>
            %dma_start3A_62 = arith.constant 0 : i32
            %dma_start3A_63 = tpu.memref_slice %arg6[%add3A_58, %dma_start3A_62] : memref<160000x128xf32, #tpu.memory_space<hbm>> -> memref<40x128xf32, #tpu.memory_space<hbm>>
            tpu.enqueue_dma source(%run_scoped3A : memref<40x128xf32, #tpu.memory_space<vmem>>) target(%dma_start3A_63 : memref<40x128xf32, #tpu.memory_space<hbm>>) target_semaphore(%run_scoped3A_59 : memref<!tpu.dma_semaphore, #tpu.memory_space<semaphore_mem>>)
            %dma_wait3A_64 = arith.constant 0 : i32
            %dma_wait3A_65 = tpu.memref_slice %arg6[%add3A_58, %dma_wait3A_64] : memref<160000x128xf32, #tpu.memory_space<hbm>> -> memref<40x128xf32, #tpu.memory_space<hbm>>
            %dma_wait3A_66 = arith.constant 0 : i32
            %dma_wait3A_67 = tpu.memref_slice %arg6[%add3A_58, %dma_wait3A_66] : memref<160000x128xf32, #tpu.memory_space<hbm>> -> memref<40x128xf32, #tpu.memory_space<hbm>>
            tpu.wait_dma2 semaphore(%run_scoped3A_59 : memref<!tpu.dma_semaphore, #tpu.memory_space<semaphore_mem>>) src(%run_scoped3A : memref<40x128xf32, #tpu.memory_space<vmem>>) dst(%dma_wait3A_67 : memref<40x128xf32, #tpu.memory_space<hbm>>)
            tpu.yield
          }) : () -> ()
        } else {
        }
        %add3A_28 = arith.constant 1 : i32
        %add3A_29 = arith.addi %add3A_23, %add3A_28 : i32
        %lt3A_30 = arith.constant 125 : i32
        %lt3A_31 = arith.cmpi slt, %add3A_29, %lt3A_30 : i32
        %convert_element_type3A_32 = arith.extui %lt3A_31 : i1 to i32
        %cond3A_33 = arith.constant 0 : i32
        %cond3A_34 = arith.cmpi ne, %convert_element_type3A_32, %cond3A_33 : i32
        scf.if %cond3A_34 {
          %add3A_35 = arith.constant 1 : i32
          %add3A_36 = arith.addi %add3A_29, %add3A_35 : i32
          %lt3A_37 = arith.constant 125 : i32
          %lt3A_38 = arith.cmpi slt, %add3A_36, %lt3A_37 : i32
          %convert_element_type3A_39 = arith.extui %lt3A_38 : i1 to i32
          %cond3A_40 = arith.constant 0 : i32
          %cond3A_41 = arith.cmpi ne, %convert_element_type3A_39, %cond3A_40 : i32
          scf.if %cond3A_41 {
            %add3A_59 = arith.constant 1 : i32
            %add3A_60 = arith.addi %add3A_29, %add3A_59 : i32
            %mul3A_61 = arith.constant 40 : i32
            %mul3A_62 = arith.muli %add3A_60, %mul3A_61 : i32
            %dma_start3A_63 = tpu.memref_slice %arg7[%mul3A_62] : memref<5000xi32, #tpu.memory_space<vmem>> -> memref<40xi32, #tpu.memory_space<vmem>>
            %dma_start3A_64 = arith.constant 0 : i32
            %dma_start3A_65 = arith.constant 0 : i32
            %dma_start3A_66 = tpu.memref_slice %arg2[%dma_start3A_64, %dma_start3A_65] : memref<10000x128xf32, #tpu.memory_space<hbm>> -> memref<10000x128xf32, #tpu.memory_space<hbm>>
            tpu.enqueue_indirect_dma source(%dma_start3A_66 : memref<10000x128xf32, #tpu.memory_space<hbm>>) target(%run_scoped3A : memref<40x128xf32, #tpu.memory_space<vmem>>) offsets(%dma_start3A_63 : memref<40xi32, #tpu.memory_space<vmem>>) semaphore(%arg9 : memref<!tpu.dma_semaphore, #tpu.memory_space<semaphore_mem>>)
            %dma_start3A_67 = tpu.memref_slice %arg8[%mul3A_62] : memref<5000xi32, #tpu.memory_space<vmem>> -> memref<40xi32, #tpu.memory_space<vmem>>
            %dma_start3A_68 = arith.constant 0 : i32
            %dma_start3A_69 = arith.constant 0 : i32
            %dma_start3A_70 = tpu.memref_slice %arg3[%dma_start3A_68, %dma_start3A_69] : memref<10000x128xf32, #tpu.memory_space<hbm>> -> memref<10000x128xf32, #tpu.memory_space<hbm>>
            tpu.enqueue_indirect_dma source(%dma_start3A_70 : memref<10000x128xf32, #tpu.memory_space<hbm>>) target(%run_scoped3A_3 : memref<40x128xf32, #tpu.memory_space<vmem>>) offsets(%dma_start3A_67 : memref<40xi32, #tpu.memory_space<vmem>>) semaphore(%arg9 : memref<!tpu.dma_semaphore, #tpu.memory_space<semaphore_mem>>)
          } else {
          }
          %mul3A_42 = arith.constant 40 : i32
          %mul3A_43 = arith.muli %add3A_29, %mul3A_42 : i32
          %dma_wait3A = tpu.memref_slice %arg7[%mul3A_43] : memref<5000xi32, #tpu.memory_space<vmem>> -> memref<40xi32, #tpu.memory_space<vmem>>
          %dma_wait3A_44 = arith.constant 0 : i32
          %dma_wait3A_45 = arith.constant 0 : i32
          %dma_wait3A_46 = tpu.memref_slice %arg2[%dma_wait3A_44, %dma_wait3A_45] : memref<10000x128xf32, #tpu.memory_space<hbm>> -> memref<10000x128xf32, #tpu.memory_space<hbm>>
          tpu.wait_indirect_dma semaphore(%arg10 : memref<!tpu.dma_semaphore, #tpu.memory_space<semaphore_mem>>) src(%dma_wait3A_46 : memref<10000x128xf32, #tpu.memory_space<hbm>>) dst(%run_scoped3A_4 : memref<40x128xf32, #tpu.memory_space<vmem>>)
          %dma_wait3A_47 = tpu.memref_slice %arg8[%mul3A_43] : memref<5000xi32, #tpu.memory_space<vmem>> -> memref<40xi32, #tpu.memory_space<vmem>>
          %dma_wait3A_48 = arith.constant 0 : i32
          %dma_wait3A_49 = arith.constant 0 : i32
          %dma_wait3A_50 = tpu.memref_slice %arg3[%dma_wait3A_48, %dma_wait3A_49] : memref<10000x128xf32, #tpu.memory_space<hbm>> -> memref<10000x128xf32, #tpu.memory_space<hbm>>
          tpu.wait_indirect_dma semaphore(%arg10 : memref<!tpu.dma_semaphore, #tpu.memory_space<semaphore_mem>>) src(%dma_wait3A_50 : memref<10000x128xf32, #tpu.memory_space<hbm>>) dst(%run_scoped3A_5 : memref<40x128xf32, #tpu.memory_space<vmem>>)
          %scan3A_51 = arith.constant 0 : i32
          %scan3A_52 = arith.constant 40 : i32
          %scan3A_53 = arith.addi %scan3A_51, %scan3A_52 : i32
          %scan3A_54 = arith.constant 1 : i32
          scf.for %scan3A_59 = %scan3A_51 to %scan3A_53 step %scan3A_54  : i32 {
            %mul3A_60 = arith.constant 1 : i32
            %mul3A_61 = arith.muli %scan3A_59, %mul3A_60 : i32
            %add3A_62 = arith.constant 0 : i32
            %add3A_63 = arith.addi %add3A_62, %mul3A_61 : i32
            %get3A = arith.index_cast %add3A_63 : i32 to index
            %get3A_64 = arith.constant 0 : index
            %get3A_65 = tpu.vector_load %run_scoped3A_5[%get3A, %get3A_64] {strides = array<i32>} : memref<40x128xf32, #tpu.memory_space<vmem>>, vector<16xf32>,
            %swap3A = arith.index_cast %add3A_63 : i32 to index
            %swap3A_66 = arith.constant 0 : index
            %swap3A_67 = tpu.vector_load %run_scoped3A_4[%swap3A, %swap3A_66] {strides = array<i32>} : memref<40x128xf32, #tpu.memory_space<vmem>>, vector<16xf32>,
            tpu.vector_store %run_scoped3A_4[%swap3A, %swap3A_66], %get3A_65 {add = true, strides = array<i32>} : memref<40x128xf32, #tpu.memory_space<vmem>>, vector<16xf32>,
            %get3A_68 = arith.index_cast %add3A_63 : i32 to index
            %get3A_69 = arith.constant 16 : index
            %get3A_70 = tpu.vector_load %run_scoped3A_5[%get3A_68, %get3A_69] {strides = array<i32>} : memref<40x128xf32, #tpu.memory_space<vmem>>, vector<16xf32>,
            %swap3A_71 = arith.index_cast %add3A_63 : i32 to index
            %swap3A_72 = arith.constant 16 : index
            %swap3A_73 = tpu.vector_load %run_scoped3A_4[%swap3A_71, %swap3A_72] {strides = array<i32>} : memref<40x128xf32, #tpu.memory_space<vmem>>, vector<16xf32>,
            tpu.vector_store %run_scoped3A_4[%swap3A_71, %swap3A_72], %get3A_70 {add = true, strides = array<i32>} : memref<40x128xf32, #tpu.memory_space<vmem>>, vector<16xf32>,
            %get3A_74 = arith.index_cast %add3A_63 : i32 to index
            %get3A_75 = arith.constant 32 : index
            %get3A_76 = tpu.vector_load %run_scoped3A_5[%get3A_74, %get3A_75] {strides = array<i32>} : memref<40x128xf32, #tpu.memory_space<vmem>>, vector<16xf32>,
            %swap3A_77 = arith.index_cast %add3A_63 : i32 to index
            %swap3A_78 = arith.constant 32 : index
            %swap3A_79 = tpu.vector_load %run_scoped3A_4[%swap3A_77, %swap3A_78] {strides = array<i32>} : memref<40x128xf32, #tpu.memory_space<vmem>>, vector<16xf32>,
            tpu.vector_store %run_scoped3A_4[%swap3A_77, %swap3A_78], %get3A_76 {add = true, strides = array<i32>} : memref<40x128xf32, #tpu.memory_space<vmem>>, vector<16xf32>,
            %get3A_80 = arith.index_cast %add3A_63 : i32 to index
            %get3A_81 = arith.constant 48 : index
            %get3A_82 = tpu.vector_load %run_scoped3A_5[%get3A_80, %get3A_81] {strides = array<i32>} : memref<40x128xf32, #tpu.memory_space<vmem>>, vector<16xf32>,
            %swap3A_83 = arith.index_cast %add3A_63 : i32 to index
            %swap3A_84 = arith.constant 48 : index
            %swap3A_85 = tpu.vector_load %run_scoped3A_4[%swap3A_83, %swap3A_84] {strides = array<i32>} : memref<40x128xf32, #tpu.memory_space<vmem>>, vector<16xf32>,
            tpu.vector_store %run_scoped3A_4[%swap3A_83, %swap3A_84], %get3A_82 {add = true, strides = array<i32>} : memref<40x128xf32, #tpu.memory_space<vmem>>, vector<16xf32>,
            %get3A_86 = arith.index_cast %add3A_63 : i32 to index
            %get3A_87 = arith.constant 64 : index
            %get3A_88 = tpu.vector_load %run_scoped3A_5[%get3A_86, %get3A_87] {strides = array<i32>} : memref<40x128xf32, #tpu.memory_space<vmem>>, vector<16xf32>,
            %swap3A_89 = arith.index_cast %add3A_63 : i32 to index
            %swap3A_90 = arith.constant 64 : index
            %swap3A_91 = tpu.vector_load %run_scoped3A_4[%swap3A_89, %swap3A_90] {strides = array<i32>} : memref<40x128xf32, #tpu.memory_space<vmem>>, vector<16xf32>,
            tpu.vector_store %run_scoped3A_4[%swap3A_89, %swap3A_90], %get3A_88 {add = true, strides = array<i32>} : memref<40x128xf32, #tpu.memory_space<vmem>>, vector<16xf32>,
            %get3A_92 = arith.index_cast %add3A_63 : i32 to index
            %get3A_93 = arith.constant 80 : index
            %get3A_94 = tpu.vector_load %run_scoped3A_5[%get3A_92, %get3A_93] {strides = array<i32>} : memref<40x128xf32, #tpu.memory_space<vmem>>, vector<16xf32>,
            %swap3A_95 = arith.index_cast %add3A_63 : i32 to index
            %swap3A_96 = arith.constant 80 : index
            %swap3A_97 = tpu.vector_load %run_scoped3A_4[%swap3A_95, %swap3A_96] {strides = array<i32>} : memref<40x128xf32, #tpu.memory_space<vmem>>, vector<16xf32>,
            tpu.vector_store %run_scoped3A_4[%swap3A_95, %swap3A_96], %get3A_94 {add = true, strides = array<i32>} : memref<40x128xf32, #tpu.memory_space<vmem>>, vector<16xf32>,
            %get3A_98 = arith.index_cast %add3A_63 : i32 to index
            %get3A_99 = arith.constant 96 : index
            %get3A_100 = tpu.vector_load %run_scoped3A_5[%get3A_98, %get3A_99] {strides = array<i32>} : memref<40x128xf32, #tpu.memory_space<vmem>>, vector<16xf32>,
            %swap3A_101 = arith.index_cast %add3A_63 : i32 to index
            %swap3A_102 = arith.constant 96 : index
            %swap3A_103 = tpu.vector_load %run_scoped3A_4[%swap3A_101, %swap3A_102] {strides = array<i32>} : memref<40x128xf32, #tpu.memory_space<vmem>>, vector<16xf32>,
            tpu.vector_store %run_scoped3A_4[%swap3A_101, %swap3A_102], %get3A_100 {add = true, strides = array<i32>} : memref<40x128xf32, #tpu.memory_space<vmem>>, vector<16xf32>,
            %get3A_104 = arith.index_cast %add3A_63 : i32 to index
            %get3A_105 = arith.constant 112 : index
            %get3A_106 = tpu.vector_load %run_scoped3A_5[%get3A_104, %get3A_105] {strides = array<i32>} : memref<40x128xf32, #tpu.memory_space<vmem>>, vector<16xf32>,
            %swap3A_107 = arith.index_cast %add3A_63 : i32 to index
            %swap3A_108 = arith.constant 112 : index
            %swap3A_109 = tpu.vector_load %run_scoped3A_4[%swap3A_107, %swap3A_108] {strides = array<i32>} : memref<40x128xf32, #tpu.memory_space<vmem>>, vector<16xf32>,
            tpu.vector_store %run_scoped3A_4[%swap3A_107, %swap3A_108], %get3A_106 {add = true, strides = array<i32>} : memref<40x128xf32, #tpu.memory_space<vmem>>, vector<16xf32>,
          }
          %scan3A_55 = arith.constant 40 : i32
          %mul3A_56 = arith.constant 40 : i32
          %mul3A_57 = arith.muli %add3A_29, %mul3A_56 : i32
          %add3A_58 = arith.addi %mul3A_2, %mul3A_57 : i32
          "tpu.region"() ({
            %run_scoped3A_59 = tpu.sem_alloc : memref<!tpu.dma_semaphore, #tpu.memory_space<semaphore_mem>>
            %dma_start3A_60 = arith.constant 0 : i32
            %dma_start3A_61 = tpu.memref_slice %arg6[%add3A_58, %dma_start3A_60] : memref<160000x128xf32, #tpu.memory_space<hbm>> -> memref<40x128xf32, #tpu.memory_space<hbm>>
            %dma_start3A_62 = arith.constant 0 : i32
            %dma_start3A_63 = tpu.memref_slice %arg6[%add3A_58, %dma_start3A_62] : memref<160000x128xf32, #tpu.memory_space<hbm>> -> memref<40x128xf32, #tpu.memory_space<hbm>>
            tpu.enqueue_dma source(%run_scoped3A_4 : memref<40x128xf32, #tpu.memory_space<vmem>>) target(%dma_start3A_63 : memref<40x128xf32, #tpu.memory_space<hbm>>) target_semaphore(%run_scoped3A_59 : memref<!tpu.dma_semaphore, #tpu.memory_space<semaphore_mem>>)
            %dma_wait3A_64 = arith.constant 0 : i32
            %dma_wait3A_65 = tpu.memref_slice %arg6[%add3A_58, %dma_wait3A_64] : memref<160000x128xf32, #tpu.memory_space<hbm>> -> memref<40x128xf32, #tpu.memory_space<hbm>>
            %dma_wait3A_66 = arith.constant 0 : i32
            %dma_wait3A_67 = tpu.memref_slice %arg6[%add3A_58, %dma_wait3A_66] : memref<160000x128xf32, #tpu.memory_space<hbm>> -> memref<40x128xf32, #tpu.memory_space<hbm>>
            tpu.wait_dma2 semaphore(%run_scoped3A_59 : memref<!tpu.dma_semaphore, #tpu.memory_space<semaphore_mem>>) src(%run_scoped3A_4 : memref<40x128xf32, #tpu.memory_space<vmem>>) dst(%dma_wait3A_67 : memref<40x128xf32, #tpu.memory_space<hbm>>)
            tpu.yield
          }) : () -> ()
        } else {
        }
      }
      %scan3A_18 = arith.constant 63 : i32
      tpu.yield
    }) : () -> ()
    return
  }
}

#map = affine_map<(d0, d1) -> (0, 0)>
#map1 = affine_map<(d0, d1) -> (0)>
#map2 = affine_map<(d0, d1) -> (0, 0, 0)>
module attributes {stable_mosaic.version = 14 : i64} {
  func.func @_sc_scatter(%arg0: i32, %arg1: i32, %arg2: memref<160000x128xf32, #tpu.memory_space<hbm>>, %arg3: memref<160000x128xf32, #tpu.memory_space<hbm>>, %arg4: memref<160000xi32, #tpu.memory_space<hbm>>, %arg5: memref<160000xi32, #tpu.memory_space<hbm>>, %arg6: memref<2x10240x128xf32, #tpu.memory_space<hbm>>, %arg7: memref<!tpu.dma_semaphore, #tpu.memory_space<semaphore_mem>>, %arg8: memref<!tpu.dma_semaphore, #tpu.memory_space<semaphore_mem>>, %arg9: memref<10240x128xf32, #tpu.memory_space<vmem_shared>>) attributes {dimension_semantics = [#tpu.dimension_semantics<core_parallel>, #tpu.dimension_semantics<subcore_parallel>], iteration_bounds = array<i64: 2, 16>, scalar_prefetch = 0 : i64, scratch_operands = 3 : i64, tpu.core_type = #tpu.core_type<sc_vector_subcore>, window_params = [{transform_indices = #map}, {transform_indices = #map}, {transform_indices = #map1}, {transform_indices = #map1}, {transform_indices = #map2}]} {
    %mul3A = arith.constant 2 : i32
    %mul3A_0 = arith.muli %arg1, %mul3A : i32
    %add3A = arith.addi %mul3A_0, %arg0 : i32
    %mul3A_1 = arith.constant 5000 : i32
    %mul3A_2 = arith.muli %add3A, %mul3A_1 : i32
    %mul3A_3 = arith.constant 640 : i32
    %mul3A_4 = arith.muli %arg1, %mul3A_3 : i32
    "tpu.region"() ({
      %run_scoped3A = memref.alloca() : memref<128x128xf32, #tpu.memory_space<vmem>>
      %scan3A_10 = arith.constant 0 : i32
      %scan3A_11 = arith.constant 128 : i32
      %scan3A_12 = arith.addi %scan3A_10, %scan3A_11 : i32
      %scan3A_13 = arith.constant 1 : i32
      scf.for %scan3A_25 = %scan3A_10 to %scan3A_12 step %scan3A_13  : i32 {
        %mul3A_26 = arith.constant 1 : i32
        %mul3A_27 = arith.muli %scan3A_25, %mul3A_26 : i32
        %add3A_28 = arith.constant 0 : i32
        %add3A_29 = arith.addi %add3A_28, %mul3A_27 : i32
        %broadcast_in_dim3A = arith.constant 0.000000e+00 : f32
        %broadcast_in_dim3A_30 = vector.broadcast %broadcast_in_dim3A : f32 to vector<16xf32>
        %swap3A = arith.index_cast %add3A_29 : i32 to index
        %swap3A_31 = arith.constant 0 : index
        %swap3A_32 = tpu.vector_load %run_scoped3A[%swap3A, %swap3A_31] {strides = array<i32>} : memref<128x128xf32, #tpu.memory_space<vmem>>, vector<16xf32>,
        tpu.vector_store %run_scoped3A[%swap3A, %swap3A_31], %broadcast_in_dim3A_30 {strides = array<i32>} : memref<128x128xf32, #tpu.memory_space<vmem>>, vector<16xf32>,
        %broadcast_in_dim3A_33 = arith.constant 0.000000e+00 : f32
        %broadcast_in_dim3A_34 = vector.broadcast %broadcast_in_dim3A_33 : f32 to vector<16xf32>
        %swap3A_35 = arith.index_cast %add3A_29 : i32 to index
        %swap3A_36 = arith.constant 16 : index
        %swap3A_37 = tpu.vector_load %run_scoped3A[%swap3A_35, %swap3A_36] {strides = array<i32>} : memref<128x128xf32, #tpu.memory_space<vmem>>, vector<16xf32>,
        tpu.vector_store %run_scoped3A[%swap3A_35, %swap3A_36], %broadcast_in_dim3A_34 {strides = array<i32>} : memref<128x128xf32, #tpu.memory_space<vmem>>, vector<16xf32>,
        %broadcast_in_dim3A_38 = arith.constant 0.000000e+00 : f32
        %broadcast_in_dim3A_39 = vector.broadcast %broadcast_in_dim3A_38 : f32 to vector<16xf32>
        %swap3A_40 = arith.index_cast %add3A_29 : i32 to index
        %swap3A_41 = arith.constant 32 : index
        %swap3A_42 = tpu.vector_load %run_scoped3A[%swap3A_40, %swap3A_41] {strides = array<i32>} : memref<128x128xf32, #tpu.memory_space<vmem>>, vector<16xf32>,
        tpu.vector_store %run_scoped3A[%swap3A_40, %swap3A_41], %broadcast_in_dim3A_39 {strides = array<i32>} : memref<128x128xf32, #tpu.memory_space<vmem>>, vector<16xf32>,
        %broadcast_in_dim3A_43 = arith.constant 0.000000e+00 : f32
        %broadcast_in_dim3A_44 = vector.broadcast %broadcast_in_dim3A_43 : f32 to vector<16xf32>
        %swap3A_45 = arith.index_cast %add3A_29 : i32 to index
        %swap3A_46 = arith.constant 48 : index
        %swap3A_47 = tpu.vector_load %run_scoped3A[%swap3A_45, %swap3A_46] {strides = array<i32>} : memref<128x128xf32, #tpu.memory_space<vmem>>, vector<16xf32>,
        tpu.vector_store %run_scoped3A[%swap3A_45, %swap3A_46], %broadcast_in_dim3A_44 {strides = array<i32>} : memref<128x128xf32, #tpu.memory_space<vmem>>, vector<16xf32>,
        %broadcast_in_dim3A_48 = arith.constant 0.000000e+00 : f32
        %broadcast_in_dim3A_49 = vector.broadcast %broadcast_in_dim3A_48 : f32 to vector<16xf32>
        %swap3A_50 = arith.index_cast %add3A_29 : i32 to index
        %swap3A_51 = arith.constant 64 : index
        %swap3A_52 = tpu.vector_load %run_scoped3A[%swap3A_50, %swap3A_51] {strides = array<i32>} : memref<128x128xf32, #tpu.memory_space<vmem>>, vector<16xf32>,
        tpu.vector_store %run_scoped3A[%swap3A_50, %swap3A_51], %broadcast_in_dim3A_49 {strides = array<i32>} : memref<128x128xf32, #tpu.memory_space<vmem>>, vector<16xf32>,
        %broadcast_in_dim3A_53 = arith.constant 0.000000e+00 : f32
        %broadcast_in_dim3A_54 = vector.broadcast %broadcast_in_dim3A_53 : f32 to vector<16xf32>
        %swap3A_55 = arith.index_cast %add3A_29 : i32 to index
        %swap3A_56 = arith.constant 80 : index
        %swap3A_57 = tpu.vector_load %run_scoped3A[%swap3A_55, %swap3A_56] {strides = array<i32>} : memref<128x128xf32, #tpu.memory_space<vmem>>, vector<16xf32>,
        tpu.vector_store %run_scoped3A[%swap3A_55, %swap3A_56], %broadcast_in_dim3A_54 {strides = array<i32>} : memref<128x128xf32, #tpu.memory_space<vmem>>, vector<16xf32>,
        %broadcast_in_dim3A_58 = arith.constant 0.000000e+00 : f32
        %broadcast_in_dim3A_59 = vector.broadcast %broadcast_in_dim3A_58 : f32 to vector<16xf32>
        %swap3A_60 = arith.index_cast %add3A_29 : i32 to index
        %swap3A_61 = arith.constant 96 : index
        %swap3A_62 = tpu.vector_load %run_scoped3A[%swap3A_60, %swap3A_61] {strides = array<i32>} : memref<128x128xf32, #tpu.memory_space<vmem>>, vector<16xf32>,
        tpu.vector_store %run_scoped3A[%swap3A_60, %swap3A_61], %broadcast_in_dim3A_59 {strides = array<i32>} : memref<128x128xf32, #tpu.memory_space<vmem>>, vector<16xf32>,
        %broadcast_in_dim3A_63 = arith.constant 0.000000e+00 : f32
        %broadcast_in_dim3A_64 = vector.broadcast %broadcast_in_dim3A_63 : f32 to vector<16xf32>
        %swap3A_65 = arith.index_cast %add3A_29 : i32 to index
        %swap3A_66 = arith.constant 112 : index
        %swap3A_67 = tpu.vector_load %run_scoped3A[%swap3A_65, %swap3A_66] {strides = array<i32>} : memref<128x128xf32, #tpu.memory_space<vmem>>, vector<16xf32>,
        tpu.vector_store %run_scoped3A[%swap3A_65, %swap3A_66], %broadcast_in_dim3A_64 {strides = array<i32>} : memref<128x128xf32, #tpu.memory_space<vmem>>, vector<16xf32>,
      }
      %scan3A_14 = arith.constant 128 : i32
      %add3A_15 = arith.constant 0 : i32
      %add3A_16 = arith.addi %mul3A_4, %add3A_15 : i32
      "tpu.region"() ({
        %run_scoped3A_25 = tpu.sem_alloc : memref<!tpu.dma_semaphore, #tpu.memory_space<semaphore_mem>>
        %dma_start3A = arith.constant 0 : i32
        %dma_start3A_26 = tpu.memref_slice %arg9[%add3A_16, %dma_start3A] : memref<10240x128xf32, #tpu.memory_space<vmem_shared>> -> memref<128x128xf32, #tpu.memory_space<vmem_shared>>
        %dma_start3A_27 = arith.constant 0 : i32
        %dma_start3A_28 = tpu.memref_slice %arg9[%add3A_16, %dma_start3A_27] : memref<10240x128xf32, #tpu.memory_space<vmem_shared>> -> memref<128x128xf32, #tpu.memory_space<vmem_shared>>
        tpu.enqueue_dma source(%run_scoped3A : memref<128x128xf32, #tpu.memory_space<vmem>>) target(%dma_start3A_28 : memref<128x128xf32, #tpu.memory_space<vmem_shared>>) target_semaphore(%run_scoped3A_25 : memref<!tpu.dma_semaphore, #tpu.memory_space<semaphore_mem>>)
        %dma_wait3A = arith.constant 0 : i32
        %dma_wait3A_29 = tpu.memref_slice %arg9[%add3A_16, %dma_wait3A] : memref<10240x128xf32, #tpu.memory_space<vmem_shared>> -> memref<128x128xf32, #tpu.memory_space<vmem_shared>>
        %dma_wait3A_30 = arith.constant 0 : i32
        %dma_wait3A_31 = tpu.memref_slice %arg9[%add3A_16, %dma_wait3A_30] : memref<10240x128xf32, #tpu.memory_space<vmem_shared>> -> memref<128x128xf32, #tpu.memory_space<vmem_shared>>
        tpu.wait_dma2 semaphore(%run_scoped3A_25 : memref<!tpu.dma_semaphore, #tpu.memory_space<semaphore_mem>>) src(%run_scoped3A : memref<128x128xf32, #tpu.memory_space<vmem>>) dst(%dma_wait3A_31 : memref<128x128xf32, #tpu.memory_space<vmem_shared>>)
        tpu.yield
      }) : () -> ()
      %add3A_17 = arith.constant 128 : i32
      %add3A_18 = arith.addi %mul3A_4, %add3A_17 : i32
      "tpu.region"() ({
        %run_scoped3A_25 = tpu.sem_alloc : memref<!tpu.dma_semaphore, #tpu.memory_space<semaphore_mem>>
        %dma_start3A = arith.constant 0 : i32
        %dma_start3A_26 = tpu.memref_slice %arg9[%add3A_18, %dma_start3A] : memref<10240x128xf32, #tpu.memory_space<vmem_shared>> -> memref<128x128xf32, #tpu.memory_space<vmem_shared>>
        %dma_start3A_27 = arith.constant 0 : i32
        %dma_start3A_28 = tpu.memref_slice %arg9[%add3A_18, %dma_start3A_27] : memref<10240x128xf32, #tpu.memory_space<vmem_shared>> -> memref<128x128xf32, #tpu.memory_space<vmem_shared>>
        tpu.enqueue_dma source(%run_scoped3A : memref<128x128xf32, #tpu.memory_space<vmem>>) target(%dma_start3A_28 : memref<128x128xf32, #tpu.memory_space<vmem_shared>>) target_semaphore(%run_scoped3A_25 : memref<!tpu.dma_semaphore, #tpu.memory_space<semaphore_mem>>)
        %dma_wait3A = arith.constant 0 : i32
        %dma_wait3A_29 = tpu.memref_slice %arg9[%add3A_18, %dma_wait3A] : memref<10240x128xf32, #tpu.memory_space<vmem_shared>> -> memref<128x128xf32, #tpu.memory_space<vmem_shared>>
        %dma_wait3A_30 = arith.constant 0 : i32
        %dma_wait3A_31 = tpu.memref_slice %arg9[%add3A_18, %dma_wait3A_30] : memref<10240x128xf32, #tpu.memory_space<vmem_shared>> -> memref<128x128xf32, #tpu.memory_space<vmem_shared>>
        tpu.wait_dma2 semaphore(%run_scoped3A_25 : memref<!tpu.dma_semaphore, #tpu.memory_space<semaphore_mem>>) src(%run_scoped3A : memref<128x128xf32, #tpu.memory_space<vmem>>) dst(%dma_wait3A_31 : memref<128x128xf32, #tpu.memory_space<vmem_shared>>)
        tpu.yield
      }) : () -> ()
      %add3A_19 = arith.constant 256 : i32
      %add3A_20 = arith.addi %mul3A_4, %add3A_19 : i32
      "tpu.region"() ({
        %run_scoped3A_25 = tpu.sem_alloc : memref<!tpu.dma_semaphore, #tpu.memory_space<semaphore_mem>>
        %dma_start3A = arith.constant 0 : i32
        %dma_start3A_26 = tpu.memref_slice %arg9[%add3A_20, %dma_start3A] : memref<10240x128xf32, #tpu.memory_space<vmem_shared>> -> memref<128x128xf32, #tpu.memory_space<vmem_shared>>
        %dma_start3A_27 = arith.constant 0 : i32
        %dma_start3A_28 = tpu.memref_slice %arg9[%add3A_20, %dma_start3A_27] : memref<10240x128xf32, #tpu.memory_space<vmem_shared>> -> memref<128x128xf32, #tpu.memory_space<vmem_shared>>
        tpu.enqueue_dma source(%run_scoped3A : memref<128x128xf32, #tpu.memory_space<vmem>>) target(%dma_start3A_28 : memref<128x128xf32, #tpu.memory_space<vmem_shared>>) target_semaphore(%run_scoped3A_25 : memref<!tpu.dma_semaphore, #tpu.memory_space<semaphore_mem>>)
        %dma_wait3A = arith.constant 0 : i32
        %dma_wait3A_29 = tpu.memref_slice %arg9[%add3A_20, %dma_wait3A] : memref<10240x128xf32, #tpu.memory_space<vmem_shared>> -> memref<128x128xf32, #tpu.memory_space<vmem_shared>>
        %dma_wait3A_30 = arith.constant 0 : i32
        %dma_wait3A_31 = tpu.memref_slice %arg9[%add3A_20, %dma_wait3A_30] : memref<10240x128xf32, #tpu.memory_space<vmem_shared>> -> memref<128x128xf32, #tpu.memory_space<vmem_shared>>
        tpu.wait_dma2 semaphore(%run_scoped3A_25 : memref<!tpu.dma_semaphore, #tpu.memory_space<semaphore_mem>>) src(%run_scoped3A : memref<128x128xf32, #tpu.memory_space<vmem>>) dst(%dma_wait3A_31 : memref<128x128xf32, #tpu.memory_space<vmem_shared>>)
        tpu.yield
      }) : () -> ()
      %add3A_21 = arith.constant 384 : i32
      %add3A_22 = arith.addi %mul3A_4, %add3A_21 : i32
      "tpu.region"() ({
        %run_scoped3A_25 = tpu.sem_alloc : memref<!tpu.dma_semaphore, #tpu.memory_space<semaphore_mem>>
        %dma_start3A = arith.constant 0 : i32
        %dma_start3A_26 = tpu.memref_slice %arg9[%add3A_22, %dma_start3A] : memref<10240x128xf32, #tpu.memory_space<vmem_shared>> -> memref<128x128xf32, #tpu.memory_space<vmem_shared>>
        %dma_start3A_27 = arith.constant 0 : i32
        %dma_start3A_28 = tpu.memref_slice %arg9[%add3A_22, %dma_start3A_27] : memref<10240x128xf32, #tpu.memory_space<vmem_shared>> -> memref<128x128xf32, #tpu.memory_space<vmem_shared>>
        tpu.enqueue_dma source(%run_scoped3A : memref<128x128xf32, #tpu.memory_space<vmem>>) target(%dma_start3A_28 : memref<128x128xf32, #tpu.memory_space<vmem_shared>>) target_semaphore(%run_scoped3A_25 : memref<!tpu.dma_semaphore, #tpu.memory_space<semaphore_mem>>)
        %dma_wait3A = arith.constant 0 : i32
        %dma_wait3A_29 = tpu.memref_slice %arg9[%add3A_22, %dma_wait3A] : memref<10240x128xf32, #tpu.memory_space<vmem_shared>> -> memref<128x128xf32, #tpu.memory_space<vmem_shared>>
        %dma_wait3A_30 = arith.constant 0 : i32
        %dma_wait3A_31 = tpu.memref_slice %arg9[%add3A_22, %dma_wait3A_30] : memref<10240x128xf32, #tpu.memory_space<vmem_shared>> -> memref<128x128xf32, #tpu.memory_space<vmem_shared>>
        tpu.wait_dma2 semaphore(%run_scoped3A_25 : memref<!tpu.dma_semaphore, #tpu.memory_space<semaphore_mem>>) src(%run_scoped3A : memref<128x128xf32, #tpu.memory_space<vmem>>) dst(%dma_wait3A_31 : memref<128x128xf32, #tpu.memory_space<vmem_shared>>)
        tpu.yield
      }) : () -> ()
      %add3A_23 = arith.constant 512 : i32
      %add3A_24 = arith.addi %mul3A_4, %add3A_23 : i32
      "tpu.region"() ({
        %run_scoped3A_25 = tpu.sem_alloc : memref<!tpu.dma_semaphore, #tpu.memory_space<semaphore_mem>>
        %dma_start3A = arith.constant 0 : i32
        %dma_start3A_26 = tpu.memref_slice %arg9[%add3A_24, %dma_start3A] : memref<10240x128xf32, #tpu.memory_space<vmem_shared>> -> memref<128x128xf32, #tpu.memory_space<vmem_shared>>
        %dma_start3A_27 = arith.constant 0 : i32
        %dma_start3A_28 = tpu.memref_slice %arg9[%add3A_24, %dma_start3A_27] : memref<10240x128xf32, #tpu.memory_space<vmem_shared>> -> memref<128x128xf32, #tpu.memory_space<vmem_shared>>
        tpu.enqueue_dma source(%run_scoped3A : memref<128x128xf32, #tpu.memory_space<vmem>>) target(%dma_start3A_28 : memref<128x128xf32, #tpu.memory_space<vmem_shared>>) target_semaphore(%run_scoped3A_25 : memref<!tpu.dma_semaphore, #tpu.memory_space<semaphore_mem>>)
        %dma_wait3A = arith.constant 0 : i32
        %dma_wait3A_29 = tpu.memref_slice %arg9[%add3A_24, %dma_wait3A] : memref<10240x128xf32, #tpu.memory_space<vmem_shared>> -> memref<128x128xf32, #tpu.memory_space<vmem_shared>>
        %dma_wait3A_30 = arith.constant 0 : i32
        %dma_wait3A_31 = tpu.memref_slice %arg9[%add3A_24, %dma_wait3A_30] : memref<10240x128xf32, #tpu.memory_space<vmem_shared>> -> memref<128x128xf32, #tpu.memory_space<vmem_shared>>
        tpu.wait_dma2 semaphore(%run_scoped3A_25 : memref<!tpu.dma_semaphore, #tpu.memory_space<semaphore_mem>>) src(%run_scoped3A : memref<128x128xf32, #tpu.memory_space<vmem>>) dst(%dma_wait3A_31 : memref<128x128xf32, #tpu.memory_space<vmem_shared>>)
        tpu.yield
      }) : () -> ()
      tpu.yield
    }) : () -> ()
    %barrier3A = arith.constant 0 : index
    tpu.barrier barrier_id(%barrier3A)
    "tpu.region"() ({
      %run_scoped3A = memref.alloca() : memref<40xi32, #tpu.memory_space<vmem>>
      %run_scoped3A_10 = memref.alloca() : memref<40x128xf32, #tpu.memory_space<vmem>>
      %run_scoped3A_11 = memref.alloca() : memref<40xi32, #tpu.memory_space<vmem>>
      %run_scoped3A_12 = memref.alloca() : memref<40x128xf32, #tpu.memory_space<vmem>>
      %add3A_13 = arith.constant 0 : i32
      %add3A_14 = arith.addi %mul3A_2, %add3A_13 : i32
      %dma_start3A = tpu.memref_slice %arg4[%add3A_14] : memref<160000xi32, #tpu.memory_space<hbm>> -> memref<40xi32, #tpu.memory_space<hbm>>
      %dma_start3A_15 = tpu.memref_slice %arg4[%add3A_14] : memref<160000xi32, #tpu.memory_space<hbm>> -> memref<40xi32, #tpu.memory_space<hbm>>
      tpu.enqueue_dma source(%dma_start3A_15 : memref<40xi32, #tpu.memory_space<hbm>>) target(%run_scoped3A : memref<40xi32, #tpu.memory_space<vmem>>) target_semaphore(%arg7 : memref<!tpu.dma_semaphore, #tpu.memory_space<semaphore_mem>>)
      %dma_start3A_16 = arith.constant 0 : i32
      %dma_start3A_17 = tpu.memref_slice %arg2[%add3A_14, %dma_start3A_16] : memref<160000x128xf32, #tpu.memory_space<hbm>> -> memref<40x128xf32, #tpu.memory_space<hbm>>
      %dma_start3A_18 = arith.constant 0 : i32
      %dma_start3A_19 = tpu.memref_slice %arg2[%add3A_14, %dma_start3A_18] : memref<160000x128xf32, #tpu.memory_space<hbm>> -> memref<40x128xf32, #tpu.memory_space<hbm>>
      tpu.enqueue_dma source(%dma_start3A_19 : memref<40x128xf32, #tpu.memory_space<hbm>>) target(%run_scoped3A_10 : memref<40x128xf32, #tpu.memory_space<vmem>>) target_semaphore(%arg7 : memref<!tpu.dma_semaphore, #tpu.memory_space<semaphore_mem>>)
      %scan3A_20 = arith.constant 0 : i32
      %scan3A_21 = arith.constant 63 : i32
      %scan3A_22 = arith.addi %scan3A_20, %scan3A_21 : i32
      %scan3A_23 = arith.constant 1 : i32
      scf.for %scan3A_38 = %scan3A_20 to %scan3A_22 step %scan3A_23  : i32 {
        %mul3A_39 = arith.constant 2 : i32
        %mul3A_40 = arith.muli %scan3A_38, %mul3A_39 : i32
        %add3A_41 = arith.constant 0 : i32
        %add3A_42 = arith.addi %add3A_41, %mul3A_40 : i32
        %add3A_43 = arith.constant 0 : i32
        %add3A_44 = arith.addi %add3A_42, %add3A_43 : i32
        %lt3A = arith.constant 125 : i32
        %lt3A_45 = arith.cmpi slt, %add3A_44, %lt3A : i32
        %convert_element_type3A = arith.extui %lt3A_45 : i1 to i32
        %cond3A = arith.constant 0 : i32
        %cond3A_46 = arith.cmpi ne, %convert_element_type3A, %cond3A : i32
        scf.if %cond3A_46 {
          %add3A_54 = arith.constant 1 : i32
          %add3A_55 = arith.addi %add3A_44, %add3A_54 : i32
          %lt3A_56 = arith.constant 125 : i32
          %lt3A_57 = arith.cmpi slt, %add3A_55, %lt3A_56 : i32
          %convert_element_type3A_58 = arith.extui %lt3A_57 : i1 to i32
          %cond3A_59 = arith.constant 0 : i32
          %cond3A_60 = arith.cmpi ne, %convert_element_type3A_58, %cond3A_59 : i32
          scf.if %cond3A_60 {
            %add3A_69 = arith.constant 1 : i32
            %add3A_70 = arith.addi %add3A_44, %add3A_69 : i32
            %mul3A_71 = arith.constant 40 : i32
            %mul3A_72 = arith.muli %add3A_70, %mul3A_71 : i32
            %add3A_73 = arith.addi %mul3A_2, %mul3A_72 : i32
            %dma_start3A_74 = tpu.memref_slice %arg4[%add3A_73] : memref<160000xi32, #tpu.memory_space<hbm>> -> memref<40xi32, #tpu.memory_space<hbm>>
            %dma_start3A_75 = tpu.memref_slice %arg4[%add3A_73] : memref<160000xi32, #tpu.memory_space<hbm>> -> memref<40xi32, #tpu.memory_space<hbm>>
            tpu.enqueue_dma source(%dma_start3A_75 : memref<40xi32, #tpu.memory_space<hbm>>) target(%run_scoped3A_11 : memref<40xi32, #tpu.memory_space<vmem>>) target_semaphore(%arg8 : memref<!tpu.dma_semaphore, #tpu.memory_space<semaphore_mem>>)
            %dma_start3A_76 = arith.constant 0 : i32
            %dma_start3A_77 = tpu.memref_slice %arg2[%add3A_73, %dma_start3A_76] : memref<160000x128xf32, #tpu.memory_space<hbm>> -> memref<40x128xf32, #tpu.memory_space<hbm>>
            %dma_start3A_78 = arith.constant 0 : i32
            %dma_start3A_79 = tpu.memref_slice %arg2[%add3A_73, %dma_start3A_78] : memref<160000x128xf32, #tpu.memory_space<hbm>> -> memref<40x128xf32, #tpu.memory_space<hbm>>
            tpu.enqueue_dma source(%dma_start3A_79 : memref<40x128xf32, #tpu.memory_space<hbm>>) target(%run_scoped3A_12 : memref<40x128xf32, #tpu.memory_space<vmem>>) target_semaphore(%arg8 : memref<!tpu.dma_semaphore, #tpu.memory_space<semaphore_mem>>)
          } else {
          }
          %mul3A_61 = arith.constant 40 : i32
          %mul3A_62 = arith.muli %add3A_44, %mul3A_61 : i32
          %add3A_63 = arith.addi %mul3A_2, %mul3A_62 : i32
          %dma_wait3A = tpu.memref_slice %arg4[%add3A_63] : memref<160000xi32, #tpu.memory_space<hbm>> -> memref<40xi32, #tpu.memory_space<hbm>>
          %dma_wait3A_64 = tpu.memref_slice %arg4[%add3A_63] : memref<160000xi32, #tpu.memory_space<hbm>> -> memref<40xi32, #tpu.memory_space<hbm>>
          tpu.wait_dma2 semaphore(%arg7 : memref<!tpu.dma_semaphore, #tpu.memory_space<semaphore_mem>>) src(%dma_wait3A_64 : memref<40xi32, #tpu.memory_space<hbm>>) dst(%run_scoped3A : memref<40xi32, #tpu.memory_space<vmem>>)
          %dma_wait3A_65 = arith.constant 0 : i32
          %dma_wait3A_66 = tpu.memref_slice %arg2[%add3A_63, %dma_wait3A_65] : memref<160000x128xf32, #tpu.memory_space<hbm>> -> memref<40x128xf32, #tpu.memory_space<hbm>>
          %dma_wait3A_67 = arith.constant 0 : i32
          %dma_wait3A_68 = tpu.memref_slice %arg2[%add3A_63, %dma_wait3A_67] : memref<160000x128xf32, #tpu.memory_space<hbm>> -> memref<40x128xf32, #tpu.memory_space<hbm>>
          tpu.wait_dma2 semaphore(%arg7 : memref<!tpu.dma_semaphore, #tpu.memory_space<semaphore_mem>>) src(%dma_wait3A_68 : memref<40x128xf32, #tpu.memory_space<hbm>>) dst(%run_scoped3A_10 : memref<40x128xf32, #tpu.memory_space<vmem>>)
          "tpu.region"() ({
            %run_scoped3A_69 = tpu.sem_alloc : memref<!tpu.dma_semaphore, #tpu.memory_space<semaphore_mem>>
            %dma_start3A_70 = arith.constant 0 : i32
            %dma_start3A_71 = arith.constant 0 : i32
            %dma_start3A_72 = tpu.memref_slice %arg9[%dma_start3A_70, %dma_start3A_71] : memref<10240x128xf32, #tpu.memory_space<vmem_shared>> -> memref<10240x128xf32, #tpu.memory_space<vmem_shared>>
            tpu.enqueue_indirect_dma source(%run_scoped3A_10 : memref<40x128xf32, #tpu.memory_space<vmem>>) target(%dma_start3A_72 : memref<10240x128xf32, #tpu.memory_space<vmem_shared>>) offsets(%run_scoped3A : memref<40xi32, #tpu.memory_space<vmem>>) semaphore(%run_scoped3A_69 : memref<!tpu.dma_semaphore, #tpu.memory_space<semaphore_mem>>) {add = true}
            %dma_wait3A_73 = arith.constant 0 : i32
            %dma_wait3A_74 = arith.constant 0 : i32
            %dma_wait3A_75 = tpu.memref_slice %arg9[%dma_wait3A_73, %dma_wait3A_74] : memref<10240x128xf32, #tpu.memory_space<vmem_shared>> -> memref<10240x128xf32, #tpu.memory_space<vmem_shared>>
            tpu.wait_indirect_dma semaphore(%run_scoped3A_69 : memref<!tpu.dma_semaphore, #tpu.memory_space<semaphore_mem>>) src(%run_scoped3A_10 : memref<40x128xf32, #tpu.memory_space<vmem>>) dst(%dma_wait3A_75 : memref<10240x128xf32, #tpu.memory_space<vmem_shared>>)
            tpu.yield
          }) : () -> ()
        } else {
        }
        %add3A_47 = arith.constant 1 : i32
        %add3A_48 = arith.addi %add3A_42, %add3A_47 : i32
        %lt3A_49 = arith.constant 125 : i32
        %lt3A_50 = arith.cmpi slt, %add3A_48, %lt3A_49 : i32
        %convert_element_type3A_51 = arith.extui %lt3A_50 : i1 to i32
        %cond3A_52 = arith.constant 0 : i32
        %cond3A_53 = arith.cmpi ne, %convert_element_type3A_51, %cond3A_52 : i32
        scf.if %cond3A_53 {
          %add3A_54 = arith.constant 1 : i32
          %add3A_55 = arith.addi %add3A_48, %add3A_54 : i32
          %lt3A_56 = arith.constant 125 : i32
          %lt3A_57 = arith.cmpi slt, %add3A_55, %lt3A_56 : i32
          %convert_element_type3A_58 = arith.extui %lt3A_57 : i1 to i32
          %cond3A_59 = arith.constant 0 : i32
          %cond3A_60 = arith.cmpi ne, %convert_element_type3A_58, %cond3A_59 : i32
          scf.if %cond3A_60 {
            %add3A_69 = arith.constant 1 : i32
            %add3A_70 = arith.addi %add3A_48, %add3A_69 : i32
            %mul3A_71 = arith.constant 40 : i32
            %mul3A_72 = arith.muli %add3A_70, %mul3A_71 : i32
            %add3A_73 = arith.addi %mul3A_2, %mul3A_72 : i32
            %dma_start3A_74 = tpu.memref_slice %arg4[%add3A_73] : memref<160000xi32, #tpu.memory_space<hbm>> -> memref<40xi32, #tpu.memory_space<hbm>>
            %dma_start3A_75 = tpu.memref_slice %arg4[%add3A_73] : memref<160000xi32, #tpu.memory_space<hbm>> -> memref<40xi32, #tpu.memory_space<hbm>>
            tpu.enqueue_dma source(%dma_start3A_75 : memref<40xi32, #tpu.memory_space<hbm>>) target(%run_scoped3A : memref<40xi32, #tpu.memory_space<vmem>>) target_semaphore(%arg7 : memref<!tpu.dma_semaphore, #tpu.memory_space<semaphore_mem>>)
            %dma_start3A_76 = arith.constant 0 : i32
            %dma_start3A_77 = tpu.memref_slice %arg2[%add3A_73, %dma_start3A_76] : memref<160000x128xf32, #tpu.memory_space<hbm>> -> memref<40x128xf32, #tpu.memory_space<hbm>>
            %dma_start3A_78 = arith.constant 0 : i32
            %dma_start3A_79 = tpu.memref_slice %arg2[%add3A_73, %dma_start3A_78] : memref<160000x128xf32, #tpu.memory_space<hbm>> -> memref<40x128xf32, #tpu.memory_space<hbm>>
            tpu.enqueue_dma source(%dma_start3A_79 : memref<40x128xf32, #tpu.memory_space<hbm>>) target(%run_scoped3A_10 : memref<40x128xf32, #tpu.memory_space<vmem>>) target_semaphore(%arg7 : memref<!tpu.dma_semaphore, #tpu.memory_space<semaphore_mem>>)
          } else {
          }
          %mul3A_61 = arith.constant 40 : i32
          %mul3A_62 = arith.muli %add3A_48, %mul3A_61 : i32
          %add3A_63 = arith.addi %mul3A_2, %mul3A_62 : i32
          %dma_wait3A = tpu.memref_slice %arg4[%add3A_63] : memref<160000xi32, #tpu.memory_space<hbm>> -> memref<40xi32, #tpu.memory_space<hbm>>
          %dma_wait3A_64 = tpu.memref_slice %arg4[%add3A_63] : memref<160000xi32, #tpu.memory_space<hbm>> -> memref<40xi32, #tpu.memory_space<hbm>>
          tpu.wait_dma2 semaphore(%arg8 : memref<!tpu.dma_semaphore, #tpu.memory_space<semaphore_mem>>) src(%dma_wait3A_64 : memref<40xi32, #tpu.memory_space<hbm>>) dst(%run_scoped3A_11 : memref<40xi32, #tpu.memory_space<vmem>>)
          %dma_wait3A_65 = arith.constant 0 : i32
          %dma_wait3A_66 = tpu.memref_slice %arg2[%add3A_63, %dma_wait3A_65] : memref<160000x128xf32, #tpu.memory_space<hbm>> -> memref<40x128xf32, #tpu.memory_space<hbm>>
          %dma_wait3A_67 = arith.constant 0 : i32
          %dma_wait3A_68 = tpu.memref_slice %arg2[%add3A_63, %dma_wait3A_67] : memref<160000x128xf32, #tpu.memory_space<hbm>> -> memref<40x128xf32, #tpu.memory_space<hbm>>
          tpu.wait_dma2 semaphore(%arg8 : memref<!tpu.dma_semaphore, #tpu.memory_space<semaphore_mem>>) src(%dma_wait3A_68 : memref<40x128xf32, #tpu.memory_space<hbm>>) dst(%run_scoped3A_12 : memref<40x128xf32, #tpu.memory_space<vmem>>)
          "tpu.region"() ({
            %run_scoped3A_69 = tpu.sem_alloc : memref<!tpu.dma_semaphore, #tpu.memory_space<semaphore_mem>>
            %dma_start3A_70 = arith.constant 0 : i32
            %dma_start3A_71 = arith.constant 0 : i32
            %dma_start3A_72 = tpu.memref_slice %arg9[%dma_start3A_70, %dma_start3A_71] : memref<10240x128xf32, #tpu.memory_space<vmem_shared>> -> memref<10240x128xf32, #tpu.memory_space<vmem_shared>>
            tpu.enqueue_indirect_dma source(%run_scoped3A_12 : memref<40x128xf32, #tpu.memory_space<vmem>>) target(%dma_start3A_72 : memref<10240x128xf32, #tpu.memory_space<vmem_shared>>) offsets(%run_scoped3A_11 : memref<40xi32, #tpu.memory_space<vmem>>) semaphore(%run_scoped3A_69 : memref<!tpu.dma_semaphore, #tpu.memory_space<semaphore_mem>>) {add = true}
            %dma_wait3A_73 = arith.constant 0 : i32
            %dma_wait3A_74 = arith.constant 0 : i32
            %dma_wait3A_75 = tpu.memref_slice %arg9[%dma_wait3A_73, %dma_wait3A_74] : memref<10240x128xf32, #tpu.memory_space<vmem_shared>> -> memref<10240x128xf32, #tpu.memory_space<vmem_shared>>
            tpu.wait_indirect_dma semaphore(%run_scoped3A_69 : memref<!tpu.dma_semaphore, #tpu.memory_space<semaphore_mem>>) src(%run_scoped3A_12 : memref<40x128xf32, #tpu.memory_space<vmem>>) dst(%dma_wait3A_75 : memref<10240x128xf32, #tpu.memory_space<vmem_shared>>)
            tpu.yield
          }) : () -> ()
        } else {
        }
      }
      %scan3A_24 = arith.constant 63 : i32
      %add3A_25 = arith.constant 0 : i32
      %add3A_26 = arith.addi %mul3A_2, %add3A_25 : i32
      %dma_start3A_27 = tpu.memref_slice %arg5[%add3A_26] : memref<160000xi32, #tpu.memory_space<hbm>> -> memref<40xi32, #tpu.memory_space<hbm>>
      %dma_start3A_28 = tpu.memref_slice %arg5[%add3A_26] : memref<160000xi32, #tpu.memory_space<hbm>> -> memref<40xi32, #tpu.memory_space<hbm>>
      tpu.enqueue_dma source(%dma_start3A_28 : memref<40xi32, #tpu.memory_space<hbm>>) target(%run_scoped3A : memref<40xi32, #tpu.memory_space<vmem>>) target_semaphore(%arg7 : memref<!tpu.dma_semaphore, #tpu.memory_space<semaphore_mem>>)
      %dma_start3A_29 = arith.constant 0 : i32
      %dma_start3A_30 = tpu.memref_slice %arg3[%add3A_26, %dma_start3A_29] : memref<160000x128xf32, #tpu.memory_space<hbm>> -> memref<40x128xf32, #tpu.memory_space<hbm>>
      %dma_start3A_31 = arith.constant 0 : i32
      %dma_start3A_32 = tpu.memref_slice %arg3[%add3A_26, %dma_start3A_31] : memref<160000x128xf32, #tpu.memory_space<hbm>> -> memref<40x128xf32, #tpu.memory_space<hbm>>
      tpu.enqueue_dma source(%dma_start3A_32 : memref<40x128xf32, #tpu.memory_space<hbm>>) target(%run_scoped3A_10 : memref<40x128xf32, #tpu.memory_space<vmem>>) target_semaphore(%arg7 : memref<!tpu.dma_semaphore, #tpu.memory_space<semaphore_mem>>)
      %scan3A_33 = arith.constant 0 : i32
      %scan3A_34 = arith.constant 63 : i32
      %scan3A_35 = arith.addi %scan3A_33, %scan3A_34 : i32
      %scan3A_36 = arith.constant 1 : i32
      scf.for %scan3A_38 = %scan3A_33 to %scan3A_35 step %scan3A_36  : i32 {
        %mul3A_39 = arith.constant 2 : i32
        %mul3A_40 = arith.muli %scan3A_38, %mul3A_39 : i32
        %add3A_41 = arith.constant 0 : i32
        %add3A_42 = arith.addi %add3A_41, %mul3A_40 : i32
        %add3A_43 = arith.constant 0 : i32
        %add3A_44 = arith.addi %add3A_42, %add3A_43 : i32
        %lt3A = arith.constant 125 : i32
        %lt3A_45 = arith.cmpi slt, %add3A_44, %lt3A : i32
        %convert_element_type3A = arith.extui %lt3A_45 : i1 to i32
        %cond3A = arith.constant 0 : i32
        %cond3A_46 = arith.cmpi ne, %convert_element_type3A, %cond3A : i32
        scf.if %cond3A_46 {
          %add3A_54 = arith.constant 1 : i32
          %add3A_55 = arith.addi %add3A_44, %add3A_54 : i32
          %lt3A_56 = arith.constant 125 : i32
          %lt3A_57 = arith.cmpi slt, %add3A_55, %lt3A_56 : i32
          %convert_element_type3A_58 = arith.extui %lt3A_57 : i1 to i32
          %cond3A_59 = arith.constant 0 : i32
          %cond3A_60 = arith.cmpi ne, %convert_element_type3A_58, %cond3A_59 : i32
          scf.if %cond3A_60 {
            %add3A_69 = arith.constant 1 : i32
            %add3A_70 = arith.addi %add3A_44, %add3A_69 : i32
            %mul3A_71 = arith.constant 40 : i32
            %mul3A_72 = arith.muli %add3A_70, %mul3A_71 : i32
            %add3A_73 = arith.addi %mul3A_2, %mul3A_72 : i32
            %dma_start3A_74 = tpu.memref_slice %arg5[%add3A_73] : memref<160000xi32, #tpu.memory_space<hbm>> -> memref<40xi32, #tpu.memory_space<hbm>>
            %dma_start3A_75 = tpu.memref_slice %arg5[%add3A_73] : memref<160000xi32, #tpu.memory_space<hbm>> -> memref<40xi32, #tpu.memory_space<hbm>>
            tpu.enqueue_dma source(%dma_start3A_75 : memref<40xi32, #tpu.memory_space<hbm>>) target(%run_scoped3A_11 : memref<40xi32, #tpu.memory_space<vmem>>) target_semaphore(%arg8 : memref<!tpu.dma_semaphore, #tpu.memory_space<semaphore_mem>>)
            %dma_start3A_76 = arith.constant 0 : i32
            %dma_start3A_77 = tpu.memref_slice %arg3[%add3A_73, %dma_start3A_76] : memref<160000x128xf32, #tpu.memory_space<hbm>> -> memref<40x128xf32, #tpu.memory_space<hbm>>
            %dma_start3A_78 = arith.constant 0 : i32
            %dma_start3A_79 = tpu.memref_slice %arg3[%add3A_73, %dma_start3A_78] : memref<160000x128xf32, #tpu.memory_space<hbm>> -> memref<40x128xf32, #tpu.memory_space<hbm>>
            tpu.enqueue_dma source(%dma_start3A_79 : memref<40x128xf32, #tpu.memory_space<hbm>>) target(%run_scoped3A_12 : memref<40x128xf32, #tpu.memory_space<vmem>>) target_semaphore(%arg8 : memref<!tpu.dma_semaphore, #tpu.memory_space<semaphore_mem>>)
          } else {
          }
          %mul3A_61 = arith.constant 40 : i32
          %mul3A_62 = arith.muli %add3A_44, %mul3A_61 : i32
          %add3A_63 = arith.addi %mul3A_2, %mul3A_62 : i32
          %dma_wait3A = tpu.memref_slice %arg5[%add3A_63] : memref<160000xi32, #tpu.memory_space<hbm>> -> memref<40xi32, #tpu.memory_space<hbm>>
          %dma_wait3A_64 = tpu.memref_slice %arg5[%add3A_63] : memref<160000xi32, #tpu.memory_space<hbm>> -> memref<40xi32, #tpu.memory_space<hbm>>
          tpu.wait_dma2 semaphore(%arg7 : memref<!tpu.dma_semaphore, #tpu.memory_space<semaphore_mem>>) src(%dma_wait3A_64 : memref<40xi32, #tpu.memory_space<hbm>>) dst(%run_scoped3A : memref<40xi32, #tpu.memory_space<vmem>>)
          %dma_wait3A_65 = arith.constant 0 : i32
          %dma_wait3A_66 = tpu.memref_slice %arg3[%add3A_63, %dma_wait3A_65] : memref<160000x128xf32, #tpu.memory_space<hbm>> -> memref<40x128xf32, #tpu.memory_space<hbm>>
          %dma_wait3A_67 = arith.constant 0 : i32
          %dma_wait3A_68 = tpu.memref_slice %arg3[%add3A_63, %dma_wait3A_67] : memref<160000x128xf32, #tpu.memory_space<hbm>> -> memref<40x128xf32, #tpu.memory_space<hbm>>
          tpu.wait_dma2 semaphore(%arg7 : memref<!tpu.dma_semaphore, #tpu.memory_space<semaphore_mem>>) src(%dma_wait3A_68 : memref<40x128xf32, #tpu.memory_space<hbm>>) dst(%run_scoped3A_10 : memref<40x128xf32, #tpu.memory_space<vmem>>)
          "tpu.region"() ({
            %run_scoped3A_69 = tpu.sem_alloc : memref<!tpu.dma_semaphore, #tpu.memory_space<semaphore_mem>>
            %dma_start3A_70 = arith.constant 0 : i32
            %dma_start3A_71 = arith.constant 0 : i32
            %dma_start3A_72 = tpu.memref_slice %arg9[%dma_start3A_70, %dma_start3A_71] : memref<10240x128xf32, #tpu.memory_space<vmem_shared>> -> memref<10240x128xf32, #tpu.memory_space<vmem_shared>>
            tpu.enqueue_indirect_dma source(%run_scoped3A_10 : memref<40x128xf32, #tpu.memory_space<vmem>>) target(%dma_start3A_72 : memref<10240x128xf32, #tpu.memory_space<vmem_shared>>) offsets(%run_scoped3A : memref<40xi32, #tpu.memory_space<vmem>>) semaphore(%run_scoped3A_69 : memref<!tpu.dma_semaphore, #tpu.memory_space<semaphore_mem>>) {add = true}
            %dma_wait3A_73 = arith.constant 0 : i32
            %dma_wait3A_74 = arith.constant 0 : i32
            %dma_wait3A_75 = tpu.memref_slice %arg9[%dma_wait3A_73, %dma_wait3A_74] : memref<10240x128xf32, #tpu.memory_space<vmem_shared>> -> memref<10240x128xf32, #tpu.memory_space<vmem_shared>>
            tpu.wait_indirect_dma semaphore(%run_scoped3A_69 : memref<!tpu.dma_semaphore, #tpu.memory_space<semaphore_mem>>) src(%run_scoped3A_10 : memref<40x128xf32, #tpu.memory_space<vmem>>) dst(%dma_wait3A_75 : memref<10240x128xf32, #tpu.memory_space<vmem_shared>>)
            tpu.yield
          }) : () -> ()
        } else {
        }
        %add3A_47 = arith.constant 1 : i32
        %add3A_48 = arith.addi %add3A_42, %add3A_47 : i32
        %lt3A_49 = arith.constant 125 : i32
        %lt3A_50 = arith.cmpi slt, %add3A_48, %lt3A_49 : i32
        %convert_element_type3A_51 = arith.extui %lt3A_50 : i1 to i32
        %cond3A_52 = arith.constant 0 : i32
        %cond3A_53 = arith.cmpi ne, %convert_element_type3A_51, %cond3A_52 : i32
        scf.if %cond3A_53 {
          %add3A_54 = arith.constant 1 : i32
          %add3A_55 = arith.addi %add3A_48, %add3A_54 : i32
          %lt3A_56 = arith.constant 125 : i32
          %lt3A_57 = arith.cmpi slt, %add3A_55, %lt3A_56 : i32
          %convert_element_type3A_58 = arith.extui %lt3A_57 : i1 to i32
          %cond3A_59 = arith.constant 0 : i32
          %cond3A_60 = arith.cmpi ne, %convert_element_type3A_58, %cond3A_59 : i32
          scf.if %cond3A_60 {
            %add3A_69 = arith.constant 1 : i32
            %add3A_70 = arith.addi %add3A_48, %add3A_69 : i32
            %mul3A_71 = arith.constant 40 : i32
            %mul3A_72 = arith.muli %add3A_70, %mul3A_71 : i32
            %add3A_73 = arith.addi %mul3A_2, %mul3A_72 : i32
            %dma_start3A_74 = tpu.memref_slice %arg5[%add3A_73] : memref<160000xi32, #tpu.memory_space<hbm>> -> memref<40xi32, #tpu.memory_space<hbm>>
            %dma_start3A_75 = tpu.memref_slice %arg5[%add3A_73] : memref<160000xi32, #tpu.memory_space<hbm>> -> memref<40xi32, #tpu.memory_space<hbm>>
            tpu.enqueue_dma source(%dma_start3A_75 : memref<40xi32, #tpu.memory_space<hbm>>) target(%run_scoped3A : memref<40xi32, #tpu.memory_space<vmem>>) target_semaphore(%arg7 : memref<!tpu.dma_semaphore, #tpu.memory_space<semaphore_mem>>)
            %dma_start3A_76 = arith.constant 0 : i32
            %dma_start3A_77 = tpu.memref_slice %arg3[%add3A_73, %dma_start3A_76] : memref<160000x128xf32, #tpu.memory_space<hbm>> -> memref<40x128xf32, #tpu.memory_space<hbm>>
            %dma_start3A_78 = arith.constant 0 : i32
            %dma_start3A_79 = tpu.memref_slice %arg3[%add3A_73, %dma_start3A_78] : memref<160000x128xf32, #tpu.memory_space<hbm>> -> memref<40x128xf32, #tpu.memory_space<hbm>>
            tpu.enqueue_dma source(%dma_start3A_79 : memref<40x128xf32, #tpu.memory_space<hbm>>) target(%run_scoped3A_10 : memref<40x128xf32, #tpu.memory_space<vmem>>) target_semaphore(%arg7 : memref<!tpu.dma_semaphore, #tpu.memory_space<semaphore_mem>>)
          } else {
          }
          %mul3A_61 = arith.constant 40 : i32
          %mul3A_62 = arith.muli %add3A_48, %mul3A_61 : i32
          %add3A_63 = arith.addi %mul3A_2, %mul3A_62 : i32
          %dma_wait3A = tpu.memref_slice %arg5[%add3A_63] : memref<160000xi32, #tpu.memory_space<hbm>> -> memref<40xi32, #tpu.memory_space<hbm>>
          %dma_wait3A_64 = tpu.memref_slice %arg5[%add3A_63] : memref<160000xi32, #tpu.memory_space<hbm>> -> memref<40xi32, #tpu.memory_space<hbm>>
          tpu.wait_dma2 semaphore(%arg8 : memref<!tpu.dma_semaphore, #tpu.memory_space<semaphore_mem>>) src(%dma_wait3A_64 : memref<40xi32, #tpu.memory_space<hbm>>) dst(%run_scoped3A_11 : memref<40xi32, #tpu.memory_space<vmem>>)
          %dma_wait3A_65 = arith.constant 0 : i32
          %dma_wait3A_66 = tpu.memref_slice %arg3[%add3A_63, %dma_wait3A_65] : memref<160000x128xf32, #tpu.memory_space<hbm>> -> memref<40x128xf32, #tpu.memory_space<hbm>>
          %dma_wait3A_67 = arith.constant 0 : i32
          %dma_wait3A_68 = tpu.memref_slice %arg3[%add3A_63, %dma_wait3A_67] : memref<160000x128xf32, #tpu.memory_space<hbm>> -> memref<40x128xf32, #tpu.memory_space<hbm>>
          tpu.wait_dma2 semaphore(%arg8 : memref<!tpu.dma_semaphore, #tpu.memory_space<semaphore_mem>>) src(%dma_wait3A_68 : memref<40x128xf32, #tpu.memory_space<hbm>>) dst(%run_scoped3A_12 : memref<40x128xf32, #tpu.memory_space<vmem>>)
          "tpu.region"() ({
            %run_scoped3A_69 = tpu.sem_alloc : memref<!tpu.dma_semaphore, #tpu.memory_space<semaphore_mem>>
            %dma_start3A_70 = arith.constant 0 : i32
            %dma_start3A_71 = arith.constant 0 : i32
            %dma_start3A_72 = tpu.memref_slice %arg9[%dma_start3A_70, %dma_start3A_71] : memref<10240x128xf32, #tpu.memory_space<vmem_shared>> -> memref<10240x128xf32, #tpu.memory_space<vmem_shared>>
            tpu.enqueue_indirect_dma source(%run_scoped3A_12 : memref<40x128xf32, #tpu.memory_space<vmem>>) target(%dma_start3A_72 : memref<10240x128xf32, #tpu.memory_space<vmem_shared>>) offsets(%run_scoped3A_11 : memref<40xi32, #tpu.memory_space<vmem>>) semaphore(%run_scoped3A_69 : memref<!tpu.dma_semaphore, #tpu.memory_space<semaphore_mem>>) {add = true}
            %dma_wait3A_73 = arith.constant 0 : i32
            %dma_wait3A_74 = arith.constant 0 : i32
            %dma_wait3A_75 = tpu.memref_slice %arg9[%dma_wait3A_73, %dma_wait3A_74] : memref<10240x128xf32, #tpu.memory_space<vmem_shared>> -> memref<10240x128xf32, #tpu.memory_space<vmem_shared>>
            tpu.wait_indirect_dma semaphore(%run_scoped3A_69 : memref<!tpu.dma_semaphore, #tpu.memory_space<semaphore_mem>>) src(%run_scoped3A_12 : memref<40x128xf32, #tpu.memory_space<vmem>>) dst(%dma_wait3A_75 : memref<10240x128xf32, #tpu.memory_space<vmem_shared>>)
            tpu.yield
          }) : () -> ()
        } else {
        }
      }
      %scan3A_37 = arith.constant 63 : i32
      tpu.yield
    }) : () -> ()
    %barrier3A_5 = arith.constant 0 : index
    tpu.barrier barrier_id(%barrier3A_5)
    %scan3A = arith.constant 0 : i32
    %scan3A_6 = arith.constant 5 : i32
    %scan3A_7 = arith.addi %scan3A, %scan3A_6 : i32
    %scan3A_8 = arith.constant 1 : i32
    scf.for %scan3A_10 = %scan3A to %scan3A_7 step %scan3A_8  : i32 {
      %mul3A_11 = arith.constant 1 : i32
      %mul3A_12 = arith.muli %scan3A_10, %mul3A_11 : i32
      %add3A_13 = arith.constant 0 : i32
      %add3A_14 = arith.addi %add3A_13, %mul3A_12 : i32
      %mul3A_15 = arith.constant 128 : i32
      %mul3A_16 = arith.muli %add3A_14, %mul3A_15 : i32
      %add3A_17 = arith.addi %mul3A_4, %mul3A_16 : i32
      "tpu.region"() ({
        %run_scoped3A = tpu.sem_alloc : memref<!tpu.dma_semaphore, #tpu.memory_space<semaphore_mem>>
        %dma_start3A = arith.constant 0 : i32
        %dma_start3A_18 = tpu.memref_slice %arg6[%arg0, %add3A_17, %dma_start3A] : memref<2x10240x128xf32, #tpu.memory_space<hbm>> -> memref<1x128x128xf32, #tpu.memory_space<hbm>>
        %dma_start3A_19 = tpu.memref_squeeze %dma_start3A_18 : memref<1x128x128xf32, #tpu.memory_space<hbm>> -> memref<128x128xf32, #tpu.memory_space<hbm>>
        %dma_start3A_20 = arith.constant 0 : i32
        %dma_start3A_21 = tpu.memref_slice %arg9[%add3A_17, %dma_start3A_20] : memref<10240x128xf32, #tpu.memory_space<vmem_shared>> -> memref<128x128xf32, #tpu.memory_space<vmem_shared>>
        tpu.enqueue_dma source(%dma_start3A_21 : memref<128x128xf32, #tpu.memory_space<vmem_shared>>) target(%dma_start3A_19 : memref<128x128xf32, #tpu.memory_space<hbm>>) target_semaphore(%run_scoped3A : memref<!tpu.dma_semaphore, #tpu.memory_space<semaphore_mem>>)
        %dma_wait3A = arith.constant 0 : i32
        %dma_wait3A_22 = tpu.memref_slice %arg6[%arg0, %add3A_17, %dma_wait3A] : memref<2x10240x128xf32, #tpu.memory_space<hbm>> -> memref<1x128x128xf32, #tpu.memory_space<hbm>>
        %dma_wait3A_23 = tpu.memref_squeeze %dma_wait3A_22 : memref<1x128x128xf32, #tpu.memory_space<hbm>> -> memref<128x128xf32, #tpu.memory_space<hbm>>
        %dma_wait3A_24 = arith.constant 0 : i32
        %dma_wait3A_25 = tpu.memref_slice %arg9[%add3A_17, %dma_wait3A_24] : memref<10240x128xf32, #tpu.memory_space<vmem_shared>> -> memref<128x128xf32, #tpu.memory_space<vmem_shared>>
        tpu.wait_dma2 semaphore(%run_scoped3A : memref<!tpu.dma_semaphore, #tpu.memory_space<semaphore_mem>>) src(%dma_wait3A_25 : memref<128x128xf32, #tpu.memory_space<vmem_shared>>) dst(%dma_wait3A_23 : memref<128x128xf32, #tpu.memory_space<hbm>>)
        tpu.yield
      }) : () -> ()
    }
    %scan3A_9 = arith.constant 5 : i32
    return
  }
}

module attributes {stable_mosaic.version = 14 : i64} {
  func.func @_proj_body(%arg0: i32, %arg1: memref<1000x128xf32, #tpu.memory_space<vmem>>, %arg2: memref<128x128xf32, #tpu.memory_space<vmem>>, %arg3: memref<128x128xf32, #tpu.memory_space<vmem>>, %arg4: memref<1000x128xf32, #tpu.memory_space<vmem>>, %arg5: memref<1000x128xf32, #tpu.memory_space<vmem>>) attributes {dimension_semantics = [#tpu.dimension_semantics<arbitrary>], iteration_bounds = array<i64: 10>, scalar_prefetch = 0 : i64, scratch_operands = 0 : i64, tpu.core_type = #tpu.core_type<tc>, window_params = [{transform_indices = @transform_0, window_bounds = array<i64: 1000, 128>}, {pipeline_mode = #tpu.pipeline_mode<synchronous>, transform_indices = @transform_1, window_bounds = array<i64: 128, 128>}, {pipeline_mode = #tpu.pipeline_mode<synchronous>, transform_indices = @transform_2, window_bounds = array<i64: 128, 128>}, {transform_indices = @transform_3, window_bounds = array<i64: 1000, 128>}, {transform_indices = @transform_4, window_bounds = array<i64: 1000, 128>}]} {
    %get3A = arith.constant 0 : index
    %get3A_0 = arith.constant 0 : index
    %get3A_1 = vector.load %arg1[%get3A, %get3A_0] : memref<1000x128xf32, #tpu.memory_space<vmem>>, vector<1000x128xf32>
    %get3A_2 = arith.constant 0 : index
    %get3A_3 = arith.constant 0 : index
    %get3A_4 = vector.load %arg2[%get3A_2, %get3A_3] : memref<128x128xf32, #tpu.memory_space<vmem>>, vector<128x128xf32>
    %dot_general3A = arith.constant dense<0.000000e+00> : vector<1000x128xf32>
    %dot_general3A_5 = tpu.matmul %get3A_1, %get3A_4, %dot_general3A {dimension_numbers = #tpu.dot_dimension_numbers<[1], [0], [0], [1], [0, 0, 1, 1], [], []>, transpose_lhs_hint = false} : vector<1000x128xf32>, vector<128x128xf32>, vector<1000x128xf32> -> vector<1000x128xf32>
    %swap3A = arith.constant 0 : index
    %swap3A_6 = arith.constant 0 : index
    %swap3A_7 = vector.load %arg4[%swap3A, %swap3A_6] : memref<1000x128xf32, #tpu.memory_space<vmem>>, vector<1000x128xf32>
    tpu.vector_store %arg4[%swap3A, %swap3A_6], %dot_general3A_5 {strides = array<i32>} : memref<1000x128xf32, #tpu.memory_space<vmem>>, vector<1000x128xf32>,
    %get3A_8 = arith.constant 0 : index
    %get3A_9 = arith.constant 0 : index
    %get3A_10 = vector.load %arg3[%get3A_8, %get3A_9] : memref<128x128xf32, #tpu.memory_space<vmem>>, vector<128x128xf32>
    %dot_general3A_11 = arith.constant dense<0.000000e+00> : vector<1000x128xf32>
    %dot_general3A_12 = tpu.matmul %get3A_1, %get3A_10, %dot_general3A_11 {dimension_numbers = #tpu.dot_dimension_numbers<[1], [0], [0], [1], [0, 0, 1, 1], [], []>, transpose_lhs_hint = false} : vector<1000x128xf32>, vector<128x128xf32>, vector<1000x128xf32> -> vector<1000x128xf32>
    %swap3A_13 = arith.constant 0 : index
    %swap3A_14 = arith.constant 0 : index
    %swap3A_15 = vector.load %arg5[%swap3A_13, %swap3A_14] : memref<1000x128xf32, #tpu.memory_space<vmem>>, vector<1000x128xf32>
    tpu.vector_store %arg5[%swap3A_13, %swap3A_14], %dot_general3A_12 {strides = array<i32>} : memref<1000x128xf32, #tpu.memory_space<vmem>>, vector<1000x128xf32>,
    return
  }
  func.func @transform_0(%arg0: i32) -> (i32, i32) {
    %c0_i32 = arith.constant 0 : i32
    %c0_i32_0 = arith.constant 0 : i32
    return %arg0, %c0_i32 : i32, i32
  }
  func.func @transform_1(%arg0: i32) -> (i32, i32) {
    %c0_i32 = arith.constant 0 : i32
    %c0_i32_0 = arith.constant 0 : i32
    %c0_i32_1 = arith.constant 0 : i32
    return %c0_i32, %c0_i32_0 : i32, i32
  }
  func.func @transform_2(%arg0: i32) -> (i32, i32) {
    %c0_i32 = arith.constant 0 : i32
    %c0_i32_0 = arith.constant 0 : i32
    %c0_i32_1 = arith.constant 0 : i32
    return %c0_i32, %c0_i32_0 : i32, i32
  }
  func.func @transform_3(%arg0: i32) -> (i32, i32) {
    %c0_i32 = arith.constant 0 : i32
    %c0_i32_0 = arith.constant 0 : i32
    return %arg0, %c0_i32 : i32, i32
  }
  func.func @transform_4(%arg0: i32) -> (i32, i32) {
    %c0_i32 = arith.constant 0 : i32
    %c0_i32_0 = arith.constant 0 : i32
    return %arg0, %c0_i32 : i32, i32
  }
}

module attributes {stable_mosaic.version = 14 : i64} {
  func.func @_edge_body(%arg0: i32, %arg1: memref<6400x128xf32, #tpu.memory_space<vmem>>, %arg2: memref<1x50x128xf32, #tpu.memory_space<vmem>>, %arg3: memref<6400x128xf32, #tpu.memory_space<vmem>>, %arg4: memref<128x128xf32, #tpu.memory_space<vmem>>, %arg5: memref<1x128xf32, #tpu.memory_space<vmem>>, %arg6: memref<128x128xf32, #tpu.memory_space<vmem>>, %arg7: memref<1x128xf32, #tpu.memory_space<vmem>>, %arg8: memref<128x1xf32, #tpu.memory_space<vmem>>, %arg9: memref<1x1xf32, #tpu.memory_space<vmem>>, %arg10: memref<6400x128xf32, #tpu.memory_space<vmem>>) attributes {dimension_semantics = [#tpu.dimension_semantics<arbitrary>], iteration_bounds = array<i64: 25>, scalar_prefetch = 0 : i64, scratch_operands = 0 : i64, tpu.core_type = #tpu.core_type<tc>, window_params = [{transform_indices = @transform_0, window_bounds = array<i64: 6400, 128>}, {transform_indices = @transform_1, window_bounds = array<i64: 1, 50, 128>}, {pipeline_mode = #tpu.pipeline_mode<synchronous>, transform_indices = @transform_2, window_bounds = array<i64: 6400, 128>}, {pipeline_mode = #tpu.pipeline_mode<synchronous>, transform_indices = @transform_3, window_bounds = array<i64: 128, 128>}, {pipeline_mode = #tpu.pipeline_mode<synchronous>, transform_indices = @transform_4, window_bounds = array<i64: 1, 128>}, {pipeline_mode = #tpu.pipeline_mode<synchronous>, transform_indices = @transform_5, window_bounds = array<i64: 128, 128>}, {pipeline_mode = #tpu.pipeline_mode<synchronous>, transform_indices = @transform_6, window_bounds = array<i64: 1, 128>}, {pipeline_mode = #tpu.pipeline_mode<synchronous>, transform_indices = @transform_7, window_bounds = array<i64: 128, 1>}, {pipeline_mode = #tpu.pipeline_mode<synchronous>, transform_indices = @transform_8, window_bounds = array<i64: 1, 1>}, {transform_indices = @transform_9, window_bounds = array<i64: 6400, 128>}]} {
    %get3A = arith.constant 0 : index
    %get3A_0 = arith.constant 0 : index
    %get3A_1 = arith.constant 0 : index
    %get3A_2 = vector.load %arg2[%get3A, %get3A_0, %get3A_1] : memref<1x50x128xf32, #tpu.memory_space<vmem>>, vector<1x50x128xf32>
    %get3A_3 = vector.shape_cast %get3A_2 : vector<1x50x128xf32> to vector<50x128xf32>
    %sqrt3A = math.sqrt %get3A_3 : vector<50x128xf32>
    %broadcast_in_dim3A = vector.shape_cast %sqrt3A : vector<50x128xf32> to vector<50x1x128xf32>
    %broadcast_in_dim3A_4 = vector.shape_cast %broadcast_in_dim3A : vector<50x1x128xf32> to vector<50x1x128xf32>
    %broadcast_in_dim3A_5 = vector.broadcast %broadcast_in_dim3A_4 : vector<50x1x128xf32> to vector<50x128x128xf32>
    %reshape3A = vector.shape_cast %broadcast_in_dim3A_5 : vector<50x128x128xf32> to vector<6400x128xf32>
    %get3A_6 = arith.constant 0 : index
    %get3A_7 = arith.constant 0 : index
    %get3A_8 = vector.load %arg3[%get3A_6, %get3A_7] : memref<6400x128xf32, #tpu.memory_space<vmem>>, vector<6400x128xf32>
    %mul3A = arith.mulf %reshape3A, %get3A_8 : vector<6400x128xf32>
    %get3A_9 = arith.constant 0 : index
    %get3A_10 = arith.constant 0 : index
    %get3A_11 = vector.load %arg1[%get3A_9, %get3A_10] : memref<6400x128xf32, #tpu.memory_space<vmem>>, vector<6400x128xf32>
    %get3A_12 = arith.constant 0 : index
    %get3A_13 = arith.constant 0 : index
    %get3A_14 = vector.load %arg4[%get3A_12, %get3A_13] : memref<128x128xf32, #tpu.memory_space<vmem>>, vector<128x128xf32>
    %dot_general3A = arith.constant dense<0.000000e+00> : vector<6400x128xf32>
    %dot_general3A_15 = tpu.matmul %mul3A, %get3A_14, %dot_general3A {dimension_numbers = #tpu.dot_dimension_numbers<[1], [0], [0], [1], [0, 0, 1, 1], [], []>, transpose_lhs_hint = false} : vector<6400x128xf32>, vector<128x128xf32>, vector<6400x128xf32> -> vector<6400x128xf32>
    %add3A = arith.addf %get3A_11, %dot_general3A_15 : vector<6400x128xf32>
    %get3A_16 = arith.constant 0 : index
    %get3A_17 = arith.constant 0 : index
    %get3A_18 = vector.load %arg5[%get3A_16, %get3A_17] : memref<1x128xf32, #tpu.memory_space<vmem>>, vector<1x128xf32>
    %add3A_19 = vector.broadcast %get3A_18 : vector<1x128xf32> to vector<6400x128xf32>
    %add3A_20 = arith.addf %add3A, %add3A_19 : vector<6400x128xf32>
    %tanh3A = math.tanh %add3A_20 : vector<6400x128xf32>
    %get3A_21 = arith.constant 0 : index
    %get3A_22 = arith.constant 0 : index
    %get3A_23 = vector.load %arg6[%get3A_21, %get3A_22] : memref<128x128xf32, #tpu.memory_space<vmem>>, vector<128x128xf32>
    %dot_general3A_24 = arith.constant dense<0.000000e+00> : vector<6400x128xf32>
    %dot_general3A_25 = tpu.matmul %tanh3A, %get3A_23, %dot_general3A_24 {dimension_numbers = #tpu.dot_dimension_numbers<[1], [0], [0], [1], [0, 0, 1, 1], [], []>, transpose_lhs_hint = false} : vector<6400x128xf32>, vector<128x128xf32>, vector<6400x128xf32> -> vector<6400x128xf32>
    %get3A_26 = arith.constant 0 : index
    %get3A_27 = arith.constant 0 : index
    %get3A_28 = vector.load %arg7[%get3A_26, %get3A_27] : memref<1x128xf32, #tpu.memory_space<vmem>>, vector<1x128xf32>
    %add3A_29 = vector.broadcast %get3A_28 : vector<1x128xf32> to vector<6400x128xf32>
    %add3A_30 = arith.addf %dot_general3A_25, %add3A_29 : vector<6400x128xf32>
    %tanh3A_31 = math.tanh %add3A_30 : vector<6400x128xf32>
    %get3A_32 = arith.constant 0 : index
    %get3A_33 = arith.constant 0 : index
    %get3A_34 = vector.load %arg8[%get3A_32, %get3A_33] : memref<128x1xf32, #tpu.memory_space<vmem>>, vector<128x1xf32>
    %dot_general3A_35 = arith.constant dense<0.000000e+00> : vector<6400x1xf32>
    %dot_general3A_36 = tpu.matmul %tanh3A_31, %get3A_34, %dot_general3A_35 {dimension_numbers = #tpu.dot_dimension_numbers<[1], [0], [0], [1], [0, 0, 1, 1], [], []>, transpose_lhs_hint = false} : vector<6400x128xf32>, vector<128x1xf32>, vector<6400x1xf32> -> vector<6400x1xf32>
    %get3A_37 = arith.constant 0 : index
    %get3A_38 = arith.constant 0 : index
    %get3A_39 = vector.load %arg9[%get3A_37, %get3A_38] : memref<1x1xf32, #tpu.memory_space<vmem>>, vector<1x1xf32>
    %add3A_40 = vector.broadcast %get3A_39 : vector<1x1xf32> to vector<6400x1xf32>
    %add3A_41 = arith.addf %dot_general3A_36, %add3A_40 : vector<6400x1xf32>
    %tanh3A_42 = math.tanh %add3A_41 : vector<6400x1xf32>
    %mul3A_43 = vector.broadcast %tanh3A_42 : vector<6400x1xf32> to vector<6400x128xf32>
    %mul3A_44 = arith.mulf %mul3A_43, %tanh3A_31 : vector<6400x128xf32>
    %swap3A = arith.constant 0 : index
    %swap3A_45 = arith.constant 0 : index
    %swap3A_46 = vector.load %arg10[%swap3A, %swap3A_45] : memref<6400x128xf32, #tpu.memory_space<vmem>>, vector<6400x128xf32>
    tpu.vector_store %arg10[%swap3A, %swap3A_45], %mul3A_44 {strides = array<i32>} : memref<6400x128xf32, #tpu.memory_space<vmem>>, vector<6400x128xf32>,
    return
  }
  func.func @transform_0(%arg0: i32) -> (i32, i32) {
    %c0_i32 = arith.constant 0 : i32
    %c0_i32_0 = arith.constant 0 : i32
    return %arg0, %c0_i32 : i32, i32
  }
  func.func @transform_1(%arg0: i32) -> (i32, i32, i32) {
    %c0_i32 = arith.constant 0 : i32
    %c0_i32_0 = arith.constant 0 : i32
    %c0_i32_1 = arith.constant 0 : i32
    return %arg0, %c0_i32, %c0_i32_0 : i32, i32, i32
  }
  func.func @transform_2(%arg0: i32) -> (i32, i32) {
    %c0_i32 = arith.constant 0 : i32
    %c0_i32_0 = arith.constant 0 : i32
    %c0_i32_1 = arith.constant 0 : i32
    return %c0_i32, %c0_i32_0 : i32, i32
  }
  func.func @transform_3(%arg0: i32) -> (i32, i32) {
    %c0_i32 = arith.constant 0 : i32
    %c0_i32_0 = arith.constant 0 : i32
    %c0_i32_1 = arith.constant 0 : i32
    return %c0_i32, %c0_i32_0 : i32, i32
  }
  func.func @transform_4(%arg0: i32) -> (i32, i32) {
    %c0_i32 = arith.constant 0 : i32
    %c0_i32_0 = arith.constant 0 : i32
    %c0_i32_1 = arith.constant 0 : i32
    return %c0_i32, %c0_i32_0 : i32, i32
  }
  func.func @transform_5(%arg0: i32) -> (i32, i32) {
    %c0_i32 = arith.constant 0 : i32
    %c0_i32_0 = arith.constant 0 : i32
    %c0_i32_1 = arith.constant 0 : i32
    return %c0_i32, %c0_i32_0 : i32, i32
  }
  func.func @transform_6(%arg0: i32) -> (i32, i32) {
    %c0_i32 = arith.constant 0 : i32
    %c0_i32_0 = arith.constant 0 : i32
    %c0_i32_1 = arith.constant 0 : i32
    return %c0_i32, %c0_i32_0 : i32, i32
  }
  func.func @transform_7(%arg0: i32) -> (i32, i32) {
    %c0_i32 = arith.constant 0 : i32
    %c0_i32_0 = arith.constant 0 : i32
    %c0_i32_1 = arith.constant 0 : i32
    return %c0_i32, %c0_i32_0 : i32, i32
  }
  func.func @transform_8(%arg0: i32) -> (i32, i32) {
    %c0_i32 = arith.constant 0 : i32
    %c0_i32_0 = arith.constant 0 : i32
    %c0_i32_1 = arith.constant 0 : i32
    return %c0_i32, %c0_i32_0 : i32, i32
  }
  func.func @transform_9(%arg0: i32) -> (i32, i32) {
    %c0_i32 = arith.constant 0 : i32
    %c0_i32_0 = arith.constant 0 : i32
    return %arg0, %c0_i32 : i32, i32
  }
}

module attributes {stable_mosaic.version = 14 : i64} {
  func.func @_head_body(%arg0: i32, %arg1: memref<1000x128xf32, #tpu.memory_space<vmem>>, %arg2: memref<1x1000x128xf32, #tpu.memory_space<vmem>>, %arg3: memref<1x1000x128xf32, #tpu.memory_space<vmem>>, %arg4: memref<128x128xf32, #tpu.memory_space<vmem>>, %arg5: memref<128x128xf32, #tpu.memory_space<vmem>>, %arg6: memref<1x128xf32, #tpu.memory_space<vmem>>, %arg7: memref<128x128xf32, #tpu.memory_space<vmem>>, %arg8: memref<1x128xf32, #tpu.memory_space<vmem>>, %arg9: memref<128x128xf32, #tpu.memory_space<vmem>>, %arg10: memref<1x128xf32, #tpu.memory_space<vmem>>, %arg11: memref<128x128xf32, #tpu.memory_space<vmem>>, %arg12: memref<1x128xf32, #tpu.memory_space<vmem>>, %arg13: memref<128x128xf32, #tpu.memory_space<vmem>>, %arg14: memref<1x128xf32, #tpu.memory_space<vmem>>, %arg15: memref<128x128xf32, #tpu.memory_space<vmem>>, %arg16: memref<1x128xf32, #tpu.memory_space<vmem>>, %arg17: memref<128x128xf32, #tpu.memory_space<vmem>>, %arg18: memref<1x128xf32, #tpu.memory_space<vmem>>, %arg19: memref<1000x128xf32, #tpu.memory_space<vmem>>) attributes {dimension_semantics = [#tpu.dimension_semantics<arbitrary>], iteration_bounds = array<i64: 10>, scalar_prefetch = 0 : i64, scratch_operands = 0 : i64, tpu.core_type = #tpu.core_type<tc>, window_params = [{transform_indices = @transform_0, window_bounds = array<i64: 1000, 128>}, {transform_indices = @transform_1, window_bounds = array<i64: 1, 1000, 128>}, {transform_indices = @transform_2, window_bounds = array<i64: 1, 1000, 128>}, {pipeline_mode = #tpu.pipeline_mode<synchronous>, transform_indices = @transform_3, window_bounds = array<i64: 128, 128>}, {pipeline_mode = #tpu.pipeline_mode<synchronous>, transform_indices = @transform_4, window_bounds = array<i64: 128, 128>}, {pipeline_mode = #tpu.pipeline_mode<synchronous>, transform_indices = @transform_5, window_bounds = array<i64: 1, 128>}, {pipeline_mode = #tpu.pipeline_mode<synchronous>, transform_indices = @transform_6, window_bounds = array<i64: 128, 128>}, {pipeline_mode = #tpu.pipeline_mode<synchronous>, transform_indices = @transform_7, window_bounds = array<i64: 1, 128>}, {pipeline_mode = #tpu.pipeline_mode<synchronous>, transform_indices = @transform_8, window_bounds = array<i64: 128, 128>}, {pipeline_mode = #tpu.pipeline_mode<synchronous>, transform_indices = @transform_9, window_bounds = array<i64: 1, 128>}, {pipeline_mode = #tpu.pipeline_mode<synchronous>, transform_indices = @transform_10, window_bounds = array<i64: 128, 128>}, {pipeline_mode = #tpu.pipeline_mode<synchronous>, transform_indices = @transform_11, window_bounds = array<i64: 1, 128>}, {pipeline_mode = #tpu.pipeline_mode<synchronous>, transform_indices = @transform_12, window_bounds = array<i64: 128, 128>}, {pipeline_mode = #tpu.pipeline_mode<synchronous>, transform_indices = @transform_13, window_bounds = array<i64: 1, 128>}, {pipeline_mode = #tpu.pipeline_mode<synchronous>, transform_indices = @transform_14, window_bounds = array<i64: 128, 128>}, {pipeline_mode = #tpu.pipeline_mode<synchronous>, transform_indices = @transform_15, window_bounds = array<i64: 1, 128>}, {pipeline_mode = #tpu.pipeline_mode<synchronous>, transform_indices = @transform_16, window_bounds = array<i64: 128, 128>}, {pipeline_mode = #tpu.pipeline_mode<synchronous>, transform_indices = @transform_17, window_bounds = array<i64: 1, 128>}, {transform_indices = @transform_18, window_bounds = array<i64: 1000, 128>}]} {
    %get3A = arith.constant 0 : index
    %get3A_0 = arith.constant 0 : index
    %get3A_1 = vector.load %arg1[%get3A, %get3A_0] : memref<1000x128xf32, #tpu.memory_space<vmem>>, vector<1000x128xf32>
    %get3A_2 = arith.constant 0 : index
    %get3A_3 = arith.constant 0 : index
    %get3A_4 = arith.constant 0 : index
    %get3A_5 = vector.load %arg2[%get3A_2, %get3A_3, %get3A_4] : memref<1x1000x128xf32, #tpu.memory_space<vmem>>, vector<1x1000x128xf32>
    %get3A_6 = vector.shape_cast %get3A_5 : vector<1x1000x128xf32> to vector<1000x128xf32>
    %get3A_7 = arith.constant 0 : index
    %get3A_8 = arith.constant 0 : index
    %get3A_9 = arith.constant 0 : index
    %get3A_10 = vector.load %arg3[%get3A_7, %get3A_8, %get3A_9] : memref<1x1000x128xf32, #tpu.memory_space<vmem>>, vector<1x1000x128xf32>
    %get3A_11 = vector.shape_cast %get3A_10 : vector<1x1000x128xf32> to vector<1000x128xf32>
    %add3A = arith.addf %get3A_6, %get3A_11 : vector<1000x128xf32>
    %get3A_12 = arith.constant 0 : index
    %get3A_13 = arith.constant 0 : index
    %get3A_14 = vector.load %arg4[%get3A_12, %get3A_13] : memref<128x128xf32, #tpu.memory_space<vmem>>, vector<128x128xf32>
    %dot_general3A = arith.constant dense<0.000000e+00> : vector<1000x128xf32>
    %dot_general3A_15 = tpu.matmul %get3A_1, %get3A_14, %dot_general3A {dimension_numbers = #tpu.dot_dimension_numbers<[1], [0], [0], [1], [0, 0, 1, 1], [], []>, transpose_lhs_hint = false} : vector<1000x128xf32>, vector<128x128xf32>, vector<1000x128xf32> -> vector<1000x128xf32>
    %get3A_16 = arith.constant 0 : index
    %get3A_17 = arith.constant 0 : index
    %get3A_18 = vector.load %arg5[%get3A_16, %get3A_17] : memref<128x128xf32, #tpu.memory_space<vmem>>, vector<128x128xf32>
    %dot_general3A_19 = arith.constant dense<0.000000e+00> : vector<1000x128xf32>
    %dot_general3A_20 = tpu.matmul %add3A, %get3A_18, %dot_general3A_19 {dimension_numbers = #tpu.dot_dimension_numbers<[1], [0], [0], [1], [0, 0, 1, 1], [], []>, transpose_lhs_hint = false} : vector<1000x128xf32>, vector<128x128xf32>, vector<1000x128xf32> -> vector<1000x128xf32>
    %add3A_21 = arith.addf %dot_general3A_15, %dot_general3A_20 : vector<1000x128xf32>
    %get3A_22 = arith.constant 0 : index
    %get3A_23 = arith.constant 0 : index
    %get3A_24 = vector.load %arg6[%get3A_22, %get3A_23] : memref<1x128xf32, #tpu.memory_space<vmem>>, vector<1x128xf32>
    %add3A_25 = vector.broadcast %get3A_24 : vector<1x128xf32> to vector<1000x128xf32>
    %add3A_26 = arith.addf %add3A_21, %add3A_25 : vector<1000x128xf32>
    %tanh3A = math.tanh %add3A_26 : vector<1000x128xf32>
    %get3A_27 = arith.constant 0 : index
    %get3A_28 = arith.constant 0 : index
    %get3A_29 = vector.load %arg7[%get3A_27, %get3A_28] : memref<128x128xf32, #tpu.memory_space<vmem>>, vector<128x128xf32>
    %dot_general3A_30 = arith.constant dense<0.000000e+00> : vector<1000x128xf32>
    %dot_general3A_31 = tpu.matmul %tanh3A, %get3A_29, %dot_general3A_30 {dimension_numbers = #tpu.dot_dimension_numbers<[1], [0], [0], [1], [0, 0, 1, 1], [], []>, transpose_lhs_hint = false} : vector<1000x128xf32>, vector<128x128xf32>, vector<1000x128xf32> -> vector<1000x128xf32>
    %get3A_32 = arith.constant 0 : index
    %get3A_33 = arith.constant 0 : index
    %get3A_34 = vector.load %arg8[%get3A_32, %get3A_33] : memref<1x128xf32, #tpu.memory_space<vmem>>, vector<1x128xf32>
    %add3A_35 = vector.broadcast %get3A_34 : vector<1x128xf32> to vector<1000x128xf32>
    %add3A_36 = arith.addf %dot_general3A_31, %add3A_35 : vector<1000x128xf32>
    %add3A_37 = arith.addf %get3A_1, %add3A_36 : vector<1000x128xf32>
    %get3A_38 = arith.constant 0 : index
    %get3A_39 = arith.constant 0 : index
    %get3A_40 = vector.load %arg9[%get3A_38, %get3A_39] : memref<128x128xf32, #tpu.memory_space<vmem>>, vector<128x128xf32>
    %dot_general3A_41 = arith.constant dense<0.000000e+00> : vector<1000x128xf32>
    %dot_general3A_42 = tpu.matmul %add3A_37, %get3A_40, %dot_general3A_41 {dimension_numbers = #tpu.dot_dimension_numbers<[1], [0], [0], [1], [0, 0, 1, 1], [], []>, transpose_lhs_hint = false} : vector<1000x128xf32>, vector<128x128xf32>, vector<1000x128xf32> -> vector<1000x128xf32>
    %get3A_43 = arith.constant 0 : index
    %get3A_44 = arith.constant 0 : index
    %get3A_45 = vector.load %arg10[%get3A_43, %get3A_44] : memref<1x128xf32, #tpu.memory_space<vmem>>, vector<1x128xf32>
    %add3A_46 = vector.broadcast %get3A_45 : vector<1x128xf32> to vector<1000x128xf32>
    %add3A_47 = arith.addf %dot_general3A_42, %add3A_46 : vector<1000x128xf32>
    %ge3A = arith.constant 0.000000e+00 : f32
    %ge3A_48 = vector.broadcast %ge3A : f32 to vector<1000x128xf32>
    %ge3A_49 = arith.cmpf oge, %add3A_47, %ge3A_48 : vector<1000x128xf32>
    %mul3A = arith.constant 0.00999999977 : f32
    %mul3A_50 = vector.broadcast %mul3A : f32 to vector<1000x128xf32>
    %mul3A_51 = arith.mulf %mul3A_50, %add3A_47 : vector<1000x128xf32>
    %select_n3A = arith.select %ge3A_49, %add3A_47, %mul3A_51 : vector<1000x128xi1>, vector<1000x128xf32>
    %get3A_52 = arith.constant 0 : index
    %get3A_53 = arith.constant 0 : index
    %get3A_54 = vector.load %arg11[%get3A_52, %get3A_53] : memref<128x128xf32, #tpu.memory_space<vmem>>, vector<128x128xf32>
    %dot_general3A_55 = arith.constant dense<0.000000e+00> : vector<1000x128xf32>
    %dot_general3A_56 = tpu.matmul %select_n3A, %get3A_54, %dot_general3A_55 {dimension_numbers = #tpu.dot_dimension_numbers<[1], [0], [0], [1], [0, 0, 1, 1], [], []>, transpose_lhs_hint = false} : vector<1000x128xf32>, vector<128x128xf32>, vector<1000x128xf32> -> vector<1000x128xf32>
    %get3A_57 = arith.constant 0 : index
    %get3A_58 = arith.constant 0 : index
    %get3A_59 = vector.load %arg12[%get3A_57, %get3A_58] : memref<1x128xf32, #tpu.memory_space<vmem>>, vector<1x128xf32>
    %add3A_60 = vector.broadcast %get3A_59 : vector<1x128xf32> to vector<1000x128xf32>
    %add3A_61 = arith.addf %dot_general3A_56, %add3A_60 : vector<1000x128xf32>
    %ge3A_62 = arith.constant 0.000000e+00 : f32
    %ge3A_63 = vector.broadcast %ge3A_62 : f32 to vector<1000x128xf32>
    %ge3A_64 = arith.cmpf oge, %add3A_61, %ge3A_63 : vector<1000x128xf32>
    %mul3A_65 = arith.constant 0.00999999977 : f32
    %mul3A_66 = vector.broadcast %mul3A_65 : f32 to vector<1000x128xf32>
    %mul3A_67 = arith.mulf %mul3A_66, %add3A_61 : vector<1000x128xf32>
    %select_n3A_68 = arith.select %ge3A_64, %add3A_61, %mul3A_67 : vector<1000x128xi1>, vector<1000x128xf32>
    %get3A_69 = arith.constant 0 : index
    %get3A_70 = arith.constant 0 : index
    %get3A_71 = vector.load %arg13[%get3A_69, %get3A_70] : memref<128x128xf32, #tpu.memory_space<vmem>>, vector<128x128xf32>
    %dot_general3A_72 = arith.constant dense<0.000000e+00> : vector<1000x128xf32>
    %dot_general3A_73 = tpu.matmul %select_n3A_68, %get3A_71, %dot_general3A_72 {dimension_numbers = #tpu.dot_dimension_numbers<[1], [0], [0], [1], [0, 0, 1, 1], [], []>, transpose_lhs_hint = false} : vector<1000x128xf32>, vector<128x128xf32>, vector<1000x128xf32> -> vector<1000x128xf32>
    %get3A_74 = arith.constant 0 : index
    %get3A_75 = arith.constant 0 : index
    %get3A_76 = vector.load %arg14[%get3A_74, %get3A_75] : memref<1x128xf32, #tpu.memory_space<vmem>>, vector<1x128xf32>
    %add3A_77 = vector.broadcast %get3A_76 : vector<1x128xf32> to vector<1000x128xf32>
    %add3A_78 = arith.addf %dot_general3A_73, %add3A_77 : vector<1000x128xf32>
    %ge3A_79 = arith.constant 0.000000e+00 : f32
    %ge3A_80 = vector.broadcast %ge3A_79 : f32 to vector<1000x128xf32>
    %ge3A_81 = arith.cmpf oge, %add3A_78, %ge3A_80 : vector<1000x128xf32>
    %mul3A_82 = arith.constant 0.00999999977 : f32
    %mul3A_83 = vector.broadcast %mul3A_82 : f32 to vector<1000x128xf32>
    %mul3A_84 = arith.mulf %mul3A_83, %add3A_78 : vector<1000x128xf32>
    %select_n3A_85 = arith.select %ge3A_81, %add3A_78, %mul3A_84 : vector<1000x128xi1>, vector<1000x128xf32>
    %get3A_86 = arith.constant 0 : index
    %get3A_87 = arith.constant 0 : index
    %get3A_88 = vector.load %arg15[%get3A_86, %get3A_87] : memref<128x128xf32, #tpu.memory_space<vmem>>, vector<128x128xf32>
    %dot_general3A_89 = arith.constant dense<0.000000e+00> : vector<1000x128xf32>
    %dot_general3A_90 = tpu.matmul %select_n3A_85, %get3A_88, %dot_general3A_89 {dimension_numbers = #tpu.dot_dimension_numbers<[1], [0], [0], [1], [0, 0, 1, 1], [], []>, transpose_lhs_hint = false} : vector<1000x128xf32>, vector<128x128xf32>, vector<1000x128xf32> -> vector<1000x128xf32>
    %get3A_91 = arith.constant 0 : index
    %get3A_92 = arith.constant 0 : index
    %get3A_93 = vector.load %arg16[%get3A_91, %get3A_92] : memref<1x128xf32, #tpu.memory_space<vmem>>, vector<1x128xf32>
    %add3A_94 = vector.broadcast %get3A_93 : vector<1x128xf32> to vector<1000x128xf32>
    %add3A_95 = arith.addf %dot_general3A_90, %add3A_94 : vector<1000x128xf32>
    %ge3A_96 = arith.constant 0.000000e+00 : f32
    %ge3A_97 = vector.broadcast %ge3A_96 : f32 to vector<1000x128xf32>
    %ge3A_98 = arith.cmpf oge, %add3A_95, %ge3A_97 : vector<1000x128xf32>
    %mul3A_99 = arith.constant 0.00999999977 : f32
    %mul3A_100 = vector.broadcast %mul3A_99 : f32 to vector<1000x128xf32>
    %mul3A_101 = arith.mulf %mul3A_100, %add3A_95 : vector<1000x128xf32>
    %select_n3A_102 = arith.select %ge3A_98, %add3A_95, %mul3A_101 : vector<1000x128xi1>, vector<1000x128xf32>
    %get3A_103 = arith.constant 0 : index
    %get3A_104 = arith.constant 0 : index
    %get3A_105 = vector.load %arg17[%get3A_103, %get3A_104] : memref<128x128xf32, #tpu.memory_space<vmem>>, vector<128x128xf32>
    %dot_general3A_106 = arith.constant dense<0.000000e+00> : vector<1000x128xf32>
    %dot_general3A_107 = tpu.matmul %select_n3A_102, %get3A_105, %dot_general3A_106 {dimension_numbers = #tpu.dot_dimension_numbers<[1], [0], [0], [1], [0, 0, 1, 1], [], []>, transpose_lhs_hint = false} : vector<1000x128xf32>, vector<128x128xf32>, vector<1000x128xf32> -> vector<1000x128xf32>
    %get3A_108 = arith.constant 0 : index
    %get3A_109 = arith.constant 0 : index
    %get3A_110 = vector.load %arg18[%get3A_108, %get3A_109] : memref<1x128xf32, #tpu.memory_space<vmem>>, vector<1x128xf32>
    %add3A_111 = vector.broadcast %get3A_110 : vector<1x128xf32> to vector<1000x128xf32>
    %add3A_112 = arith.addf %dot_general3A_107, %add3A_111 : vector<1000x128xf32>
    %swap3A = arith.constant 0 : index
    %swap3A_113 = arith.constant 0 : index
    %swap3A_114 = vector.load %arg19[%swap3A, %swap3A_113] : memref<1000x128xf32, #tpu.memory_space<vmem>>, vector<1000x128xf32>
    tpu.vector_store %arg19[%swap3A, %swap3A_113], %add3A_112 {strides = array<i32>} : memref<1000x128xf32, #tpu.memory_space<vmem>>, vector<1000x128xf32>,
    return
  }
  func.func @transform_0(%arg0: i32) -> (i32, i32) {
    %c0_i32 = arith.constant 0 : i32
    %c0_i32_0 = arith.constant 0 : i32
    return %arg0, %c0_i32 : i32, i32
  }
  func.func @transform_1(%arg0: i32) -> (i32, i32, i32) {
    %c0_i32 = arith.constant 0 : i32
    %c0_i32_0 = arith.constant 0 : i32
    %c0_i32_1 = arith.constant 0 : i32
    return %c0_i32, %arg0, %c0_i32_0 : i32, i32, i32
  }
  func.func @transform_2(%arg0: i32) -> (i32, i32, i32) {
    %c1_i32 = arith.constant 1 : i32
    %c0_i32 = arith.constant 0 : i32
    %c0_i32_0 = arith.constant 0 : i32
    return %c1_i32, %arg0, %c0_i32 : i32, i32, i32
  }
  func.func @transform_3(%arg0: i32) -> (i32, i32) {
    %c0_i32 = arith.constant 0 : i32
    %c0_i32_0 = arith.constant 0 : i32
    %c0_i32_1 = arith.constant 0 : i32
    return %c0_i32, %c0_i32_0 : i32, i32
  }
  func.func @transform_4(%arg0: i32) -> (i32, i32) {
    %c0_i32 = arith.constant 0 : i32
    %c0_i32_0 = arith.constant 0 : i32
    %c0_i32_1 = arith.constant 0 : i32
    return %c0_i32, %c0_i32_0 : i32, i32
  }
  func.func @transform_5(%arg0: i32) -> (i32, i32) {
    %c0_i32 = arith.constant 0 : i32
    %c0_i32_0 = arith.constant 0 : i32
    %c0_i32_1 = arith.constant 0 : i32
    return %c0_i32, %c0_i32_0 : i32, i32
  }
  func.func @transform_6(%arg0: i32) -> (i32, i32) {
    %c0_i32 = arith.constant 0 : i32
    %c0_i32_0 = arith.constant 0 : i32
    %c0_i32_1 = arith.constant 0 : i32
    return %c0_i32, %c0_i32_0 : i32, i32
  }
  func.func @transform_7(%arg0: i32) -> (i32, i32) {
    %c0_i32 = arith.constant 0 : i32
    %c0_i32_0 = arith.constant 0 : i32
    %c0_i32_1 = arith.constant 0 : i32
    return %c0_i32, %c0_i32_0 : i32, i32
  }
  func.func @transform_8(%arg0: i32) -> (i32, i32) {
    %c0_i32 = arith.constant 0 : i32
    %c0_i32_0 = arith.constant 0 : i32
    %c0_i32_1 = arith.constant 0 : i32
    return %c0_i32, %c0_i32_0 : i32, i32
  }
  func.func @transform_9(%arg0: i32) -> (i32, i32) {
    %c0_i32 = arith.constant 0 : i32
    %c0_i32_0 = arith.constant 0 : i32
    %c0_i32_1 = arith.constant 0 : i32
    return %c0_i32, %c0_i32_0 : i32, i32
  }
  func.func @transform_10(%arg0: i32) -> (i32, i32) {
    %c0_i32 = arith.constant 0 : i32
    %c0_i32_0 = arith.constant 0 : i32
    %c0_i32_1 = arith.constant 0 : i32
    return %c0_i32, %c0_i32_0 : i32, i32
  }
  func.func @transform_11(%arg0: i32) -> (i32, i32) {
    %c0_i32 = arith.constant 0 : i32
    %c0_i32_0 = arith.constant 0 : i32
    %c0_i32_1 = arith.constant 0 : i32
    return %c0_i32, %c0_i32_0 : i32, i32
  }
  func.func @transform_12(%arg0: i32) -> (i32, i32) {
    %c0_i32 = arith.constant 0 : i32
    %c0_i32_0 = arith.constant 0 : i32
    %c0_i32_1 = arith.constant 0 : i32
    return %c0_i32, %c0_i32_0 : i32, i32
  }
  func.func @transform_13(%arg0: i32) -> (i32, i32) {
    %c0_i32 = arith.constant 0 : i32
    %c0_i32_0 = arith.constant 0 : i32
    %c0_i32_1 = arith.constant 0 : i32
    return %c0_i32, %c0_i32_0 : i32, i32
  }
  func.func @transform_14(%arg0: i32) -> (i32, i32) {
    %c0_i32 = arith.constant 0 : i32
    %c0_i32_0 = arith.constant 0 : i32
    %c0_i32_1 = arith.constant 0 : i32
    return %c0_i32, %c0_i32_0 : i32, i32
  }
  func.func @transform_15(%arg0: i32) -> (i32, i32) {
    %c0_i32 = arith.constant 0 : i32
    %c0_i32_0 = arith.constant 0 : i32
    %c0_i32_1 = arith.constant 0 : i32
    return %c0_i32, %c0_i32_0 : i32, i32
  }
  func.func @transform_16(%arg0: i32) -> (i32, i32) {
    %c0_i32 = arith.constant 0 : i32
    %c0_i32_0 = arith.constant 0 : i32
    %c0_i32_1 = arith.constant 0 : i32
    return %c0_i32, %c0_i32_0 : i32, i32
  }
  func.func @transform_17(%arg0: i32) -> (i32, i32) {
    %c0_i32 = arith.constant 0 : i32
    %c0_i32_0 = arith.constant 0 : i32
    %c0_i32_1 = arith.constant 0 : i32
    return %c0_i32, %c0_i32_0 : i32, i32
  }
  func.func @transform_18(%arg0: i32) -> (i32, i32) {
    %c0_i32 = arith.constant 0 : i32
    %c0_i32_0 = arith.constant 0 : i32
    return %arg0, %c0_i32 : i32, i32
  }
}

</mosaic_0001>

<sc_bundles>
// kernel: kernel.10.cloned.1.call-start
scs
__scs_entry_jumppad:
0x0: {  	(pc) =	sbr.rel $0x88, $3  }
0x1: {  	(tag) =	ssettag $0x0;
	lr =	simm.s32 $0x1  }
0x2: {  	[smem:$0x3F8A] =	sst lr;
	_ =	strace $0xD0000000  }
0x3: {  	_ = 	snop  }
0x4: {  	_ = 	snop  }
0x5: {  	_ = 	snop  }
0x6: {  	_ = 	snop  }
0x7: {  	_ = 	snop  }
__scs_overlays_trampoline_lowered:
0x8: {  	[smem:$0x3F99] =	sst s0  }
0x9: {  	[smem:$0x3F9A] =	sst s1  }
0xa: {  	[smem:$0x3F9B] =	sst s2  }
0xb: {  	[smem:$0x3F9C] =	sst s3  }
0xc: {  	[smem:$0x3F9D] =	sst s4  }
0xd: {  	[smem:$0x3F9E] =	sst s5  }
0xe: {  	[smem:$0x3F9F] =	sst s6  }
0xf: {  	[smem:$0x3FA0] =	sst s7  }
0x10: {  	[smem:$0x3FA1] =	sst s8  }
0x11: {  	[smem:$0x3FA2] =	sst s9;
	s0 =	simm.s32 @!p0 $0x0  }
0x12: {  	s1 =	sld [smem:$0x3F88];
	s0 =	simm.s32 @p0 $0x1  }
0x13: {  	[smem:$0x3FA3] =	sst s0;
	s0 =	simm.s32 @!p1 $0x0  }
0x14: {  	s2 =	sld [smem:$0x3F87];
	s0 =	simm.s32 @p1 $0x1  }
0x15: {  	[smem:$0x3FA4] =	sst s0;
	s0 =	simm.s32 @!p2 $0x0  }
0x16: {  	s3 =	sld [smem:$0x3FDB];
	s0 =	simm.s32 @p2 $0x1  }
0x17: {  	s4 =	simm.s32 $0x1BF5;
	[smem:$0x3FA6] =	sst s0  }
0x18: {  	s0 =	sld [smem:$0x3F89];
	_ =	swait.ge [sflag:s4], $0x0  }
0x19: {  	s7 =	sld [smem:$0x3F8A]  }
0x1a: {  	s8 =	sadd.s32 $0xFFFFE003, lr  }
0x1b: {  	s9 =	sadd.s32 $0xFFFFFEF7, lr;
	s5 =	simm.s32 $0xFFFFFFFF;
	p2 =	slt.u32 s8, $0xFFFFF086  }
0x1c: {  	p1 =	slt.u32 s9, $0xF7A;
	s5 =	simm.s32 @!p2 $0x0  }
0x1d: {  	s5 =	simm.s32 @p1 $0x1;
	p0 =	seq.s32 s7, s2  }
0x1e: {  	s7 =	smul.u32 @!p0 $0xF7A, s2;
	p2 =	seq.s32 @!p0 s5, $0x0  }
0x1f: {  	s9 =	smul.u32 $0xF7A, s1;
	s8 =	simm.s32 @!p0 $0x1BF5;
	p2 =	por !p2, p0  }
0x20: {  	[sflag:s8] =	ssyncset.s32 @!p0 $0xFFFFF086;
	s6 =	sadd.s32 @!p0 s3, s7;
	s7 =	simm.s32 @!p0 $0x108  }
0x21: {  	s3 =	sadd.s32 s3, s9;
	s6 =	sadd.s32 @!p0 $0x88, s6;
	s7 =	simm.s32 @p2 $0x1082  }
0x22: {  	[simem:s7], [sflag:s8] =	dma.local @!p0 [hbm:s6], $0xF7A  }
0x23: {  	s9 =	sor.u32 $0xD0000000, s2;
	s6 =	simm.s32 $0x108;
	_ =	swait.ge @!p0 [sflag:s8], $0x0  }
0x24: {  	s3 =	sadd.s32 $0x88, s3;
	s6 =	simm.s32 @!p1 $0x1082;
	[sflag:s4] =	ssyncset.s32 $0xFFFFF086  }
0x25: {  	[simem:s6], [sflag:s4] =	dma.local [hbm:s3], $0xF7A  }
0x26: {  	[smem:$0x3F8A] =	sst s1;
	(tag) =	ssettag s2;
	_ =	strace s9  }
0x27: {  	s1 =	sld [smem:$0x3F9A]  }
0x28: {  	s2 =	sld [smem:$0x3F9B]  }
0x29: {  	s4 =	sld [smem:$0x3F9D]  }
0x2a: {  	p0 =	seq.s32 s5, $0x0;
	s5 =	sld [smem:$0x3F9E]  }
0x2b: {  	s6 =	sld [smem:$0x3F9F]  }
0x2c: {  	s7 =	sld [smem:$0x3FA0]  }
0x2d: {  	s3 =	simm.s32 $0x108;
	s8 =	sld [smem:$0x3FA1]  }
0x2e: {  	s3 =	simm.s32 @!p0 $0x1082;
	s9 =	sld [smem:$0x3FA2]  }
0x2f: {  	lr =	sadd.s32 s0, s3;
	s0 =	sld [smem:$0x3F99]  }
0x30: {  	s3 =	sld [smem:$0x3F9C]  }
0x31: {  	[smem:$0x3FA5] =	sst s10  }
0x32: {  	s10 =	sld [smem:$0x3FA3];
	_ =	sdelay $0x3  }
0x33: {  	p0 =	seq.s32 s10, $0x1;
	s10 =	sld [smem:$0x3FA5];
	_ =	sdelay $0x3  }
0x34: {  	[smem:$0x3FA5] =	sst s10  }
0x35: {  	s10 =	sld [smem:$0x3FA4];
	_ =	sdelay $0x3  }
0x36: {  	p1 =	seq.s32 s10, $0x1;
	s10 =	sld [smem:$0x3FA5];
	_ =	sdelay $0x3  }
0x37: {  	[smem:$0x3FA5] =	sst s10  }
0x38: {  	s10 =	sld [smem:$0x3FA6]  }
0x39: {  	_ = 	snop;
	(pc) =	sbr.ind lr, $3  }
0x3a: {  	_ = 	snop  }
0x3b: {  	_ = 	snop  }
0x3c: {  	p2 =	seq.s32 s10, $0x1;
	s10 =	sld [smem:$0x3FA5]  }
0x3d: {  	_ =	shalt  }
0x3e: {  	_ =	shalt  }
0x3f: {  	_ =	shalt  }
0x40: {  	_ =	shalt  }
0x41: {  	_ =	shalt  }
0x42: {  	_ =	shalt  }
0x43: {  	_ =	shalt  }
0x44: {  	_ =	shalt  }
0x45: {  	_ =	shalt  }
0x46: {  	_ =	shalt  }
0x47: {  	_ =	shalt  }
0x48: {  	_ =	shalt  }
0x49: {  	_ =	shalt  }
0x4a: {  	_ =	shalt  }
0x4b: {  	_ =	shalt  }
0x4c: {  	_ =	shalt  }
0x4d: {  	_ =	shalt  }
0x4e: {  	_ =	shalt  }
0x4f: {  	_ =	shalt  }
0x50: {  	_ =	shalt  }
0x51: {  	_ =	shalt  }
0x52: {  	_ =	shalt  }
0x53: {  	_ =	shalt  }
0x54: {  	_ =	shalt  }
0x55: {  	_ =	shalt  }
0x56: {  	_ =	shalt  }
0x57: {  	_ =	shalt  }
0x58: {  	_ =	shalt  }
0x59: {  	_ =	shalt  }
0x5a: {  	_ =	shalt  }
0x5b: {  	_ =	shalt  }
0x5c: {  	_ =	shalt  }
0x5d: {  	_ =	shalt  }
0x5e: {  	_ =	shalt  }
0x5f: {  	_ =	shalt  }
0x60: {  	_ =	shalt  }
0x61: {  	_ =	shalt  }
0x62: {  	_ =	shalt  }
0x63: {  	_ =	shalt  }
0x64: {  	_ =	shalt  }
0x65: {  	_ =	shalt  }
0x66: {  	_ =	shalt  }
0x67: {  	_ =	shalt  }
0x68: {  	_ =	shalt  }
0x69: {  	_ =	shalt  }
0x6a: {  	_ =	shalt  }
0x6b: {  	_ =	shalt  }
0x6c: {  	_ =	shalt  }
0x6d: {  	_ =	shalt  }
0x6e: {  	_ =	shalt  }
0x6f: {  	_ =	shalt  }
0x70: {  	_ =	shalt  }
0x71: {  	_ =	shalt  }
0x72: {  	_ =	shalt  }
0x73: {  	_ =	shalt  }
0x74: {  	_ =	shalt  }
0x75: {  	_ =	shalt  }
0x76: {  	_ =	shalt  }
0x77: {  	_ =	shalt  }
0x78: {  	_ =	shalt  }
0x79: {  	_ =	shalt  }
0x7a: {  	_ =	shalt  }
0x7b: {  	_ =	shalt  }
0x7c: {  	_ =	shalt  }
0x7d: {  	_ =	shalt  }
0x7e: {  	_ =	shalt  }
0x7f: {  	_ =	shalt  }
0x80: {  	_ =	shalt  }
0x81: {  	_ =	shalt  }
0x82: {  	_ =	shalt  }
0x83: {  	_ =	shalt  }
0x84: {  	_ =	shalt  }
0x85: {  	_ =	shalt  }
0x86: {  	_ =	shalt  }
0x87: {  	_ =	shalt  }
.Lfunc_end0:
.L_simem_size_0:
called_computation_lowered:
.L_overlay_start_0:
0x88: {  	s2 =	sld [smem:$0x3FD9]  }
0x89: {  	s3 =	sld [smem:$0x3FFE];
	_ =	sdelay $0x1  }
0x8a: {  	s1 =	srdreg.scid  }
0x8b: {  	s0 =	sand.u32 $0x1, s1  }
0x8c: {  	s16 =	sshll.u32 s0, $0xA;
	s2 =	sadd.s32 s3, s2  }
0x8d: {  	s2 =	sadd.s32 s2, s16  }
0x8e: {  	[smem:$0x3FB1] =	sst s2  }
0x8f: {  	_ = 	snop  }
0x90: {  	(tm) =	ssettm $0x1  }
0x91: {  	s17 =	sld [smem:$0x3FFB];
	_ =	sdelay $0x3  }
0x92: {  	_ =	strace s17  }
0x93: {  	s2 =	sld [smem:$0x3FFC];
	_ =	sdelay $0x3  }
0x94: {  	_ =	strace s2  }
0x95: {  	s2 =	sld [smem:$0x3FFD];
	_ =	sdelay $0x3  }
0x96: {  	_ =	strace s2  }
0x97: {  	_ =	strace $0x8FFFFFFF  }
0x98: {  	s18 =	sld [smem:$0x3FDB];
	_ =	sdelay $0x1  }
0x99: {  	s19 =	simm.s32 $_scs_section_size  }
0x9a: {  	s4 =	simm.s32 $_size__tile_overlayer_lowered;
	s5 =	simm.s32 $_tile_overlayer_lowered  }
0x9b: {  	s22 =	simm.s32 $0x1BFF;
	s21 =	sshll.u32 s5, $0x1;
	s2 =	sadd.s32 s19, s18  }
0x9c: {  	s6 =	simm.s32 $0x0;
	s20 =	sshll.u32 s4, $0x1;
	s4 =	sadd.s32 s21, s2  }
0x9d: {  	[timem:s6], [sflag:s22] =	dma.local [hbm:s4], s20  }
0x9e: {  	_ =	swait.ge [sflag:s22], s20  }
0x9f: {  	s3 =	ssub.s32 $0x0, s20;
	[sflag:s22] =	ssyncset.done $0x0  }
0xa0: {  	[sflag:s22] =	ssyncadd.s32 s3;
	_ =	sdelay $0x1  }
0xa1: {  	s23 =	simm.s32 $0x1B8B  }
0xa2: {  	_ =	swait.ge [sflag:s23], $0x1  }
0xa3: {  	[sflag:s23] =	ssyncset.done $0x0  }
0xa4: {  	s25 =	simm.s32 $0x1B8E;
	s24 =	sld [smem:$0x3FFE];
	[sflag:s23] =	ssyncadd.s32 $0xFFFFFFFF  }
0xa5: {  	s26 =	simm.s32 $execute0_lowered;
	[smem:$0x3FD2] =	sst s25  }
0xa6: {  	s4 =	sshll.u32 s26, $0x1;
	_ =	strace $0x80000046;
	[dreg:$0x1] =	wrdreg $0xFFFFFFFF  }
0xa7: {  	s28 =	simm.s32 $_size_execute0_lowered;
	s2 =	sadd.s32 s2, s4;
	[dreg:$0x0] =	wrdreg $0x0  }
0xa8: {  	s4 =	sshll.u32 s28, $0x1;
	[dreg:$0x2] =	wrdreg s2  }
0xa9: {  	[dreg:$0x3] =	wrdreg s4  }
0xaa: {  	[dreg:$0x4] =	wrdreg $0xC0  }
0xab: {  	_ =	task [dreg:s6], $0x5FFFF  }
0xac: {  	[dreg:$0x1] =	wrdreg $0xFFFFFFFF  }
0xad: {  	[dreg:$0x0] =	wrdreg $0x60  }
0xae: {  	[dreg:$0x2] =	wrdreg s24  }
0xaf: {  	[dreg:$0x3] =	wrdreg $0x9  }
0xb0: {  	_ =	task.clear_ibuf [dreg:s6], $0x4FFFF;
	_ =	strace $0x90000046  }
0xb1: {  	s29 =	simm.s32 $0x9;
	_ =	strace $0x80000048  }
0xb2: {  	_ =	swait.ge [sflag:s29], $0x1  }
0xb3: {  	[sflag:s29] =	ssyncadd.s32 $0xFFFFFFFF  }
0xb4: {  	_ =	strace $0x90000048  }
0xb5: {  	_ =	sfence  }
0xb6: {  	s30 =	sld [smem:$0x0];
	_ =	sdelay $0x2  }
0xb7: {  	s31 =	sshll.u32 s1, $0xD;
	s1 =	sshrl.u32 s1, $0x2  }
0xb8: {  	s3 =	sand.u32 $0x4000, s31;
	s1 =	sadd.s32 s1, s30  }
0xb9: {  	s0 =	sor.u32 s3, s0;
	s1 =	sshll.u32 s1, $0x11  }
0xba: {  	s0 =	sor.u32 s1, s0  }
0xbb: {  	s0 =	sadd.s32 $0x8F2B, s0  }
0xbc: {  	[sflag:s0] =	ssyncadd.remote.s32 $0x1  }
0xbd: {  	_ =	sfence.sel $0xFFFF  }
0xbe: {  	[dreg:$0x0] =	wrdreg $0xFFFFFFFF;
	(pc) =	sbr.abs _section_cstart, $3  }
0xbf: {  	[dreg:$0x1] =	wrdreg $0xFFFFFFFF  }
0xc0: {  	_ =	task.clear_ibuf [dreg:s6], $0x2FFFF;
	_ =	strace $0x9FFFFFFF  }
0xc1: {  	(tm) =	ssettm $0x7FFFFFFF  }
tec
execute0_lowered:
.L_overlay_start_1:
0x0: {  	(tag) =	ssettag $0x1  }
0x1: {  	s1 =	srdreg.scid  }
0x2: {  	s0 =	stileid.u32;
	s4 =	rddreg [dreg:$0x0];
	s2 =	simm.s32 $0x0  }
0x3: {  	s9 =	simm.s32 $0x2780;
	s3 =	sand.u32 $0x1, s1;
	s5 =	sshll.u32 s0, $0x1  }
0x4: {  	s10 =	simm.s32 $0x4F00;
	s11 =	simm.s32 $0xC480;
	s5 =	sor.u32 s3, s5  }
0x5: {  	s1 =	rddreg [dreg:$0x1];
	s6 =	ssub.s32 $0x2, s3;
	s5 =	smul.u32 $0x4E2, s5  }
0x6: {  	s12 =	simm.s32 $0x0;
	[smem:$0x7FF] =	sst s2;
	s7 =	sshrl.u32 s6, $0x1  }
0x7: {  	_ =	strace $0x80000047;
	s7 =	ssub.s32 s6, s7;
	s8 =	sadd.s32 s5, s4  }
0x8: {  	s3 =	sadd.s32 $0x18200, s4;
	s7 =	smax.u32 s7, $0x1;
	s4 =	sadd.s32 $0xE400, s8  }
0x9: {  	s5 =	sadd.s32 $0x4600, s8;
	s6 =	sadd.s32 $0x19200, s8;
	s8 =	simm.s32 $0x1  }
.LBB2_1:
0xa: {  	[tilespmem:s2], [sflag:$0x1] =	stream.linear.gather [hbm4b:s4+s2], $0x2710, $0x38;
	[tilespmem:$0xEC00] =	vst v63  }
0xb: {  	_ =	swait.ge [sflag:s8], $0x2710  }
0xc: {  	[sflag:s8] =	ssyncset.done $0x0  }
0xd: {  	[sflag:s8] =	ssyncadd.s32 $0xFFFFD8F0  }
0xe: {  	[tilespmem:s9], [sflag:$0x1] =	stream.linear.gather [hbm4b:s5+s2], $0x2710, $0x38;
	[tilespmem:$0xEC00] =	vst v63  }
0xf: {  	_ =	swait.ge [sflag:s8], $0x2710  }
0x10: {  	[sflag:s8] =	ssyncset.done $0x0  }
0x11: {  	[sflag:s8] =	ssyncadd.s32 $0xFFFFD8F0  }
0x12: {  	[tilespmem:s10], [sflag:$0x1] =	stream.linear.gather [hbm4b:s3+s2], $0x7580, $0x38;
	[tilespmem:$0xEC00] =	vst v63  }
0x13: {  	_ =	swait.ge [sflag:s8], $0x7580  }
0x14: {  	[sflag:s8] =	ssyncset.done $0x0  }
0x15: {  	s13 =	simm.s32 $0x0;
	[sflag:s8] =	ssyncadd.s32 $0xFFFF8A80  }
0x16: {  	v0 =	vld [tilespmem:s13+$0x2780]  }
0x17: {  	v1 =	vld [tilespmem:s13+$0x0];
	_ =	sdelay $0x3  }
0x18: {  	v0 =	vmul.u32 $0x3, v0  }
0x19: {  	s14 =	simm.s32 $0x10;
	v1 =	vmul.u32 $0x3, v1  }
0x1a: {  	v3 =	vld [tilespmem:s14+$0x2780]  }
0x1b: {  	s15 =	simm.s32 $0x20;
	v6 =	vld [tilespmem:s14+$0x0];
	v2 =	vadd.s32 $0x1, v0  }
0x1c: {  	v9 =	vld [tilespmem:s15+$0x2780];
	v4 =	vadd.s32 $0x2, v1  }
0x1d: {  	v12 =	vld [tilespmem:s15+$0x0];
	v5 =	vadd.s32 $0x1, v1  }
0x1e: {  	v7 =	vld.idx.msk [tilespmem:v0+s10+$0x0], $0xffff  }
0x1f: {  	v3 =	vmul.u32 $0x3, v3;
	v0 =	vadd.s32 $0x2, v0;
	v1 =	vld.idx.msk [tilespmem:v1+s10+$0x0], $0xffff  }
0x20: {  	v2 =	vld.idx.msk [tilespmem:v2+s10+$0x0], $0xffff  }
0x21: {  	v8 =	vld.idx.msk [tilespmem:v4+s10+$0x0], $0xffff;
	v4 =	vmul.u32 $0x3, v6;
	v6 =	vadd.s32 $0x1, v3  }
0x22: {  	s16 =	simm.s32 $0x30;
	v5 =	vld.idx.msk [tilespmem:v5+s10+$0x0], $0xffff  }
0x23: {  	v17 =	vld [tilespmem:s16+$0x2780];
	v10 =	vadd.s32 $0x2, v4  }
0x24: {  	v11 =	vadd.s32 $0x1, v4;
	v0 =	vld.idx.msk [tilespmem:v0+s10+$0x0], $0xffff  }
0x25: {  	v13 =	vld.idx.msk [tilespmem:v3+s10+$0x0], $0xffff;
	v3 =	vadd.s32 $0x2, v3  }
0x26: {  	v1 =	vsub.f32 v1, v7;
	v14 =	vld.idx.msk [tilespmem:v6+s10+$0x0], $0xffff;
	v6 =	vmul.u32 $0x3, v9  }
0x27: {  	v2 =	vsub.f32 v5, v2;
	v7 =	vld.idx.msk [tilespmem:v4+s10+$0x0], $0xffff  }
0x28: {  	v5 =	vmul.f32 v1, v1;
	v4 =	vld.idx.msk [tilespmem:v10+s10+$0x0], $0xffff;
	v10 =	vmul.u32 $0x3, v12;
	v15 =	vadd.s32 $0x1, v6  }
0x29: {  	v16 =	vld.idx.msk [tilespmem:v11+s10+$0x0], $0xffff;
	v2 =	vmul.f32 v2, v2;
	v0 =	vsub.f32 v8, v0  }
0x2a: {  	v1 =	vld.idx.msk [tilespmem:v3+s10+$0x0], $0xffff;
	v5 =	vmul.f32 v5, v5;
	v12 =	vadd.s32 $0x2, v10  }
0x2b: {  	v11 =	vld [tilespmem:s16+$0x0];
	v8 =	vmul.f32 v2, v2;
	v9 =	vadd.s32 $0x1, v10;
	v18 =	vmul.f32 v0, v0  }
0x2c: {  	v0 =	vld.idx.msk [tilespmem:v6+s10+$0x0], $0xffff;
	v13 =	vsub.f32 v7, v13  }
0x2d: {  	v3 =	vadd.s32 $0x2, v6;
	v5 =	vadd.f32 v8, v5;
	v2 =	vld.idx.msk [tilespmem:v15+s10+$0x0], $0xffff;
	v6 =	vmul.f32 v18, v18  }
0x2e: {  	s17 =	simm.s32 $0x100;
	v8 =	vmul.u32 $0x3, v17;
	v7 =	vld.idx.msk [tilespmem:v10+s10+$0x0], $0xffff;
	v10 =	vmul.f32 v13, v13;
	v13 =	vsub.f32 v16, v14  }
.LBB2_2:
0x2f: {  	s18 =	sshra.s32 s17, $0x2;
	p0 =	sne.s32 s17, $0x9C00;
	s17 =	sadd.s32 $0x40, s17;
	v14 =	vld.idx.msk [tilespmem:v12+s10+$0x0], $0xffff;
	v5 =	vadd.f32 v6, v5  }
0x30: {  	v15 =	vmul.u32 $0x3, v11;
	v6 =	vadd.s32 $0x1, v8;
	v11 =	vadd.s32 $0x2, v8;
	v16 =	vld.idx.msk [tilespmem:v9+s10+$0x0], $0xffff  }
0x31: {  	v4 =	vsub.f32 v4, v1;
	v18 =	vmul.f32 v13, v13;
	v17 =	vld [tilespmem:s18+$0x2780];
	[tilespmem:s13+$0xC480] =	vst v5;
	s13 =	smov.u32 s14;
	s14 =	smov.u32 s15;
	s15 =	smov.u32 s16  }
.Ltmp0:
0x32: {  	v5 =	vmul.f32 v10, v10;
	s16 =	smov.u32 s18;
	v9 =	vadd.s32 $0x1, v15;
	v12 =	vadd.s32 $0x2, v15;
	v1 =	vld.idx.msk [tilespmem:v3+s10+$0x0], $0xffff;
	v3 =	vmovc v11;
	(pc) =	sbr.rel @p0 .LBB2_2-.Ltmp0, $4  }
0x33: {  	v19 =	vmul.f32 v4, v4;
	v10 =	vmul.f32 v18, v18;
	v13 =	vmov v2;
	v11 =	vld [tilespmem:s16+$0x0]  }
0x34: {  	v18 =	vsub.f32 v7, v0;
	v0 =	vld.idx.msk [tilespmem:v8+s10+$0x0], $0xffff  }
0x35: {  	v5 =	vadd.f32 v10, v5;
	v4 =	vmov v14;
	v2 =	vld.idx.msk [tilespmem:v6+s10+$0x0], $0xffff;
	v6 =	vmul.f32 v19, v19  }
0x36: {  	v10 =	vmul.f32 v18, v18;
	v13 =	vsub.f32 v16, v13;
	v8 =	vmul.u32 $0x3, v17;
	v7 =	vld.idx.msk [tilespmem:v15+s10+$0x0], $0xffff  }
0x37: {  	_ =	sdelay $0x2  }
0x38: {  	v14 =	vadd.s32 $0x1, v8  }
0x39: {  	v12 =	vld.idx.msk [tilespmem:v12+s10+$0x0], $0xffff;
	v11 =	vmul.u32 $0x3, v11;
	v17 =	vadd.s32 $0x2, v8  }
0x3a: {  	v9 =	vld.idx.msk [tilespmem:v9+s10+$0x0], $0xffff  }
0x3b: {  	v3 =	vld.idx.msk [tilespmem:v3+s10+$0x0], $0xffff;
	v15 =	vadd.s32 $0x1, v11  }
0x3c: {  	v54 =	vld.idx.msk [tilespmem:v8+s10+$0x0], $0xffff;
	v16 =	vadd.s32 $0x2, v11  }
0x3d: {  	v14 =	vld.idx.msk [tilespmem:v14+s10+$0x0], $0xffff  }
0x3e: {  	v57 =	vld.idx.msk [tilespmem:v17+s10+$0x0], $0xffff  }
0x3f: {  	v11 =	vld.idx.msk [tilespmem:v11+s10+$0x0], $0xffff  }
0x40: {  	v1 =	vsub.f32 v4, v1;
	v15 =	vld.idx.msk [tilespmem:v15+s10+$0x0], $0xffff  }
0x41: {  	v56 =	vmul.f32 v13, v13;
	v55 =	vld.idx.msk [tilespmem:v16+s10+$0x0], $0xffff  }
0x42: {  	v1 =	vmul.f32 v1, v1;
	v0 =	vsub.f32 v7, v0  }
0x43: {  	v58 =	vmul.f32 v10, v10;
	v7 =	vmul.f32 v56, v56;
	v2 =	vsub.f32 v9, v2  }
0x44: {  	v1 =	vmul.f32 v1, v1;
	v3 =	vsub.f32 v12, v3;
	v0 =	vmul.f32 v0, v0  }
0x45: {  	v2 =	vmul.f32 v2, v2;
	v8 =	vsub.f32 v11, v54;
	v59 =	vsub.f32 v15, v14  }
0x46: {  	v3 =	vmul.f32 v3, v3;
	v0 =	vmul.f32 v0, v0;
	v4 =	vsub.f32 v55, v57  }
0x47: {  	v8 =	vmul.f32 v8, v8;
	v10 =	vmul.f32 v59, v59  }
0x48: {  	v2 =	vmul.f32 v2, v2;
	v4 =	vmul.f32 v4, v4  }
0x49: {  	v7 =	vadd.f32 v7, v58;
	v8 =	vmul.f32 v8, v8;
	v60 =	vmul.f32 v10, v10  }
0x4a: {  	v5 =	vadd.f32 v6, v5;
	v61 =	vmul.f32 v3, v3;
	v0 =	vadd.f32 v2, v0  }
0x4b: {  	v1 =	vadd.f32 v1, v7;
	v4 =	vmul.f32 v4, v4;
	v62 =	vadd.f32 v60, v8  }
0x4c: {  	[tilespmem:s13+$0xC480] =	vst v5;
	v0 =	vadd.f32 v61, v0  }
0x4d: {  	s12 =	sadd.s32 $0x1, s12;
	[tilespmem:s14+$0xC480] =	vst v1;
	v63 =	vadd.f32 v4, v62  }
0x4e: {  	p0 =	sne.s32 s12, s7;
	[tilespmem:s15+$0xC480] =	vst v0  }
.Ltmp1:
0x4f: {  	[tilespmem:s16+$0xC480] =	vst v63;
	(pc) =	sbr.rel @p0 .LBB2_1-.Ltmp1, $4  }
0x50: {  	[hbm4b:s6+s2] =	stream.linear.scatter [tilespmem:s11], [sflag:$0x1], $0x2710, $0x38;
	[tilespmem:$0xEC00] =	vst v63  }
0x51: {  	_ =	swait.ge [sflag:s8], $0x2710  }
0x52: {  	[sflag:s8] =	ssyncset.done $0x0  }
0x53: {  	[sflag:s8] =	ssyncadd.s32 $0xFFFFD8F0  }
0x54: {  	_ =	sfence.sel $0x180000  }
0x55: {  	[bflag:$0x0] =	sbarrier.arrive $0xFFFF  }
0x56: {  	p0 =	sne.s32 s0, $0x0;
	_ =	strace $0x90000047  }
0x57: {  	s0 =	sadd.s32 @!p0 $0x100000, s1;
	[bflag:$0x2] =	sbarrier.arrive $0xFFFF  }
0x58: {  	[sflag:s0] =	ssyncadd.tile.s32 @!p0 $0x1;
	_ =	shalt  }
.Lfunc_end2:
_tile_overlayer_lowered:
.L_overlay_start_2:
0x59: {  	(tag) =	ssettag $0x2  }
0x5a: {  	s0 =	rddreg [dreg:$0x0];
	s2 =	stileid.u32  }
0x5b: {  	s1 =	rddreg [dreg:$0x1];
	p0 =	sne.s32 s2, $0x0  }
0x5c: {  	s3 =	rddreg [dreg:$0x2];
	[bflag:$0x3] =	sbarrier.arrive $0xFFFF;
	s2 =	simm.s32 @!p0 $0x1C01  }
0x5d: {  	[timem:s3], [sflag:s2] =	dma.local @!p0 [hbm:s0], s1  }
0x5e: {  	s0 =	simm.s32 @!p0 $0x1  }
0x5f: {  	_ =	swait.ge @!p0 [sflag:s0], s1  }
0x60: {  	s1 =	ssub.s32 @!p0 $0x0, s1;
	[sflag:s0] =	ssyncset.done @!p0 $0x0  }
0x61: {  	[sflag:s0] =	ssyncadd.s32 @!p0 s1  }
0x62: {  	[bflag:$0x3] =	sbarrier.arrive $0xFFFF  }
0x63: {  	_ =	shalt  }

// kernel: kernel.13.cloned.1.call-start
scs
__scs_entry_jumppad:
0x0: {  	(pc) =	sbr.rel $0x88, $3  }
0x1: {  	(tag) =	ssettag $0x0;
	lr =	simm.s32 $0x1  }
0x2: {  	[smem:$0x3F8A] =	sst lr;
	_ =	strace $0xD0000000  }
0x3: {  	_ = 	snop  }
0x4: {  	_ = 	snop  }
0x5: {  	_ = 	snop  }
0x6: {  	_ = 	snop  }
0x7: {  	_ = 	snop  }
__scs_overlays_trampoline_lowered:
0x8: {  	[smem:$0x3F99] =	sst s0  }
0x9: {  	[smem:$0x3F9A] =	sst s1  }
0xa: {  	[smem:$0x3F9B] =	sst s2  }
0xb: {  	[smem:$0x3F9C] =	sst s3  }
0xc: {  	[smem:$0x3F9D] =	sst s4  }
0xd: {  	[smem:$0x3F9E] =	sst s5  }
0xe: {  	[smem:$0x3F9F] =	sst s6  }
0xf: {  	[smem:$0x3FA0] =	sst s7  }
0x10: {  	[smem:$0x3FA1] =	sst s8  }
0x11: {  	[smem:$0x3FA2] =	sst s9;
	s0 =	simm.s32 @!p0 $0x0  }
0x12: {  	s1 =	sld [smem:$0x3F88];
	s0 =	simm.s32 @p0 $0x1  }
0x13: {  	[smem:$0x3FA3] =	sst s0;
	s0 =	simm.s32 @!p1 $0x0  }
0x14: {  	s2 =	sld [smem:$0x3F87];
	s0 =	simm.s32 @p1 $0x1  }
0x15: {  	[smem:$0x3FA4] =	sst s0;
	s0 =	simm.s32 @!p2 $0x0  }
0x16: {  	s3 =	sld [smem:$0x3FDB];
	s0 =	simm.s32 @p2 $0x1  }
0x17: {  	s4 =	simm.s32 $0x1BF5;
	[smem:$0x3FA6] =	sst s0  }
0x18: {  	s0 =	sld [smem:$0x3F89];
	_ =	swait.ge [sflag:s4], $0x0  }
0x19: {  	s7 =	sld [smem:$0x3F8A]  }
0x1a: {  	s8 =	sadd.s32 $0xFFFFE003, lr  }
0x1b: {  	s9 =	sadd.s32 $0xFFFFFEF7, lr;
	s5 =	simm.s32 $0xFFFFFFFF;
	p2 =	slt.u32 s8, $0xFFFFF086  }
0x1c: {  	p1 =	slt.u32 s9, $0xF7A;
	s5 =	simm.s32 @!p2 $0x0  }
0x1d: {  	s5 =	simm.s32 @p1 $0x1;
	p0 =	seq.s32 s7, s2  }
0x1e: {  	s7 =	smul.u32 @!p0 $0xF7A, s2;
	p2 =	seq.s32 @!p0 s5, $0x0  }
0x1f: {  	s9 =	smul.u32 $0xF7A, s1;
	s8 =	simm.s32 @!p0 $0x1BF5;
	p2 =	por !p2, p0  }
0x20: {  	[sflag:s8] =	ssyncset.s32 @!p0 $0xFFFFF086;
	s6 =	sadd.s32 @!p0 s3, s7;
	s7 =	simm.s32 @!p0 $0x108  }
0x21: {  	s3 =	sadd.s32 s3, s9;
	s6 =	sadd.s32 @!p0 $0x88, s6;
	s7 =	simm.s32 @p2 $0x1082  }
0x22: {  	[simem:s7], [sflag:s8] =	dma.local @!p0 [hbm:s6], $0xF7A  }
0x23: {  	s9 =	sor.u32 $0xD0000000, s2;
	s6 =	simm.s32 $0x108;
	_ =	swait.ge @!p0 [sflag:s8], $0x0  }
0x24: {  	s3 =	sadd.s32 $0x88, s3;
	s6 =	simm.s32 @!p1 $0x1082;
	[sflag:s4] =	ssyncset.s32 $0xFFFFF086  }
0x25: {  	[simem:s6], [sflag:s4] =	dma.local [hbm:s3], $0xF7A  }
0x26: {  	[smem:$0x3F8A] =	sst s1;
	(tag) =	ssettag s2;
	_ =	strace s9  }
0x27: {  	s1 =	sld [smem:$0x3F9A]  }
0x28: {  	s2 =	sld [smem:$0x3F9B]  }
0x29: {  	s4 =	sld [smem:$0x3F9D]  }
0x2a: {  	p0 =	seq.s32 s5, $0x0;
	s5 =	sld [smem:$0x3F9E]  }
0x2b: {  	s6 =	sld [smem:$0x3F9F]  }
0x2c: {  	s7 =	sld [smem:$0x3FA0]  }
0x2d: {  	s3 =	simm.s32 $0x108;
	s8 =	sld [smem:$0x3FA1]  }
0x2e: {  	s3 =	simm.s32 @!p0 $0x1082;
	s9 =	sld [smem:$0x3FA2]  }
0x2f: {  	lr =	sadd.s32 s0, s3;
	s0 =	sld [smem:$0x3F99]  }
0x30: {  	s3 =	sld [smem:$0x3F9C]  }
0x31: {  	[smem:$0x3FA5] =	sst s10  }
0x32: {  	s10 =	sld [smem:$0x3FA3];
	_ =	sdelay $0x3  }
0x33: {  	p0 =	seq.s32 s10, $0x1;
	s10 =	sld [smem:$0x3FA5];
	_ =	sdelay $0x3  }
0x34: {  	[smem:$0x3FA5] =	sst s10  }
0x35: {  	s10 =	sld [smem:$0x3FA4];
	_ =	sdelay $0x3  }
0x36: {  	p1 =	seq.s32 s10, $0x1;
	s10 =	sld [smem:$0x3FA5];
	_ =	sdelay $0x3  }
0x37: {  	[smem:$0x3FA5] =	sst s10  }
0x38: {  	s10 =	sld [smem:$0x3FA6]  }
0x39: {  	_ = 	snop;
	(pc) =	sbr.ind lr, $3  }
0x3a: {  	_ = 	snop  }
0x3b: {  	_ = 	snop  }
0x3c: {  	p2 =	seq.s32 s10, $0x1;
	s10 =	sld [smem:$0x3FA5]  }
0x3d: {  	_ =	shalt  }
0x3e: {  	_ =	shalt  }
0x3f: {  	_ =	shalt  }
0x40: {  	_ =	shalt  }
0x41: {  	_ =	shalt  }
0x42: {  	_ =	shalt  }
0x43: {  	_ =	shalt  }
0x44: {  	_ =	shalt  }
0x45: {  	_ =	shalt  }
0x46: {  	_ =	shalt  }
0x47: {  	_ =	shalt  }
0x48: {  	_ =	shalt  }
0x49: {  	_ =	shalt  }
0x4a: {  	_ =	shalt  }
0x4b: {  	_ =	shalt  }
0x4c: {  	_ =	shalt  }
0x4d: {  	_ =	shalt  }
0x4e: {  	_ =	shalt  }
0x4f: {  	_ =	shalt  }
0x50: {  	_ =	shalt  }
0x51: {  	_ =	shalt  }
0x52: {  	_ =	shalt  }
0x53: {  	_ =	shalt  }
0x54: {  	_ =	shalt  }
0x55: {  	_ =	shalt  }
0x56: {  	_ =	shalt  }
0x57: {  	_ =	shalt  }
0x58: {  	_ =	shalt  }
0x59: {  	_ =	shalt  }
0x5a: {  	_ =	shalt  }
0x5b: {  	_ =	shalt  }
0x5c: {  	_ =	shalt  }
0x5d: {  	_ =	shalt  }
0x5e: {  	_ =	shalt  }
0x5f: {  	_ =	shalt  }
0x60: {  	_ =	shalt  }
0x61: {  	_ =	shalt  }
0x62: {  	_ =	shalt  }
0x63: {  	_ =	shalt  }
0x64: {  	_ =	shalt  }
0x65: {  	_ =	shalt  }
0x66: {  	_ =	shalt  }
0x67: {  	_ =	shalt  }
0x68: {  	_ =	shalt  }
0x69: {  	_ =	shalt  }
0x6a: {  	_ =	shalt  }
0x6b: {  	_ =	shalt  }
0x6c: {  	_ =	shalt  }
0x6d: {  	_ =	shalt  }
0x6e: {  	_ =	shalt  }
0x6f: {  	_ =	shalt  }
0x70: {  	_ =	shalt  }
0x71: {  	_ =	shalt  }
0x72: {  	_ =	shalt  }
0x73: {  	_ =	shalt  }
0x74: {  	_ =	shalt  }
0x75: {  	_ =	shalt  }
0x76: {  	_ =	shalt  }
0x77: {  	_ =	shalt  }
0x78: {  	_ =	shalt  }
0x79: {  	_ =	shalt  }
0x7a: {  	_ =	shalt  }
0x7b: {  	_ =	shalt  }
0x7c: {  	_ =	shalt  }
0x7d: {  	_ =	shalt  }
0x7e: {  	_ =	shalt  }
0x7f: {  	_ =	shalt  }
0x80: {  	_ =	shalt  }
0x81: {  	_ =	shalt  }
0x82: {  	_ =	shalt  }
0x83: {  	_ =	shalt  }
0x84: {  	_ =	shalt  }
0x85: {  	_ =	shalt  }
0x86: {  	_ =	shalt  }
0x87: {  	_ =	shalt  }
.Lfunc_end0:
.L_simem_size_0:
called_computation.1_lowered:
.L_overlay_start_0:
0x88: {  	s2 =	sld [smem:$0x3FD9]  }
0x89: {  	s3 =	sld [smem:$0x3FFE];
	_ =	sdelay $0x1  }
0x8a: {  	s1 =	srdreg.scid  }
0x8b: {  	s0 =	sand.u32 $0x1, s1  }
0x8c: {  	s17 =	sshll.u32 s0, $0xA;
	s2 =	sadd.s32 s3, s2  }
0x8d: {  	s2 =	sadd.s32 s2, s17  }
0x8e: {  	[smem:$0x3FB1] =	sst s2  }
0x8f: {  	_ = 	snop  }
0x90: {  	s18 =	sld [smem:$0x3FD0];
	(tm) =	ssettm $0x1  }
0x91: {  	s19 =	sld [smem:$0x3FFB];
	_ =	sdelay $0x3  }
0x92: {  	_ =	strace s19  }
0x93: {  	s2 =	sld [smem:$0x3FFC];
	_ =	sdelay $0x3  }
0x94: {  	_ =	strace s2  }
0x95: {  	s2 =	sld [smem:$0x3FFD];
	_ =	sdelay $0x3  }
0x96: {  	_ =	strace s2  }
0x97: {  	_ =	strace $0x8FFFFFFF  }
0x98: {  	s20 =	sld [smem:$0x3FDB];
	_ =	sdelay $0x1  }
0x99: {  	s4 =	simm.s32 $_scs_section_size  }
0x9a: {  	s5 =	simm.s32 $_size__tile_overlayer_lowered;
	s6 =	simm.s32 $_tile_overlayer_lowered  }
0x9b: {  	s7 =	simm.s32 $0x1BFF;
	s21 =	sshll.u32 s6, $0x1;
	s4 =	sadd.s32 s4, s20  }
0x9c: {  	s22 =	simm.s32 $0x0;
	s5 =	sshll.u32 s5, $0x1;
	s6 =	sadd.s32 s21, s4  }
0x9d: {  	[timem:s22], [sflag:s7] =	dma.local [hbm:s6], s5  }
0x9e: {  	_ =	swait.ge [sflag:s7], s5  }
0x9f: {  	s5 =	ssub.s32 $0x0, s5;
	[sflag:s7] =	ssyncset.done $0x0  }
0xa0: {  	[sflag:s7] =	ssyncadd.s32 s5;
	_ =	sdelay $0x1  }
0xa1: {  	s23 =	simm.s32 $0x1B8B  }
0xa2: {  	_ =	swait.ge [sflag:s23], $0x1  }
0xa3: {  	[sflag:s23] =	ssyncset.done $0x0  }
0xa4: {  	[sflag:s23] =	ssyncadd.s32 $0xFFFFFFFF  }
0xa5: {  	s5 =	sld [smem:$0x0]  }
0xa6: {  	s6 =	sand.u32 $0xFFFFFFFE, s1  }
0xa7: {  	p0 =	sne.s32 s1, s6  }
0xa8: {  	s6 =	sshll.u32 @p0 s6, $0xE  }
0xa9: {  	s6 =	sadd.s32 @p0 $0x11B8D, s6;
	s7 =	sshll.u32 @p0 s5, $0x11  }
0xaa: {  	s6 =	sor.u32 @p0 s7, s6  }
0xab: {  	[sflag:s6] =	ssyncadd.remote.s32 @p0 $0x1;
	_ =	sdelay $0x1  }
0xac: {  	s6 =	simm.s32 @p0 $0x1B8D  }
0xad: {  	_ =	swait.eq @p0 [sflag:s6], $0x1  }
0xae: {  	[sflag:s6] =	ssyncadd.s32 @p0 $0xFFFFFFFF  }
0xaf: {  	s7 =	sshll.u32 @!p0 s1, $0xE  }
0xb0: {  	s7 =	sor.u32 @!p0 $0x4000, s7;
	s6 =	simm.s32 @!p0 $0x1B8D  }
0xb1: {  	s5 =	sshll.u32 @!p0 s5, $0x11;
	s7 =	sadd.s32 @!p0 $0x11B8D, s7;
	_ =	swait.eq @!p0 [sflag:s6], $0x1  }
0xb2: {  	s5 =	sor.u32 @!p0 s5, s7;
	[sflag:s6] =	ssyncadd.s32 @!p0 $0xFFFFFFFF  }
0xb3: {  	s25 =	simm.s32 $0x1B8E;
	s24 =	sld [smem:$0x3FFE];
	[sflag:s5] =	ssyncadd.remote.s32 @!p0 $0x1  }
0xb4: {  	s26 =	simm.s32 $execute0_lowered;
	[smem:$0x3FD2] =	sst s25  }
0xb5: {  	s6 =	sshll.u32 s26, $0x1;
	_ =	strace $0x8000004C;
	[dreg:$0x1] =	wrdreg $0xFFFFFFFF  }
0xb6: {  	s28 =	simm.s32 $_size_execute0_lowered;
	s4 =	sadd.s32 s4, s6;
	[dreg:$0x0] =	wrdreg $0x0  }
0xb7: {  	s6 =	sshll.u32 s28, $0x1;
	[dreg:$0x2] =	wrdreg s4  }
0xb8: {  	[dreg:$0x3] =	wrdreg s6  }
0xb9: {  	[dreg:$0x4] =	wrdreg $0xC0  }
0xba: {  	_ =	task [dreg:s22], $0x5FFFF  }
0xbb: {  	[dreg:$0x1] =	wrdreg $0xFFFFFFFF  }
0xbc: {  	[dreg:$0x0] =	wrdreg $0x60  }
0xbd: {  	[dreg:$0x2] =	wrdreg s18  }
0xbe: {  	[dreg:$0x3] =	wrdreg s24  }
0xbf: {  	[dreg:$0x4] =	wrdreg $0xA  }
0xc0: {  	_ =	task.clear_ibuf [dreg:s22], $0x5FFFF;
	_ =	strace $0x9000004C  }
0xc1: {  	s29 =	simm.s32 $0xA;
	_ =	strace $0x8000004E  }
0xc2: {  	_ =	swait.ge [sflag:s29], $0x1  }
0xc3: {  	[sflag:s29] =	ssyncadd.s32 $0xFFFFFFFF  }
0xc4: {  	_ =	strace $0x9000004E  }
0xc5: {  	_ =	sfence  }
0xc6: {  	s30 =	sld [smem:$0x0];
	_ =	sdelay $0x2  }
0xc7: {  	s31 =	sshll.u32 s1, $0xD;
	s1 =	sshrl.u32 s1, $0x2  }
0xc8: {  	s4 =	sand.u32 $0x4000, s31;
	s1 =	sadd.s32 s1, s30  }
0xc9: {  	s0 =	sor.u32 s4, s0;
	s1 =	sshll.u32 s1, $0x11  }
0xca: {  	s0 =	sor.u32 s1, s0  }
0xcb: {  	s0 =	sadd.s32 $0x8F2B, s0  }
0xcc: {  	[sflag:s0] =	ssyncadd.remote.s32 $0x1  }
0xcd: {  	_ =	sfence.sel $0xFFFF  }
0xce: {  	[dreg:$0x0] =	wrdreg $0xFFFFFFFF;
	(pc) =	sbr.abs _section_cstart, $3  }
0xcf: {  	[dreg:$0x1] =	wrdreg $0xFFFFFFFF  }
0xd0: {  	_ =	task.clear_ibuf [dreg:s22], $0x2FFFF;
	_ =	strace $0x9FFFFFFF  }
0xd1: {  	(tm) =	ssettm $0x7FFFFFFF  }
tec
execute0_lowered:
.L_overlay_start_1:
0x0: {  	(tag) =	ssettag $0x1  }
0x1: {  	s1 =	srdreg.scid  }
0x2: {  	s0 =	stileid.u32;
	s2 =	rddreg [dreg:$0x0]  }
0x3: {  	s6 =	rddreg [dreg:$0x1];
	s3 =	simm.s32 $0x0;
	s11 =	simm.s32 $0x1400  }
0x4: {  	s12 =	simm.s32 $0x28;
	s13 =	simm.s32 $0x2800;
	s14 =	simm.s32 $0x3C00  }
0x5: {  	s15 =	simm.s32 $0x1;
	s5 =	sand.u32 $0x1, s1;
	s30 =	sshll.u32 s0, $0x1  }
0x6: {  	s16 =	simm.s32 $0x4;
	s17 =	simm.s32 $0x2;
	s4 =	sor.u32 s5, s30  }
0x7: {  	s18 =	simm.s32 $0x5000;
	s1 =	rddreg [dreg:$0x2];
	s4 =	smul.u32 $0x1388, s4  }
.Ltmp0:
0x8: {  	s19 =	simm.s32 $0x0;
	[smem:$0x7FF] =	sst s3;
	(pc) =	sbr.rel .LBB2_1-.Ltmp0, $4  }
0x9: {  	_ =	strace $0x8000004D;
	s8 =	ssub.s32 $0x2, s5;
	s7 =	sshrl.u32 s4, $0x3  }
0xa: {  	s5 =	sadd.s32 $0x2D000, s6;
	s31 =	sshrl.u32 s8, $0x1;
	s9 =	sadd.s32 s7, s6  }
0xb: {  	s10 =	ssub.s32 s8, s31;
	s6 =	sadd.s32 $0x2CF200, s6;
	s7 =	sadd.s32 $0x2CA200, s9  }
0xc: {  	s8 =	sadd.s32 $0x2C5200, s9;
	s9 =	smax.u32 s10, $0x1;
	s10 =	simm.s32 $0x3  }
.LBB2_9:
0xd: {  	s19 =	sadd.s32 $0x1, s19  }
0xe: {  	p0 =	sne.s32 s19, s9  }
.Ltmp1:
0xf: {  	_ = 	snop;
	(pc) =	sbr.rel @!p0 .LBB2_10-.Ltmp1, $1  }
0x10: {  	_ =	sdelay $0x3  }
.LBB2_1:
0x11: {  	[tilespmem:s3], [sflag:$0x3] =	stream.linear.gather [hbm4b:s7+s3], $0x1388, $0x38;
	[tilespmem:$0x7800] =	vst v63  }
0x12: {  	_ =	swait.ge [sflag:s10], $0x1388  }
0x13: {  	[sflag:s10] =	ssyncset.done $0x0  }
0x14: {  	[sflag:s10] =	ssyncadd.s32 $0xFFFFEC78  }
0x15: {  	[tilespmem:s11], [sflag:$0x3] =	stream.linear.gather [hbm4b:s8+s3], $0x1388, $0x38;
	[tilespmem:$0x7800] =	vst v63  }
0x16: {  	_ =	swait.ge [sflag:s10], $0x1388  }
.Ltmp2:
0x17: {  	[sflag:s10] =	ssyncset.done $0x0;
	(pc) =	sbr.rel .LBB2_2-.Ltmp2, $4  }
0x18: {  	[sflag:s10] =	ssyncadd.s32 $0xFFFFEC78  }
0x19: {  	[tilespmem:s13], [sflag:$0x1] =	stream.indirect.gather [hbm4b:s2+s12], $0x80, s3, s12, $0xb8;
	[tilespmem:$0x7800] =	vst v63  }
0x1a: {  	s20 =	simm.s32 $0x0  }
0x1b: {  	[tilespmem:s14], [sflag:$0x1] =	stream.indirect.gather [hbm4b:s5+s12], $0x80, s11, s12, $0xb8;
	[tilespmem:$0x7800] =	vst v63  }
.LBB2_8:
0x1c: {  	s20 =	sadd.s32 $0x1, s20  }
0x1d: {  	p0 =	sne.s32 s20, $0x3F  }
.Ltmp3:
0x1e: {  	_ = 	snop;
	(pc) =	sbr.rel @!p0 .LBB2_9-.Ltmp3, $1  }
0x1f: {  	_ =	sdelay $0x3  }
.LBB2_2:
0x20: {  	s21 =	sshllo.u32 s20, $0x1  }
0x21: {  	p0 =	sgt.u32 s21, $0x7C  }
0x22: {  	s22 =	smul.u32 @!p0 $0x28, s21  }
0x23: {  	s23 =	simm.s32 @!p0 $0x28;
	s24 =	simm.s32 @!p0 $0x5000  }
0x24: {  	[tilespmem:s24], [sflag:$0x2] =	stream.indirect.gather @!p0 [hbm4b:s2+s23], $0x80, s22, s23, $0xb8;
	[tilespmem:$0x7800] =	vst v63  }
0x25: {  	s22 =	sadd.s32 @!p0 $0x1400, s22;
	s24 =	simm.s32 @!p0 $0x6400  }
0x26: {  	[tilespmem:s24], [sflag:$0x2] =	stream.indirect.gather @!p0 [hbm4b:s5+s23], $0x80, s22, s23, $0xb8;
	[tilespmem:$0x7800] =	vst v63  }
0x27: {  	_ =	swait.ge [sflag:s15], $0x1400  }
0x28: {  	[sflag:s15] =	ssyncset.done $0x0  }
0x29: {  	[sflag:s15] =	ssyncadd.s32 $0xFFFFEC00  }
0x2a: {  	_ =	swait.ge [sflag:s15], $0x1400  }
0x2b: {  	[sflag:s15] =	ssyncset.done $0x0  }
0x2c: {  	s22 =	simm.s32 $0x0;
	s23 =	simm.s32 $0x200;
	[sflag:s15] =	ssyncadd.s32 $0xFFFFEC00  }
.LBB2_3:
0x2d: {  	p1 =	sne.s32 s23, $0x4E00;
	v0 =	vld [tilespmem:s22+$0x3C70]  }
0x2e: {  	v1 =	vld [tilespmem:s22+$0x3C00]  }
0x2f: {  	v2 =	vld [tilespmem:s22+$0x3C10]  }
0x30: {  	v3 =	vld [tilespmem:s22+$0x3C20]  }
0x31: {  	v4 =	vld [tilespmem:s22+$0x3C30]  }
0x32: {  	[tilespmem:s22+$0x2870] =	vst.add.f32.msk $0xffff, v0  }
0x33: {  	v0 =	vld [tilespmem:s22+$0x3C40]  }
0x34: {  	v5 =	vld [tilespmem:s22+$0x3C50]  }
0x35: {  	v6 =	vld [tilespmem:s22+$0x3C60]  }
0x36: {  	[tilespmem:s22+$0x2800] =	vst.add.f32.msk $0xffff, v1  }
0x37: {  	[tilespmem:s22+$0x2810] =	vst.add.f32.msk $0xffff, v2  }
.Ltmp4:
0x38: {  	[tilespmem:s22+$0x2820] =	vst.add.f32.msk $0xffff, v3;
	(pc) =	sbr.rel @p1 .LBB2_3-.Ltmp4, $4  }
0x39: {  	[tilespmem:s22+$0x2830] =	vst.add.f32.msk $0xffff, v4  }
0x3a: {  	[tilespmem:s22+$0x2840] =	vst.add.f32.msk $0xffff, v0  }
0x3b: {  	[tilespmem:s22+$0x2850] =	vst.add.f32.msk $0xffff, v5  }
0x3c: {  	[tilespmem:s22+$0x2860] =	vst.add.f32.msk $0xffff, v6;
	s22 =	sshra.s32 s23, $0x2;
	s23 =	sadd.s32 $0x200, s23  }
0x3d: {  	v0 =	vld [tilespmem:s22+$0x3C70]  }
0x3e: {  	v1 =	vld [tilespmem:s22+$0x3C00]  }
0x3f: {  	v2 =	vld [tilespmem:s22+$0x3C10]  }
0x40: {  	v3 =	vld [tilespmem:s22+$0x3C20]  }
0x41: {  	v4 =	vld [tilespmem:s22+$0x3C30]  }
0x42: {  	v63 =	vld [tilespmem:s22+$0x3C40]  }
0x43: {  	v5 =	vld [tilespmem:s22+$0x3C50]  }
0x44: {  	v6 =	vld [tilespmem:s22+$0x3C60]  }
0x45: {  	[tilespmem:s22+$0x2870] =	vst.add.f32.msk $0xffff, v0  }
0x46: {  	[tilespmem:s22+$0x2800] =	vst.add.f32.msk $0xffff, v1  }
0x47: {  	[tilespmem:s22+$0x2810] =	vst.add.f32.msk $0xffff, v2  }
0x48: {  	s23 =	smul.u32 $0x50, s20;
	[tilespmem:s22+$0x2820] =	vst.add.f32.msk $0xffff, v3  }
0x49: {  	[tilespmem:s22+$0x2830] =	vst.add.f32.msk $0xffff, v4  }
0x4a: {  	s24 =	sadd.s32 s4, s23;
	[tilespmem:s22+$0x2840] =	vst.add.f32.msk $0xffff, v63  }
0x4b: {  	s24 =	sshll.u32 s24, $0x4;
	[tilespmem:s22+$0x2850] =	vst.add.f32.msk $0xffff, v5  }
.Ltmp5:
0x4c: {  	s31 =	sadd.s32 s6, s24;
	[tilespmem:s22+$0x2860] =	vst.add.f32.msk $0xffff, v6;
	(pc) =	sbr.rel @p0 .LBB2_8-.Ltmp5, $4  }
0x4d: {  	[hbm4b:s31+s3] =	stream.linear.scatter [tilespmem:s13], [sflag:$0x4], $0x1400, $0x38;
	[tilespmem:$0x7800] =	vst v63  }
0x4e: {  	_ =	swait.ge [sflag:s16], $0x1400  }
0x4f: {  	[sflag:s16] =	ssyncset.done $0x0  }
0x50: {  	[sflag:s16] =	ssyncadd.s32 $0xFFFFEC00  }
0x51: {  	s22 =	sadd.s32 $0x50, s23  }
0x52: {  	[tilespmem:s13], [sflag:$0x1] =	stream.indirect.gather [hbm4b:s2+s12], $0x80, s22, s12, $0xb8;
	[tilespmem:$0x7800] =	vst v63  }
0x53: {  	s31 =	sadd.s32 $0x1450, s23  }
0x54: {  	[tilespmem:s14], [sflag:$0x1] =	stream.indirect.gather [hbm4b:s5+s12], $0x80, s31, s12, $0xb8;
	[tilespmem:$0x7800] =	vst v63  }
0x55: {  	_ =	swait.ge [sflag:s17], $0x1400  }
0x56: {  	[sflag:s17] =	ssyncset.done $0x0  }
0x57: {  	[sflag:s17] =	ssyncadd.s32 $0xFFFFEC00  }
0x58: {  	_ =	swait.ge [sflag:s17], $0x1400  }
0x59: {  	[sflag:s17] =	ssyncset.done $0x0  }
0x5a: {  	s23 =	simm.s32 $0x200;
	s22 =	simm.s32 $0x0;
	[sflag:s17] =	ssyncadd.s32 $0xFFFFEC00  }
.LBB2_6:
0x5b: {  	p0 =	sne.s32 s23, $0x4E00;
	v0 =	vld [tilespmem:s22+$0x6470]  }
0x5c: {  	v1 =	vld [tilespmem:s22+$0x6400]  }
0x5d: {  	v2 =	vld [tilespmem:s22+$0x6410]  }
0x5e: {  	v3 =	vld [tilespmem:s22+$0x6420]  }
0x5f: {  	v4 =	vld [tilespmem:s22+$0x6430]  }
0x60: {  	[tilespmem:s22+$0x5070] =	vst.add.f32.msk $0xffff, v0  }
0x61: {  	v0 =	vld [tilespmem:s22+$0x6440]  }
0x62: {  	v5 =	vld [tilespmem:s22+$0x6450]  }
0x63: {  	v6 =	vld [tilespmem:s22+$0x6460]  }
0x64: {  	[tilespmem:s22+$0x5000] =	vst.add.f32.msk $0xffff, v1  }
0x65: {  	[tilespmem:s22+$0x5010] =	vst.add.f32.msk $0xffff, v2  }
.Ltmp6:
0x66: {  	[tilespmem:s22+$0x5020] =	vst.add.f32.msk $0xffff, v3;
	(pc) =	sbr.rel @p0 .LBB2_6-.Ltmp6, $4  }
0x67: {  	[tilespmem:s22+$0x5030] =	vst.add.f32.msk $0xffff, v4  }
0x68: {  	[tilespmem:s22+$0x5040] =	vst.add.f32.msk $0xffff, v0  }
0x69: {  	[tilespmem:s22+$0x5050] =	vst.add.f32.msk $0xffff, v5  }
0x6a: {  	[tilespmem:s22+$0x5060] =	vst.add.f32.msk $0xffff, v6;
	s22 =	sshra.s32 s23, $0x2;
	s23 =	sadd.s32 $0x200, s23  }
0x6b: {  	v0 =	vld [tilespmem:s22+$0x6470]  }
0x6c: {  	v1 =	vld [tilespmem:s22+$0x6400]  }
0x6d: {  	v2 =	vld [tilespmem:s22+$0x6410]  }
0x6e: {  	v3 =	vld [tilespmem:s22+$0x6420]  }
0x6f: {  	v4 =	vld [tilespmem:s22+$0x6430]  }
0x70: {  	v63 =	vld [tilespmem:s22+$0x6440]  }
0x71: {  	v5 =	vld [tilespmem:s22+$0x6450]  }
0x72: {  	v6 =	vld [tilespmem:s22+$0x6460]  }
0x73: {  	[tilespmem:s22+$0x5070] =	vst.add.f32.msk $0xffff, v0  }
0x74: {  	[tilespmem:s22+$0x5000] =	vst.add.f32.msk $0xffff, v1  }
0x75: {  	[tilespmem:s22+$0x5010] =	vst.add.f32.msk $0xffff, v2  }
0x76: {  	s21 =	smul.u32 $0x28, s21;
	[tilespmem:s22+$0x5020] =	vst.add.f32.msk $0xffff, v3  }
0x77: {  	[tilespmem:s22+$0x5030] =	vst.add.f32.msk $0xffff, v4  }
0x78: {  	s21 =	sadd.s32 s4, s21;
	[tilespmem:s22+$0x5040] =	vst.add.f32.msk $0xffff, v63  }
0x79: {  	s21 =	sshll.u32 s21, $0x4;
	[tilespmem:s22+$0x5050] =	vst.add.f32.msk $0xffff, v5  }
.Ltmp7:
0x7a: {  	s21 =	sadd.s32 s6, s21;
	[tilespmem:s22+$0x5060] =	vst.add.f32.msk $0xffff, v6;
	(pc) =	sbr.rel .LBB2_8-.Ltmp7, $4  }
0x7b: {  	[hbm4b:s21+s3] =	stream.linear.scatter [tilespmem:s18], [sflag:$0x3], $0x1400, $0x38;
	[tilespmem:$0x7800] =	vst v63  }
0x7c: {  	_ =	swait.ge [sflag:s10], $0x1400  }
0x7d: {  	[sflag:s10] =	ssyncset.done $0x0  }
0x7e: {  	[sflag:s10] =	ssyncadd.s32 $0xFFFFEC00  }
.LBB2_10:
0x7f: {  	_ =	sfence.sel $0x180000  }
0x80: {  	[bflag:$0x0] =	sbarrier.arrive $0xFFFF  }
0x81: {  	p0 =	sne.s32 s0, $0x0;
	_ =	strace $0x9000004D  }
0x82: {  	s0 =	sadd.s32 @!p0 $0x100000, s1;
	[bflag:$0x2] =	sbarrier.arrive $0xFFFF  }
0x83: {  	[sflag:s0] =	ssyncadd.tile.s32 @!p0 $0x1;
	_ =	shalt  }
.Lfunc_end2:
_tile_overlayer_lowered:
.L_overlay_start_2:
0x84: {  	(tag) =	ssettag $0x2  }
0x85: {  	s0 =	rddreg [dreg:$0x0];
	s2 =	stileid.u32  }
0x86: {  	s1 =	rddreg [dreg:$0x1];
	p0 =	sne.s32 s2, $0x0  }
0x87: {  	s3 =	rddreg [dreg:$0x2];
	[bflag:$0x3] =	sbarrier.arrive $0xFFFF;
	s2 =	simm.s32 @!p0 $0x1C03  }
0x88: {  	[timem:s3], [sflag:s2] =	dma.local @!p0 [hbm:s0], s1  }
0x89: {  	s0 =	simm.s32 @!p0 $0x3  }
0x8a: {  	_ =	swait.ge @!p0 [sflag:s0], s1  }
0x8b: {  	s1 =	ssub.s32 @!p0 $0x0, s1;
	[sflag:s0] =	ssyncset.done @!p0 $0x0  }
0x8c: {  	[sflag:s0] =	ssyncadd.s32 @!p0 s1  }
0x8d: {  	[bflag:$0x3] =	sbarrier.arrive $0xFFFF  }
0x8e: {  	_ =	shalt  }

// kernel: kernel.16.cloned.1.call-start
scs
__scs_entry_jumppad:
0x0: {  	(pc) =	sbr.rel $0x88, $3  }
0x1: {  	(tag) =	ssettag $0x0;
	lr =	simm.s32 $0x1  }
0x2: {  	[smem:$0x3F8A] =	sst lr;
	_ =	strace $0xD0000000  }
0x3: {  	_ = 	snop  }
0x4: {  	_ = 	snop  }
0x5: {  	_ = 	snop  }
0x6: {  	_ = 	snop  }
0x7: {  	_ = 	snop  }
__scs_overlays_trampoline_lowered:
0x8: {  	[smem:$0x3F99] =	sst s0  }
0x9: {  	[smem:$0x3F9A] =	sst s1  }
0xa: {  	[smem:$0x3F9B] =	sst s2  }
0xb: {  	[smem:$0x3F9C] =	sst s3  }
0xc: {  	[smem:$0x3F9D] =	sst s4  }
0xd: {  	[smem:$0x3F9E] =	sst s5  }
0xe: {  	[smem:$0x3F9F] =	sst s6  }
0xf: {  	[smem:$0x3FA0] =	sst s7  }
0x10: {  	[smem:$0x3FA1] =	sst s8  }
0x11: {  	[smem:$0x3FA2] =	sst s9;
	s0 =	simm.s32 @!p0 $0x0  }
0x12: {  	s1 =	sld [smem:$0x3F88];
	s0 =	simm.s32 @p0 $0x1  }
0x13: {  	[smem:$0x3FA3] =	sst s0;
	s0 =	simm.s32 @!p1 $0x0  }
0x14: {  	s2 =	sld [smem:$0x3F87];
	s0 =	simm.s32 @p1 $0x1  }
0x15: {  	[smem:$0x3FA4] =	sst s0;
	s0 =	simm.s32 @!p2 $0x0  }
0x16: {  	s3 =	sld [smem:$0x3FDB];
	s0 =	simm.s32 @p2 $0x1  }
0x17: {  	s4 =	simm.s32 $0x1BF5;
	[smem:$0x3FA6] =	sst s0  }
0x18: {  	s0 =	sld [smem:$0x3F89];
	_ =	swait.ge [sflag:s4], $0x0  }
0x19: {  	s7 =	sld [smem:$0x3F8A]  }
0x1a: {  	s8 =	sadd.s32 $0xFFFFE003, lr  }
0x1b: {  	s9 =	sadd.s32 $0xFFFFFEF7, lr;
	s5 =	simm.s32 $0xFFFFFFFF;
	p2 =	slt.u32 s8, $0xFFFFF086  }
0x1c: {  	p1 =	slt.u32 s9, $0xF7A;
	s5 =	simm.s32 @!p2 $0x0  }
0x1d: {  	s5 =	simm.s32 @p1 $0x1;
	p0 =	seq.s32 s7, s2  }
0x1e: {  	s7 =	smul.u32 @!p0 $0xF7A, s2;
	p2 =	seq.s32 @!p0 s5, $0x0  }
0x1f: {  	s9 =	smul.u32 $0xF7A, s1;
	s8 =	simm.s32 @!p0 $0x1BF5;
	p2 =	por !p2, p0  }
0x20: {  	[sflag:s8] =	ssyncset.s32 @!p0 $0xFFFFF086;
	s6 =	sadd.s32 @!p0 s3, s7;
	s7 =	simm.s32 @!p0 $0x108  }
0x21: {  	s3 =	sadd.s32 s3, s9;
	s6 =	sadd.s32 @!p0 $0x88, s6;
	s7 =	simm.s32 @p2 $0x1082  }
0x22: {  	[simem:s7], [sflag:s8] =	dma.local @!p0 [hbm:s6], $0xF7A  }
0x23: {  	s9 =	sor.u32 $0xD0000000, s2;
	s6 =	simm.s32 $0x108;
	_ =	swait.ge @!p0 [sflag:s8], $0x0  }
0x24: {  	s3 =	sadd.s32 $0x88, s3;
	s6 =	simm.s32 @!p1 $0x1082;
	[sflag:s4] =	ssyncset.s32 $0xFFFFF086  }
0x25: {  	[simem:s6], [sflag:s4] =	dma.local [hbm:s3], $0xF7A  }
0x26: {  	[smem:$0x3F8A] =	sst s1;
	(tag) =	ssettag s2;
	_ =	strace s9  }
0x27: {  	s1 =	sld [smem:$0x3F9A]  }
0x28: {  	s2 =	sld [smem:$0x3F9B]  }
0x29: {  	s4 =	sld [smem:$0x3F9D]  }
0x2a: {  	p0 =	seq.s32 s5, $0x0;
	s5 =	sld [smem:$0x3F9E]  }
0x2b: {  	s6 =	sld [smem:$0x3F9F]  }
0x2c: {  	s7 =	sld [smem:$0x3FA0]  }
0x2d: {  	s3 =	simm.s32 $0x108;
	s8 =	sld [smem:$0x3FA1]  }
0x2e: {  	s3 =	simm.s32 @!p0 $0x1082;
	s9 =	sld [smem:$0x3FA2]  }
0x2f: {  	lr =	sadd.s32 s0, s3;
	s0 =	sld [smem:$0x3F99]  }
0x30: {  	s3 =	sld [smem:$0x3F9C]  }
0x31: {  	[smem:$0x3FA5] =	sst s10  }
0x32: {  	s10 =	sld [smem:$0x3FA3];
	_ =	sdelay $0x3  }
0x33: {  	p0 =	seq.s32 s10, $0x1;
	s10 =	sld [smem:$0x3FA5];
	_ =	sdelay $0x3  }
0x34: {  	[smem:$0x3FA5] =	sst s10  }
0x35: {  	s10 =	sld [smem:$0x3FA4];
	_ =	sdelay $0x3  }
0x36: {  	p1 =	seq.s32 s10, $0x1;
	s10 =	sld [smem:$0x3FA5];
	_ =	sdelay $0x3  }
0x37: {  	[smem:$0x3FA5] =	sst s10  }
0x38: {  	s10 =	sld [smem:$0x3FA6]  }
0x39: {  	_ = 	snop;
	(pc) =	sbr.ind lr, $3  }
0x3a: {  	_ = 	snop  }
0x3b: {  	_ = 	snop  }
0x3c: {  	p2 =	seq.s32 s10, $0x1;
	s10 =	sld [smem:$0x3FA5]  }
0x3d: {  	_ =	shalt  }
0x3e: {  	_ =	shalt  }
0x3f: {  	_ =	shalt  }
0x40: {  	_ =	shalt  }
0x41: {  	_ =	shalt  }
0x42: {  	_ =	shalt  }
0x43: {  	_ =	shalt  }
0x44: {  	_ =	shalt  }
0x45: {  	_ =	shalt  }
0x46: {  	_ =	shalt  }
0x47: {  	_ =	shalt  }
0x48: {  	_ =	shalt  }
0x49: {  	_ =	shalt  }
0x4a: {  	_ =	shalt  }
0x4b: {  	_ =	shalt  }
0x4c: {  	_ =	shalt  }
0x4d: {  	_ =	shalt  }
0x4e: {  	_ =	shalt  }
0x4f: {  	_ =	shalt  }
0x50: {  	_ =	shalt  }
0x51: {  	_ =	shalt  }
0x52: {  	_ =	shalt  }
0x53: {  	_ =	shalt  }
0x54: {  	_ =	shalt  }
0x55: {  	_ =	shalt  }
0x56: {  	_ =	shalt  }
0x57: {  	_ =	shalt  }
0x58: {  	_ =	shalt  }
0x59: {  	_ =	shalt  }
0x5a: {  	_ =	shalt  }
0x5b: {  	_ =	shalt  }
0x5c: {  	_ =	shalt  }
0x5d: {  	_ =	shalt  }
0x5e: {  	_ =	shalt  }
0x5f: {  	_ =	shalt  }
0x60: {  	_ =	shalt  }
0x61: {  	_ =	shalt  }
0x62: {  	_ =	shalt  }
0x63: {  	_ =	shalt  }
0x64: {  	_ =	shalt  }
0x65: {  	_ =	shalt  }
0x66: {  	_ =	shalt  }
0x67: {  	_ =	shalt  }
0x68: {  	_ =	shalt  }
0x69: {  	_ =	shalt  }
0x6a: {  	_ =	shalt  }
0x6b: {  	_ =	shalt  }
0x6c: {  	_ =	shalt  }
0x6d: {  	_ =	shalt  }
0x6e: {  	_ =	shalt  }
0x6f: {  	_ =	shalt  }
0x70: {  	_ =	shalt  }
0x71: {  	_ =	shalt  }
0x72: {  	_ =	shalt  }
0x73: {  	_ =	shalt  }
0x74: {  	_ =	shalt  }
0x75: {  	_ =	shalt  }
0x76: {  	_ =	shalt  }
0x77: {  	_ =	shalt  }
0x78: {  	_ =	shalt  }
0x79: {  	_ =	shalt  }
0x7a: {  	_ =	shalt  }
0x7b: {  	_ =	shalt  }
0x7c: {  	_ =	shalt  }
0x7d: {  	_ =	shalt  }
0x7e: {  	_ =	shalt  }
0x7f: {  	_ =	shalt  }
0x80: {  	_ =	shalt  }
0x81: {  	_ =	shalt  }
0x82: {  	_ =	shalt  }
0x83: {  	_ =	shalt  }
0x84: {  	_ =	shalt  }
0x85: {  	_ =	shalt  }
0x86: {  	_ =	shalt  }
0x87: {  	_ =	shalt  }
.Lfunc_end0:
.L_simem_size_0:
called_computation.2_lowered:
.L_overlay_start_0:
0x88: {  	s2 =	sld [smem:$0x3FD9]  }
0x89: {  	s3 =	sld [smem:$0x3FFE];
	_ =	sdelay $0x1  }
0x8a: {  	s1 =	srdreg.scid  }
0x8b: {  	s0 =	sand.u32 $0x1, s1  }
0x8c: {  	s17 =	sshll.u32 s0, $0xA;
	s2 =	sadd.s32 s3, s2  }
0x8d: {  	s2 =	sadd.s32 s2, s17  }
0x8e: {  	[smem:$0x3FB1] =	sst s2  }
0x8f: {  	_ = 	snop  }
0x90: {  	s18 =	sld [smem:$0x3FD0];
	(tm) =	ssettm $0x1  }
0x91: {  	s19 =	sld [smem:$0x3FFB];
	_ =	sdelay $0x3  }
0x92: {  	_ =	strace s19  }
0x93: {  	s2 =	sld [smem:$0x3FFC];
	_ =	sdelay $0x3  }
0x94: {  	_ =	strace s2  }
0x95: {  	s2 =	sld [smem:$0x3FFD];
	_ =	sdelay $0x3  }
0x96: {  	_ =	strace s2  }
0x97: {  	_ =	strace $0x8FFFFFFF  }
0x98: {  	s20 =	sld [smem:$0x3FDB];
	_ =	sdelay $0x1  }
0x99: {  	s4 =	simm.s32 $_scs_section_size  }
0x9a: {  	s5 =	simm.s32 $_size__tile_overlayer_lowered;
	s6 =	simm.s32 $_tile_overlayer_lowered  }
0x9b: {  	s7 =	simm.s32 $0x1BFF;
	s21 =	sshll.u32 s6, $0x1;
	s4 =	sadd.s32 s4, s20  }
0x9c: {  	s22 =	simm.s32 $0x0;
	s5 =	sshll.u32 s5, $0x1;
	s6 =	sadd.s32 s21, s4  }
0x9d: {  	[timem:s22], [sflag:s7] =	dma.local [hbm:s6], s5  }
0x9e: {  	_ =	swait.ge [sflag:s7], s5  }
0x9f: {  	s5 =	ssub.s32 $0x0, s5;
	[sflag:s7] =	ssyncset.done $0x0  }
0xa0: {  	[sflag:s7] =	ssyncadd.s32 s5;
	_ =	sdelay $0x1  }
0xa1: {  	s23 =	simm.s32 $0x1B8B  }
0xa2: {  	_ =	swait.ge [sflag:s23], $0x1  }
0xa3: {  	[sflag:s23] =	ssyncset.done $0x0  }
0xa4: {  	[sflag:s23] =	ssyncadd.s32 $0xFFFFFFFF  }
0xa5: {  	s5 =	sld [smem:$0x0]  }
0xa6: {  	s6 =	sand.u32 $0xFFFFFFFE, s1  }
0xa7: {  	p0 =	sne.s32 s1, s6  }
0xa8: {  	s6 =	sshll.u32 @p0 s6, $0xE  }
0xa9: {  	s6 =	sadd.s32 @p0 $0x11B8D, s6;
	s7 =	sshll.u32 @p0 s5, $0x11  }
0xaa: {  	s6 =	sor.u32 @p0 s7, s6  }
0xab: {  	[sflag:s6] =	ssyncadd.remote.s32 @p0 $0x1;
	_ =	sdelay $0x1  }
0xac: {  	s6 =	simm.s32 @p0 $0x1B8D  }
0xad: {  	_ =	swait.eq @p0 [sflag:s6], $0x1  }
0xae: {  	[sflag:s6] =	ssyncadd.s32 @p0 $0xFFFFFFFF  }
0xaf: {  	s7 =	sshll.u32 @!p0 s1, $0xE  }
0xb0: {  	s7 =	sor.u32 @!p0 $0x4000, s7;
	s6 =	simm.s32 @!p0 $0x1B8D  }
0xb1: {  	s5 =	sshll.u32 @!p0 s5, $0x11;
	s7 =	sadd.s32 @!p0 $0x11B8D, s7;
	_ =	swait.eq @!p0 [sflag:s6], $0x1  }
0xb2: {  	s5 =	sor.u32 @!p0 s5, s7;
	[sflag:s6] =	ssyncadd.s32 @!p0 $0xFFFFFFFF  }
0xb3: {  	s25 =	simm.s32 $0x1B8E;
	s24 =	sld [smem:$0x3FFE];
	[sflag:s5] =	ssyncadd.remote.s32 @!p0 $0x1  }
0xb4: {  	s26 =	simm.s32 $execute0_lowered;
	[smem:$0x3FD2] =	sst s25  }
0xb5: {  	s6 =	sshll.u32 s26, $0x1;
	_ =	strace $0x80000049;
	[dreg:$0x1] =	wrdreg $0xFFFFFFFF  }
0xb6: {  	s28 =	simm.s32 $_size_execute0_lowered;
	s4 =	sadd.s32 s4, s6;
	[dreg:$0x0] =	wrdreg $0x0  }
0xb7: {  	s6 =	sshll.u32 s28, $0x1;
	[dreg:$0x2] =	wrdreg s4  }
0xb8: {  	[dreg:$0x3] =	wrdreg s6  }
0xb9: {  	[dreg:$0x4] =	wrdreg $0xC0  }
0xba: {  	_ =	task [dreg:s22], $0x5FFFF  }
0xbb: {  	[dreg:$0x1] =	wrdreg $0xFFFFFFFF  }
0xbc: {  	[dreg:$0x0] =	wrdreg $0x60  }
0xbd: {  	[dreg:$0x2] =	wrdreg s18  }
0xbe: {  	[dreg:$0x3] =	wrdreg s24  }
0xbf: {  	[dreg:$0x4] =	wrdreg $0xB  }
0xc0: {  	_ =	task.clear_ibuf [dreg:s22], $0x5FFFF;
	_ =	strace $0x90000049  }
0xc1: {  	s29 =	simm.s32 $0xB;
	_ =	strace $0x8000004B  }
0xc2: {  	_ =	swait.ge [sflag:s29], $0x1  }
0xc3: {  	[sflag:s29] =	ssyncadd.s32 $0xFFFFFFFF  }
0xc4: {  	_ =	strace $0x9000004B  }
0xc5: {  	_ =	sfence  }
0xc6: {  	s30 =	sld [smem:$0x0];
	_ =	sdelay $0x2  }
0xc7: {  	s31 =	sshll.u32 s1, $0xD;
	s1 =	sshrl.u32 s1, $0x2  }
0xc8: {  	s4 =	sand.u32 $0x4000, s31;
	s1 =	sadd.s32 s1, s30  }
0xc9: {  	s0 =	sor.u32 s4, s0;
	s1 =	sshll.u32 s1, $0x11  }
0xca: {  	s0 =	sor.u32 s1, s0  }
0xcb: {  	s0 =	sadd.s32 $0x8F2B, s0  }
0xcc: {  	[sflag:s0] =	ssyncadd.remote.s32 $0x1  }
0xcd: {  	_ =	sfence.sel $0xFFFF  }
0xce: {  	[dreg:$0x0] =	wrdreg $0xFFFFFFFF;
	(pc) =	sbr.abs _section_cstart, $3  }
0xcf: {  	[dreg:$0x1] =	wrdreg $0xFFFFFFFF  }
0xd0: {  	_ =	task.clear_ibuf [dreg:s22], $0x2FFFF;
	_ =	strace $0x9FFFFFFF  }
0xd1: {  	(tm) =	ssettm $0x7FFFFFFF  }
tec
execute0_lowered:
.L_overlay_start_1:
0x0: {  	(tag) =	ssettag $0x1  }
0x1: {  	s1 =	srdreg.scid  }
0x2: {  	s0 =	stileid.u32;
	s2 =	rddreg [dreg:$0x0]  }
0x3: {  	s6 =	rddreg [dreg:$0x1];
	s3 =	simm.s32 $0x0;
	s11 =	simm.s32 $0x1400  }
0x4: {  	s12 =	simm.s32 $0x28;
	s13 =	simm.s32 $0x2800;
	s14 =	simm.s32 $0x3C00  }
0x5: {  	s15 =	simm.s32 $0x1;
	s5 =	sand.u32 $0x1, s1;
	s30 =	sshll.u32 s0, $0x1  }
0x6: {  	s16 =	simm.s32 $0x4;
	s17 =	simm.s32 $0x2;
	s4 =	sor.u32 s5, s30  }
0x7: {  	s18 =	simm.s32 $0x5000;
	s1 =	rddreg [dreg:$0x2];
	s4 =	smul.u32 $0x1388, s4  }
.Ltmp0:
0x8: {  	s19 =	simm.s32 $0x0;
	[smem:$0x7FF] =	sst s3;
	(pc) =	sbr.rel .LBB2_1-.Ltmp0, $4  }
0x9: {  	_ =	strace $0x8000004A;
	s8 =	ssub.s32 $0x2, s5;
	s7 =	sshrl.u32 s4, $0x3  }
0xa: {  	s5 =	sadd.s32 $0x2D000, s6;
	s31 =	sshrl.u32 s8, $0x1;
	s9 =	sadd.s32 s7, s6  }
0xb: {  	s10 =	ssub.s32 s8, s31;
	s6 =	sadd.s32 $0x54200, s6;
	s7 =	sadd.s32 $0x23000, s9  }
0xc: {  	s8 =	sadd.s32 $0x28000, s9;
	s9 =	smax.u32 s10, $0x1;
	s10 =	simm.s32 $0x3  }
.LBB2_9:
0xd: {  	s19 =	sadd.s32 $0x1, s19  }
0xe: {  	p0 =	sne.s32 s19, s9  }
.Ltmp1:
0xf: {  	_ = 	snop;
	(pc) =	sbr.rel @!p0 .LBB2_10-.Ltmp1, $1  }
0x10: {  	_ =	sdelay $0x3  }
.LBB2_1:
0x11: {  	[tilespmem:s3], [sflag:$0x3] =	stream.linear.gather [hbm4b:s7+s3], $0x1388, $0x38;
	[tilespmem:$0x7800] =	vst v63  }
0x12: {  	_ =	swait.ge [sflag:s10], $0x1388  }
0x13: {  	[sflag:s10] =	ssyncset.done $0x0  }
0x14: {  	[sflag:s10] =	ssyncadd.s32 $0xFFFFEC78  }
0x15: {  	[tilespmem:s11], [sflag:$0x3] =	stream.linear.gather [hbm4b:s8+s3], $0x1388, $0x38;
	[tilespmem:$0x7800] =	vst v63  }
0x16: {  	_ =	swait.ge [sflag:s10], $0x1388  }
.Ltmp2:
0x17: {  	[sflag:s10] =	ssyncset.done $0x0;
	(pc) =	sbr.rel .LBB2_2-.Ltmp2, $4  }
0x18: {  	[sflag:s10] =	ssyncadd.s32 $0xFFFFEC78  }
0x19: {  	[tilespmem:s13], [sflag:$0x1] =	stream.indirect.gather [hbm4b:s2+s12], $0x80, s3, s12, $0xb8;
	[tilespmem:$0x7800] =	vst v63  }
0x1a: {  	s20 =	simm.s32 $0x0  }
0x1b: {  	[tilespmem:s14], [sflag:$0x1] =	stream.indirect.gather [hbm4b:s5+s12], $0x80, s11, s12, $0xb8;
	[tilespmem:$0x7800] =	vst v63  }
.LBB2_8:
0x1c: {  	s20 =	sadd.s32 $0x1, s20  }
0x1d: {  	p0 =	sne.s32 s20, $0x3F  }
.Ltmp3:
0x1e: {  	_ = 	snop;
	(pc) =	sbr.rel @!p0 .LBB2_9-.Ltmp3, $1  }
0x1f: {  	_ =	sdelay $0x3  }
.LBB2_2:
0x20: {  	s21 =	sshllo.u32 s20, $0x1  }
0x21: {  	p0 =	sgt.u32 s21, $0x7C  }
0x22: {  	s22 =	smul.u32 @!p0 $0x28, s21  }
0x23: {  	s23 =	simm.s32 @!p0 $0x28;
	s24 =	simm.s32 @!p0 $0x5000  }
0x24: {  	[tilespmem:s24], [sflag:$0x2] =	stream.indirect.gather @!p0 [hbm4b:s2+s23], $0x80, s22, s23, $0xb8;
	[tilespmem:$0x7800] =	vst v63  }
0x25: {  	s22 =	sadd.s32 @!p0 $0x1400, s22;
	s24 =	simm.s32 @!p0 $0x6400  }
0x26: {  	[tilespmem:s24], [sflag:$0x2] =	stream.indirect.gather @!p0 [hbm4b:s5+s23], $0x80, s22, s23, $0xb8;
	[tilespmem:$0x7800] =	vst v63  }
0x27: {  	_ =	swait.ge [sflag:s15], $0x1400  }
0x28: {  	[sflag:s15] =	ssyncset.done $0x0  }
0x29: {  	[sflag:s15] =	ssyncadd.s32 $0xFFFFEC00  }
0x2a: {  	_ =	swait.ge [sflag:s15], $0x1400  }
0x2b: {  	[sflag:s15] =	ssyncset.done $0x0  }
0x2c: {  	s22 =	simm.s32 $0x0;
	s23 =	simm.s32 $0x200;
	[sflag:s15] =	ssyncadd.s32 $0xFFFFEC00  }
.LBB2_3:
0x2d: {  	p1 =	sne.s32 s23, $0x4E00;
	v0 =	vld [tilespmem:s22+$0x3C70]  }
0x2e: {  	v1 =	vld [tilespmem:s22+$0x3C00]  }
0x2f: {  	v2 =	vld [tilespmem:s22+$0x3C10]  }
0x30: {  	v3 =	vld [tilespmem:s22+$0x3C20]  }
0x31: {  	v4 =	vld [tilespmem:s22+$0x3C30]  }
0x32: {  	[tilespmem:s22+$0x2870] =	vst.add.f32.msk $0xffff, v0  }
0x33: {  	v0 =	vld [tilespmem:s22+$0x3C40]  }
0x34: {  	v5 =	vld [tilespmem:s22+$0x3C50]  }
0x35: {  	v6 =	vld [tilespmem:s22+$0x3C60]  }
0x36: {  	[tilespmem:s22+$0x2800] =	vst.add.f32.msk $0xffff, v1  }
0x37: {  	[tilespmem:s22+$0x2810] =	vst.add.f32.msk $0xffff, v2  }
.Ltmp4:
0x38: {  	[tilespmem:s22+$0x2820] =	vst.add.f32.msk $0xffff, v3;
	(pc) =	sbr.rel @p1 .LBB2_3-.Ltmp4, $4  }
0x39: {  	[tilespmem:s22+$0x2830] =	vst.add.f32.msk $0xffff, v4  }
0x3a: {  	[tilespmem:s22+$0x2840] =	vst.add.f32.msk $0xffff, v0  }
0x3b: {  	[tilespmem:s22+$0x2850] =	vst.add.f32.msk $0xffff, v5  }
0x3c: {  	[tilespmem:s22+$0x2860] =	vst.add.f32.msk $0xffff, v6;
	s22 =	sshra.s32 s23, $0x2;
	s23 =	sadd.s32 $0x200, s23  }
0x3d: {  	v0 =	vld [tilespmem:s22+$0x3C70]  }
0x3e: {  	v1 =	vld [tilespmem:s22+$0x3C00]  }
0x3f: {  	v2 =	vld [tilespmem:s22+$0x3C10]  }
0x40: {  	v3 =	vld [tilespmem:s22+$0x3C20]  }
0x41: {  	v4 =	vld [tilespmem:s22+$0x3C30]  }
0x42: {  	v63 =	vld [tilespmem:s22+$0x3C40]  }
0x43: {  	v5 =	vld [tilespmem:s22+$0x3C50]  }
0x44: {  	v6 =	vld [tilespmem:s22+$0x3C60]  }
0x45: {  	[tilespmem:s22+$0x2870] =	vst.add.f32.msk $0xffff, v0  }
0x46: {  	[tilespmem:s22+$0x2800] =	vst.add.f32.msk $0xffff, v1  }
0x47: {  	[tilespmem:s22+$0x2810] =	vst.add.f32.msk $0xffff, v2  }
0x48: {  	s23 =	smul.u32 $0x50, s20;
	[tilespmem:s22+$0x2820] =	vst.add.f32.msk $0xffff, v3  }
0x49: {  	[tilespmem:s22+$0x2830] =	vst.add.f32.msk $0xffff, v4  }
0x4a: {  	s24 =	sadd.s32 s4, s23;
	[tilespmem:s22+$0x2840] =	vst.add.f32.msk $0xffff, v63  }
0x4b: {  	s24 =	sshll.u32 s24, $0x4;
	[tilespmem:s22+$0x2850] =	vst.add.f32.msk $0xffff, v5  }
.Ltmp5:
0x4c: {  	s31 =	sadd.s32 s6, s24;
	[tilespmem:s22+$0x2860] =	vst.add.f32.msk $0xffff, v6;
	(pc) =	sbr.rel @p0 .LBB2_8-.Ltmp5, $4  }
0x4d: {  	[hbm4b:s31+s3] =	stream.linear.scatter [tilespmem:s13], [sflag:$0x4], $0x1400, $0x38;
	[tilespmem:$0x7800] =	vst v63  }
0x4e: {  	_ =	swait.ge [sflag:s16], $0x1400  }
0x4f: {  	[sflag:s16] =	ssyncset.done $0x0  }
0x50: {  	[sflag:s16] =	ssyncadd.s32 $0xFFFFEC00  }
0x51: {  	s22 =	sadd.s32 $0x50, s23  }
0x52: {  	[tilespmem:s13], [sflag:$0x1] =	stream.indirect.gather [hbm4b:s2+s12], $0x80, s22, s12, $0xb8;
	[tilespmem:$0x7800] =	vst v63  }
0x53: {  	s31 =	sadd.s32 $0x1450, s23  }
0x54: {  	[tilespmem:s14], [sflag:$0x1] =	stream.indirect.gather [hbm4b:s5+s12], $0x80, s31, s12, $0xb8;
	[tilespmem:$0x7800] =	vst v63  }
0x55: {  	_ =	swait.ge [sflag:s17], $0x1400  }
0x56: {  	[sflag:s17] =	ssyncset.done $0x0  }
0x57: {  	[sflag:s17] =	ssyncadd.s32 $0xFFFFEC00  }
0x58: {  	_ =	swait.ge [sflag:s17], $0x1400  }
0x59: {  	[sflag:s17] =	ssyncset.done $0x0  }
0x5a: {  	s23 =	simm.s32 $0x200;
	s22 =	simm.s32 $0x0;
	[sflag:s17] =	ssyncadd.s32 $0xFFFFEC00  }
.LBB2_6:
0x5b: {  	p0 =	sne.s32 s23, $0x4E00;
	v0 =	vld [tilespmem:s22+$0x6470]  }
0x5c: {  	v1 =	vld [tilespmem:s22+$0x6400]  }
0x5d: {  	v2 =	vld [tilespmem:s22+$0x6410]  }
0x5e: {  	v3 =	vld [tilespmem:s22+$0x6420]  }
0x5f: {  	v4 =	vld [tilespmem:s22+$0x6430]  }
0x60: {  	[tilespmem:s22+$0x5070] =	vst.add.f32.msk $0xffff, v0  }
0x61: {  	v0 =	vld [tilespmem:s22+$0x6440]  }
0x62: {  	v5 =	vld [tilespmem:s22+$0x6450]  }
0x63: {  	v6 =	vld [tilespmem:s22+$0x6460]  }
0x64: {  	[tilespmem:s22+$0x5000] =	vst.add.f32.msk $0xffff, v1  }
0x65: {  	[tilespmem:s22+$0x5010] =	vst.add.f32.msk $0xffff, v2  }
.Ltmp6:
0x66: {  	[tilespmem:s22+$0x5020] =	vst.add.f32.msk $0xffff, v3;
	(pc) =	sbr.rel @p0 .LBB2_6-.Ltmp6, $4  }
0x67: {  	[tilespmem:s22+$0x5030] =	vst.add.f32.msk $0xffff, v4  }
0x68: {  	[tilespmem:s22+$0x5040] =	vst.add.f32.msk $0xffff, v0  }
0x69: {  	[tilespmem:s22+$0x5050] =	vst.add.f32.msk $0xffff, v5  }
0x6a: {  	[tilespmem:s22+$0x5060] =	vst.add.f32.msk $0xffff, v6;
	s22 =	sshra.s32 s23, $0x2;
	s23 =	sadd.s32 $0x200, s23  }
0x6b: {  	v0 =	vld [tilespmem:s22+$0x6470]  }
0x6c: {  	v1 =	vld [tilespmem:s22+$0x6400]  }
0x6d: {  	v2 =	vld [tilespmem:s22+$0x6410]  }
0x6e: {  	v3 =	vld [tilespmem:s22+$0x6420]  }
0x6f: {  	v4 =	vld [tilespmem:s22+$0x6430]  }
0x70: {  	v63 =	vld [tilespmem:s22+$0x6440]  }
0x71: {  	v5 =	vld [tilespmem:s22+$0x6450]  }
0x72: {  	v6 =	vld [tilespmem:s22+$0x6460]  }
0x73: {  	[tilespmem:s22+$0x5070] =	vst.add.f32.msk $0xffff, v0  }
0x74: {  	[tilespmem:s22+$0x5000] =	vst.add.f32.msk $0xffff, v1  }
0x75: {  	[tilespmem:s22+$0x5010] =	vst.add.f32.msk $0xffff, v2  }
0x76: {  	s21 =	smul.u32 $0x28, s21;
	[tilespmem:s22+$0x5020] =	vst.add.f32.msk $0xffff, v3  }
0x77: {  	[tilespmem:s22+$0x5030] =	vst.add.f32.msk $0xffff, v4  }
0x78: {  	s21 =	sadd.s32 s4, s21;
	[tilespmem:s22+$0x5040] =	vst.add.f32.msk $0xffff, v63  }
0x79: {  	s21 =	sshll.u32 s21, $0x4;
	[tilespmem:s22+$0x5050] =	vst.add.f32.msk $0xffff, v5  }
.Ltmp7:
0x7a: {  	s21 =	sadd.s32 s6, s21;
	[tilespmem:s22+$0x5060] =	vst.add.f32.msk $0xffff, v6;
	(pc) =	sbr.rel .LBB2_8-.Ltmp7, $4  }
0x7b: {  	[hbm4b:s21+s3] =	stream.linear.scatter [tilespmem:s18], [sflag:$0x3], $0x1400, $0x38;
	[tilespmem:$0x7800] =	vst v63  }
0x7c: {  	_ =	swait.ge [sflag:s10], $0x1400  }
0x7d: {  	[sflag:s10] =	ssyncset.done $0x0  }
0x7e: {  	[sflag:s10] =	ssyncadd.s32 $0xFFFFEC00  }
.LBB2_10:
0x7f: {  	_ =	sfence.sel $0x180000  }
0x80: {  	[bflag:$0x0] =	sbarrier.arrive $0xFFFF  }
0x81: {  	p0 =	sne.s32 s0, $0x0;
	_ =	strace $0x9000004A  }
0x82: {  	s0 =	sadd.s32 @!p0 $0x100000, s1;
	[bflag:$0x2] =	sbarrier.arrive $0xFFFF  }
0x83: {  	[sflag:s0] =	ssyncadd.tile.s32 @!p0 $0x1;
	_ =	shalt  }
.Lfunc_end2:
_tile_overlayer_lowered:
.L_overlay_start_2:
0x84: {  	(tag) =	ssettag $0x2  }
0x85: {  	s0 =	rddreg [dreg:$0x0];
	s2 =	stileid.u32  }
0x86: {  	s1 =	rddreg [dreg:$0x1];
	p0 =	sne.s32 s2, $0x0  }
0x87: {  	s3 =	rddreg [dreg:$0x2];
	[bflag:$0x3] =	sbarrier.arrive $0xFFFF;
	s2 =	simm.s32 @!p0 $0x1C03  }
0x88: {  	[timem:s3], [sflag:s2] =	dma.local @!p0 [hbm:s0], s1  }
0x89: {  	s0 =	simm.s32 @!p0 $0x3  }
0x8a: {  	_ =	swait.ge @!p0 [sflag:s0], s1  }
0x8b: {  	s1 =	ssub.s32 @!p0 $0x0, s1;
	[sflag:s0] =	ssyncset.done @!p0 $0x0  }
0x8c: {  	[sflag:s0] =	ssyncadd.s32 @!p0 s1  }
0x8d: {  	[bflag:$0x3] =	sbarrier.arrive $0xFFFF  }
0x8e: {  	_ =	shalt  }

// kernel: kernel.19.cloned.1.call-start
scs
__scs_entry_jumppad:
0x0: {  	(pc) =	sbr.rel $0x88, $3  }
0x1: {  	(tag) =	ssettag $0x0;
	lr =	simm.s32 $0x1  }
0x2: {  	[smem:$0x3F8A] =	sst lr;
	_ =	strace $0xD0000000  }
0x3: {  	_ = 	snop  }
0x4: {  	_ = 	snop  }
0x5: {  	_ = 	snop  }
0x6: {  	_ = 	snop  }
0x7: {  	_ = 	snop  }
__scs_overlays_trampoline_lowered:
0x8: {  	[smem:$0x3F99] =	sst s0  }
0x9: {  	[smem:$0x3F9A] =	sst s1  }
0xa: {  	[smem:$0x3F9B] =	sst s2  }
0xb: {  	[smem:$0x3F9C] =	sst s3  }
0xc: {  	[smem:$0x3F9D] =	sst s4  }
0xd: {  	[smem:$0x3F9E] =	sst s5  }
0xe: {  	[smem:$0x3F9F] =	sst s6  }
0xf: {  	[smem:$0x3FA0] =	sst s7  }
0x10: {  	[smem:$0x3FA1] =	sst s8  }
0x11: {  	[smem:$0x3FA2] =	sst s9;
	s0 =	simm.s32 @!p0 $0x0  }
0x12: {  	s1 =	sld [smem:$0x3F88];
	s0 =	simm.s32 @p0 $0x1  }
0x13: {  	[smem:$0x3FA3] =	sst s0;
	s0 =	simm.s32 @!p1 $0x0  }
0x14: {  	s2 =	sld [smem:$0x3F87];
	s0 =	simm.s32 @p1 $0x1  }
0x15: {  	[smem:$0x3FA4] =	sst s0;
	s0 =	simm.s32 @!p2 $0x0  }
0x16: {  	s3 =	sld [smem:$0x3FDB];
	s0 =	simm.s32 @p2 $0x1  }
0x17: {  	s4 =	simm.s32 $0x1BF5;
	[smem:$0x3FA6] =	sst s0  }
0x18: {  	s0 =	sld [smem:$0x3F89];
	_ =	swait.ge [sflag:s4], $0x0  }
0x19: {  	s7 =	sld [smem:$0x3F8A]  }
0x1a: {  	s8 =	sadd.s32 $0xFFFFE003, lr  }
0x1b: {  	s9 =	sadd.s32 $0xFFFFFEF7, lr;
	s5 =	simm.s32 $0xFFFFFFFF;
	p2 =	slt.u32 s8, $0xFFFFF086  }
0x1c: {  	p1 =	slt.u32 s9, $0xF7A;
	s5 =	simm.s32 @!p2 $0x0  }
0x1d: {  	s5 =	simm.s32 @p1 $0x1;
	p0 =	seq.s32 s7, s2  }
0x1e: {  	s7 =	smul.u32 @!p0 $0xF7A, s2;
	p2 =	seq.s32 @!p0 s5, $0x0  }
0x1f: {  	s9 =	smul.u32 $0xF7A, s1;
	s8 =	simm.s32 @!p0 $0x1BF5;
	p2 =	por !p2, p0  }
0x20: {  	[sflag:s8] =	ssyncset.s32 @!p0 $0xFFFFF086;
	s6 =	sadd.s32 @!p0 s3, s7;
	s7 =	simm.s32 @!p0 $0x108  }
0x21: {  	s3 =	sadd.s32 s3, s9;
	s6 =	sadd.s32 @!p0 $0x88, s6;
	s7 =	simm.s32 @p2 $0x1082  }
0x22: {  	[simem:s7], [sflag:s8] =	dma.local @!p0 [hbm:s6], $0xF7A  }
0x23: {  	s9 =	sor.u32 $0xD0000000, s2;
	s6 =	simm.s32 $0x108;
	_ =	swait.ge @!p0 [sflag:s8], $0x0  }
0x24: {  	s3 =	sadd.s32 $0x88, s3;
	s6 =	simm.s32 @!p1 $0x1082;
	[sflag:s4] =	ssyncset.s32 $0xFFFFF086  }
0x25: {  	[simem:s6], [sflag:s4] =	dma.local [hbm:s3], $0xF7A  }
0x26: {  	[smem:$0x3F8A] =	sst s1;
	(tag) =	ssettag s2;
	_ =	strace s9  }
0x27: {  	s1 =	sld [smem:$0x3F9A]  }
0x28: {  	s2 =	sld [smem:$0x3F9B]  }
0x29: {  	s4 =	sld [smem:$0x3F9D]  }
0x2a: {  	p0 =	seq.s32 s5, $0x0;
	s5 =	sld [smem:$0x3F9E]  }
0x2b: {  	s6 =	sld [smem:$0x3F9F]  }
0x2c: {  	s7 =	sld [smem:$0x3FA0]  }
0x2d: {  	s3 =	simm.s32 $0x108;
	s8 =	sld [smem:$0x3FA1]  }
0x2e: {  	s3 =	simm.s32 @!p0 $0x1082;
	s9 =	sld [smem:$0x3FA2]  }
0x2f: {  	lr =	sadd.s32 s0, s3;
	s0 =	sld [smem:$0x3F99]  }
0x30: {  	s3 =	sld [smem:$0x3F9C]  }
0x31: {  	[smem:$0x3FA5] =	sst s10  }
0x32: {  	s10 =	sld [smem:$0x3FA3];
	_ =	sdelay $0x3  }
0x33: {  	p0 =	seq.s32 s10, $0x1;
	s10 =	sld [smem:$0x3FA5];
	_ =	sdelay $0x3  }
0x34: {  	[smem:$0x3FA5] =	sst s10  }
0x35: {  	s10 =	sld [smem:$0x3FA4];
	_ =	sdelay $0x3  }
0x36: {  	p1 =	seq.s32 s10, $0x1;
	s10 =	sld [smem:$0x3FA5];
	_ =	sdelay $0x3  }
0x37: {  	[smem:$0x3FA5] =	sst s10  }
0x38: {  	s10 =	sld [smem:$0x3FA6]  }
0x39: {  	_ = 	snop;
	(pc) =	sbr.ind lr, $3  }
0x3a: {  	_ = 	snop  }
0x3b: {  	_ = 	snop  }
0x3c: {  	p2 =	seq.s32 s10, $0x1;
	s10 =	sld [smem:$0x3FA5]  }
0x3d: {  	_ =	shalt  }
0x3e: {  	_ =	shalt  }
0x3f: {  	_ =	shalt  }
0x40: {  	_ =	shalt  }
0x41: {  	_ =	shalt  }
0x42: {  	_ =	shalt  }
0x43: {  	_ =	shalt  }
0x44: {  	_ =	shalt  }
0x45: {  	_ =	shalt  }
0x46: {  	_ =	shalt  }
0x47: {  	_ =	shalt  }
0x48: {  	_ =	shalt  }
0x49: {  	_ =	shalt  }
0x4a: {  	_ =	shalt  }
0x4b: {  	_ =	shalt  }
0x4c: {  	_ =	shalt  }
0x4d: {  	_ =	shalt  }
0x4e: {  	_ =	shalt  }
0x4f: {  	_ =	shalt  }
0x50: {  	_ =	shalt  }
0x51: {  	_ =	shalt  }
0x52: {  	_ =	shalt  }
0x53: {  	_ =	shalt  }
0x54: {  	_ =	shalt  }
0x55: {  	_ =	shalt  }
0x56: {  	_ =	shalt  }
0x57: {  	_ =	shalt  }
0x58: {  	_ =	shalt  }
0x59: {  	_ =	shalt  }
0x5a: {  	_ =	shalt  }
0x5b: {  	_ =	shalt  }
0x5c: {  	_ =	shalt  }
0x5d: {  	_ =	shalt  }
0x5e: {  	_ =	shalt  }
0x5f: {  	_ =	shalt  }
0x60: {  	_ =	shalt  }
0x61: {  	_ =	shalt  }
0x62: {  	_ =	shalt  }
0x63: {  	_ =	shalt  }
0x64: {  	_ =	shalt  }
0x65: {  	_ =	shalt  }
0x66: {  	_ =	shalt  }
0x67: {  	_ =	shalt  }
0x68: {  	_ =	shalt  }
0x69: {  	_ =	shalt  }
0x6a: {  	_ =	shalt  }
0x6b: {  	_ =	shalt  }
0x6c: {  	_ =	shalt  }
0x6d: {  	_ =	shalt  }
0x6e: {  	_ =	shalt  }
0x6f: {  	_ =	shalt  }
0x70: {  	_ =	shalt  }
0x71: {  	_ =	shalt  }
0x72: {  	_ =	shalt  }
0x73: {  	_ =	shalt  }
0x74: {  	_ =	shalt  }
0x75: {  	_ =	shalt  }
0x76: {  	_ =	shalt  }
0x77: {  	_ =	shalt  }
0x78: {  	_ =	shalt  }
0x79: {  	_ =	shalt  }
0x7a: {  	_ =	shalt  }
0x7b: {  	_ =	shalt  }
0x7c: {  	_ =	shalt  }
0x7d: {  	_ =	shalt  }
0x7e: {  	_ =	shalt  }
0x7f: {  	_ =	shalt  }
0x80: {  	_ =	shalt  }
0x81: {  	_ =	shalt  }
0x82: {  	_ =	shalt  }
0x83: {  	_ =	shalt  }
0x84: {  	_ =	shalt  }
0x85: {  	_ =	shalt  }
0x86: {  	_ =	shalt  }
0x87: {  	_ =	shalt  }
.Lfunc_end0:
.L_simem_size_0:
called_computation.3_lowered:
.L_overlay_start_0:
0x88: {  	s2 =	sld [smem:$0x3FD9]  }
0x89: {  	s3 =	sld [smem:$0x3FFE];
	_ =	sdelay $0x1  }
0x8a: {  	s1 =	srdreg.scid  }
0x8b: {  	s0 =	sand.u32 $0x1, s1  }
0x8c: {  	s16 =	sshll.u32 s0, $0xA;
	s2 =	sadd.s32 s3, s2  }
0x8d: {  	s2 =	sadd.s32 s2, s16  }
0x8e: {  	[smem:$0x3FB1] =	sst s2  }
0x8f: {  	_ = 	snop  }
0x90: {  	(tm) =	ssettm $0x1  }
0x91: {  	s17 =	sld [smem:$0x3FFB];
	_ =	sdelay $0x3  }
0x92: {  	_ =	strace s17  }
0x93: {  	s2 =	sld [smem:$0x3FFC];
	_ =	sdelay $0x3  }
0x94: {  	_ =	strace s2  }
0x95: {  	s2 =	sld [smem:$0x3FFD];
	_ =	sdelay $0x3  }
0x96: {  	_ =	strace s2  }
0x97: {  	_ =	strace $0x8FFFFFFF  }
0x98: {  	s18 =	sld [smem:$0x3FDB];
	_ =	sdelay $0x1  }
0x99: {  	s19 =	simm.s32 $_scs_section_size  }
0x9a: {  	s4 =	simm.s32 $_size__tile_overlayer_lowered;
	s5 =	simm.s32 $_tile_overlayer_lowered  }
0x9b: {  	s22 =	simm.s32 $0x1BFF;
	s21 =	sshll.u32 s5, $0x1;
	s2 =	sadd.s32 s19, s18  }
0x9c: {  	s6 =	simm.s32 $0x0;
	s20 =	sshll.u32 s4, $0x1;
	s4 =	sadd.s32 s21, s2  }
0x9d: {  	[timem:s6], [sflag:s22] =	dma.local [hbm:s4], s20  }
0x9e: {  	_ =	swait.ge [sflag:s22], s20  }
0x9f: {  	s3 =	ssub.s32 $0x0, s20;
	[sflag:s22] =	ssyncset.done $0x0  }
0xa0: {  	[sflag:s22] =	ssyncadd.s32 s3;
	_ =	sdelay $0x1  }
0xa1: {  	s23 =	simm.s32 $0x1B8B  }
0xa2: {  	_ =	swait.ge [sflag:s23], $0x1  }
0xa3: {  	[sflag:s23] =	ssyncset.done $0x0  }
0xa4: {  	s25 =	simm.s32 $0x1B8E;
	s24 =	sld [smem:$0x3FFE];
	[sflag:s23] =	ssyncadd.s32 $0xFFFFFFFF  }
0xa5: {  	s26 =	simm.s32 $execute0_lowered;
	[smem:$0x3FD2] =	sst s25  }
0xa6: {  	s4 =	sshll.u32 s26, $0x1;
	_ =	strace $0x8000004F;
	[dreg:$0x1] =	wrdreg $0xFFFFFFFF  }
0xa7: {  	s28 =	simm.s32 $_size_execute0_lowered;
	s2 =	sadd.s32 s2, s4;
	[dreg:$0x0] =	wrdreg $0x0  }
0xa8: {  	s4 =	sshll.u32 s28, $0x1;
	[dreg:$0x2] =	wrdreg s2  }
0xa9: {  	[dreg:$0x3] =	wrdreg s4  }
0xaa: {  	[dreg:$0x4] =	wrdreg $0xC0  }
0xab: {  	_ =	task [dreg:s6], $0x5FFFF  }
0xac: {  	[dreg:$0x1] =	wrdreg $0xFFFFFFFF  }
0xad: {  	[dreg:$0x0] =	wrdreg $0x60  }
0xae: {  	[dreg:$0x2] =	wrdreg s24  }
0xaf: {  	[dreg:$0x3] =	wrdreg $0x0  }
0xb0: {  	[dreg:$0x4] =	wrdreg $0x9  }
0xb1: {  	_ =	task.clear_ibuf [dreg:s6], $0x5FFFF;
	_ =	strace $0x9000004F  }
0xb2: {  	s29 =	simm.s32 $0x9;
	_ =	strace $0x80000051  }
0xb3: {  	_ =	swait.ge [sflag:s29], $0x1  }
0xb4: {  	[sflag:s29] =	ssyncadd.s32 $0xFFFFFFFF  }
0xb5: {  	_ =	strace $0x90000051  }
0xb6: {  	_ =	sfence  }
0xb7: {  	s30 =	sld [smem:$0x0];
	_ =	sdelay $0x2  }
0xb8: {  	s31 =	sshll.u32 s1, $0xD;
	s1 =	sshrl.u32 s1, $0x2  }
0xb9: {  	s3 =	sand.u32 $0x4000, s31;
	s1 =	sadd.s32 s1, s30  }
0xba: {  	s0 =	sor.u32 s3, s0;
	s1 =	sshll.u32 s1, $0x11  }
0xbb: {  	s0 =	sor.u32 s1, s0  }
0xbc: {  	s0 =	sadd.s32 $0x8F2B, s0  }
0xbd: {  	[sflag:s0] =	ssyncadd.remote.s32 $0x1  }
0xbe: {  	_ =	sfence.sel $0xFFFF  }
0xbf: {  	[dreg:$0x0] =	wrdreg $0xFFFFFFFF;
	(pc) =	sbr.abs _section_cstart, $3  }
0xc0: {  	[dreg:$0x1] =	wrdreg $0xFFFFFFFF  }
0xc1: {  	_ =	task.clear_ibuf [dreg:s6], $0x2FFFF;
	_ =	strace $0x9FFFFFFF  }
0xc2: {  	(tm) =	ssettm $0x7FFFFFFF  }
0xc3: {  	_ =	shalt  }
tec
execute0_lowered:
.L_overlay_start_1:
0x0: {  	(tag) =	ssettag $0x1  }
0x1: {  	s0 =	rddreg [dreg:$0x0]  }
0x2: {  	s1 =	rddreg [dreg:$0x1];
	s2 =	simm.s32 $0x0  }
0x3: {  	s6 =	srdreg.scid;
	s20 =	stileid.u32;
	s31 =	simm.s32 $0x14000  }
0x4: {  	[smem:$0x7FF] =	sst s2;
	s3 =	sadd.s32 $0x28000, s0;
	s7 =	sadd.s32 $0x540400, s0  }
0x5: {  	s4 =	sadd.s32 $0x2CA200, s0;
	s5 =	sadd.s32 $0x23000, s0;
	s25 =	smul.u32 $0x50000, s20  }
0x6: {  	s8 =	sand.u32 $0x1, s6;
	s0 =	sadd.s32 $0x2CF200, s0;
	s26 =	smul.u32 $0x14000, s20  }
0x7: {  	s24 =	sshll.u32 s20, $0x1;
	s22 =	smul.u32 $0x2710, s20;
	_ =	strace $0x80000050  }
0x8: {  	s9 =	ssub.s32 $0x2, s8;
	s10 =	sor.u32 s8, s24;
	s13 =	smul.u32 $0x140000, s8  }
0x9: {  	s11 =	sshrl.u32 s9, $0x1;
	s12 =	smul.u32 $0x1388, s10;
	s6 =	sshrl.u32 s25, $0x2  }
0xa: {  	s10 =	smul.u32 $0x13880, s10;
	s17 =	sadd.s32 $0x8000, s26;
	s9 =	ssub.s32 s9, s11  }
0xb: {  	s6 =	sadd.s32 s6, s1;
	s15 =	sadd.s32 s13, s26;
	s18 =	sadd.s32 s13, s17  }
0xc: {  	s11 =	sadd.s32 $0x10000, s26;
	s12 =	sshrl.u32 s12, $0x3;
	s15 =	sshrl.u32 s15, $0x3  }
0xd: {  	s19 =	sshrl.u32 s18, $0x3;
	s23 =	sadd.s32 s3, s10;
	s10 =	sadd.s32 s7, s10  }
0xe: {  	s9 =	smax.u32 s9, $0x1;
	s28 =	sadd.s32 $0x8000, s6;
	s29 =	sadd.s32 $0xC000, s6  }
0xf: {  	s30 =	sadd.s32 $0x10000, s6;
	s14 =	sadd.s32 s4, s12;
	[dreg:$0x9] =	wrdreg s23  }
0x10: {  	s15 =	sadd.s32 s0, s15;
	s24 =	sadd.s32 s5, s12;
	[dreg:$0xb] =	wrdreg s10  }
0x11: {  	[dreg:$0xc] =	wrdreg s9;
	s9 =	simm.s32 $0x1;
	s10 =	simm.s32 $0x28  }
0x12: {  	s12 =	simm.s32 $0x2;
	[dreg:$0x3] =	wrdreg s14;
	s14 =	sadd.s32 $0x4000, s26  }
0x13: {  	[dreg:$0x4] =	wrdreg s15;
	s15 =	sadd.s32 s0, s19;
	s19 =	smul.u32 $0x1388, s8  }
0x14: {  	[dreg:$0xa] =	wrdreg s24;
	s8 =	smul.u32 $0x13880, s8;
	s16 =	sadd.s32 s13, s14  }
0x15: {  	[dreg:$0x6] =	wrdreg s15;
	s15 =	sadd.s32 $0xC000, s26;
	s26 =	smul.u32 $0x27100, s20  }
0x16: {  	s16 =	sshrl.u32 s16, $0x3;
	s21 =	sadd.s32 s13, s15;
	s13 =	sadd.s32 s13, s11  }
0x17: {  	s25 =	sadd.s32 s19, s22;
	s11 =	sadd.s32 s11, s1;
	s16 =	sadd.s32 s0, s16  }
0x18: {  	s13 =	sshrl.u32 s13, $0x3;
	s3 =	sadd.s32 s26, s3;
	s20 =	sadd.s32 s26, s7  }
0x19: {  	s18 =	sadd.s32 $0x50, s25;
	s26 =	sshrl.u32 s11, $0x3;
	s7 =	simm.s32 $0x15480  }
0x1a: {  	s11 =	simm.s32 $0x4;
	[dreg:$0x5] =	wrdreg s16;
	s16 =	sshrl.u32 s21, $0x3  }
0x1b: {  	s3 =	sadd.s32 s8, s3;
	s21 =	sadd.s32 $0x28, s25;
	[dreg:$0x10] =	wrdreg s26  }
0x1c: {  	s26 =	sadd.s32 $0x4000, s6;
	s16 =	sadd.s32 s0, s16;
	s0 =	sadd.s32 s0, s13  }
0x1d: {  	s13 =	sadd.s32 s14, s1;
	s14 =	sadd.s32 s17, s1;
	s17 =	sadd.s32 $0x500, s3  }
0x1e: {  	s22 =	sshrl.u32 s21, $0x3;
	s3 =	sadd.s32 s8, s20;
	[dreg:$0x7] =	wrdreg s16  }
0x1f: {  	s8 =	simm.s32 $0x15500;
	[dreg:$0x8] =	wrdreg s0;
	s16 =	sadd.s32 s15, s1  }
0x20: {  	s19 =	sadd.s32 s22, s4;
	s20 =	sadd.s32 $0x500, s3;
	s23 =	sshrl.u32 s13, $0x3  }
0x21: {  	s21 =	sadd.s32 s22, s5;
	s24 =	sshrl.u32 s14, $0x3;
	[dreg:$0xd] =	wrdreg s23  }
0x22: {  	s0 =	simm.s32 $0x3;
	[dreg:$0xe] =	wrdreg s24;
	s25 =	sshrl.u32 s16, $0x3  }
0x23: {  	v0 =	vimm.f32 $0.0e+00;
	s3 =	simm.s32 $0x14080;
	s13 =	simm.s32 $0x0;
	[dreg:$0xf] =	wrdreg s25  }
.LBB2_1:
0x24: {  	s14 =	simm.s32 $0x0;
	s15 =	simm.s32 $0x200  }
.LBB2_2:
0x25: {  	p0 =	sne.s32 s15, $0xFE00;
	[tilespmem:s14+$0x14070] =	vst v0  }
0x26: {  	[tilespmem:s14+$0x14000] =	vst v0  }
0x27: {  	[tilespmem:s14+$0x14010] =	vst v0  }
.Ltmp0:
0x28: {  	[tilespmem:s14+$0x14020] =	vst v0;
	(pc) =	sbr.rel @p0 .LBB2_2-.Ltmp0, $4  }
0x29: {  	[tilespmem:s14+$0x14030] =	vst v0  }
0x2a: {  	[tilespmem:s14+$0x14040] =	vst v0  }
0x2b: {  	[tilespmem:s14+$0x14050] =	vst v0  }
0x2c: {  	[tilespmem:s14+$0x14060] =	vst v0;
	s14 =	sshra.s32 s15, $0x2;
	s15 =	sadd.s32 $0x200, s15  }
0x2d: {  	[tilespmem:s14+$0x14070] =	vst v0  }
0x2e: {  	[tilespmem:s14+$0x14000] =	vst v0  }
0x2f: {  	[tilespmem:s14+$0x14010] =	vst v0  }
0x30: {  	[tilespmem:s14+$0x14020] =	vst v0  }
0x31: {  	[tilespmem:s14+$0x14030] =	vst v0  }
0x32: {  	[tilespmem:s14+$0x14040] =	vst v0  }
0x33: {  	[tilespmem:s14+$0x14050] =	vst v0  }
0x34: {  	[tilespmem:s14+$0x14060] =	vst v0  }
0x35: {  	[spmem:s6] =	stream.linear.scatter [tilespmem:s31], [sflag:$0x3], $0x4000, $0x38;
	[tilespmem:$0x18000] =	vst v63  }
0x36: {  	_ =	swait.ge [sflag:s0], $0x4000  }
0x37: {  	[sflag:s0] =	ssyncset.done $0x0  }
0x38: {  	[sflag:s0] =	ssyncadd.s32 $0xFFFFC000  }
0x39: {  	[spmem:s26] =	stream.linear.scatter [tilespmem:s31], [sflag:$0x3], $0x4000, $0x38;
	[tilespmem:$0x18000] =	vst v63  }
0x3a: {  	_ =	swait.ge [sflag:s0], $0x4000  }
0x3b: {  	[sflag:s0] =	ssyncset.done $0x0  }
0x3c: {  	[sflag:s0] =	ssyncadd.s32 $0xFFFFC000  }
0x3d: {  	[spmem:s28] =	stream.linear.scatter [tilespmem:s31], [sflag:$0x3], $0x4000, $0x38;
	[tilespmem:$0x18000] =	vst v63  }
0x3e: {  	_ =	swait.ge [sflag:s0], $0x4000  }
0x3f: {  	[sflag:s0] =	ssyncset.done $0x0  }
0x40: {  	[sflag:s0] =	ssyncadd.s32 $0xFFFFC000  }
0x41: {  	[spmem:s29] =	stream.linear.scatter [tilespmem:s31], [sflag:$0x3], $0x4000, $0x38;
	[tilespmem:$0x18000] =	vst v63  }
0x42: {  	_ =	swait.ge [sflag:s0], $0x4000  }
0x43: {  	[sflag:s0] =	ssyncset.done $0x0  }
0x44: {  	[sflag:s0] =	ssyncadd.s32 $0xFFFFC000  }
0x45: {  	[spmem:s30] =	stream.linear.scatter [tilespmem:s31], [sflag:$0x3], $0x4000, $0x38;
	[tilespmem:$0x18000] =	vst v63  }
0x46: {  	_ =	swait.ge [sflag:s0], $0x4000  }
0x47: {  	[sflag:s0] =	ssyncset.done $0x0  }
0x48: {  	[sflag:s0] =	ssyncadd.s32 $0xFFFFC000  }
0x49: {  	[bflag:$0x0] =	sbarrier.arrive $0xFFFF  }
0x4a: {  	s16 =	simm.s32 $0x0;
	s15 =	rddreg [dreg:$0x3]  }
0x4b: {  	[tilespmem:s31], [sflag:$0x1] =	stream.linear.gather [hbm4b:s15+s16], $0x28, $0x38;
	[tilespmem:$0x18000] =	vst v63  }
0x4c: {  	s22 =	rddreg [dreg:$0x9]  }
0x4d: {  	[tilespmem:s3], [sflag:$0x1] =	stream.linear.gather [hbm4b:s22+s16], $0x1400, $0x38;
	[tilespmem:$0x18000] =	vst v63  }
0x4e: {  	s23 =	sadd.s32 $0x0, s19  }
0x4f: {  	[tilespmem:s7], [sflag:$0x2] =	stream.linear.gather [hbm4b:s23+s2], $0x28, $0x38;
	[tilespmem:$0x18000] =	vst v63  }
0x50: {  	s24 =	sadd.s32 $0xFFFFFD80, s17  }
0x51: {  	[tilespmem:s8], [sflag:$0x2] =	stream.linear.gather [hbm4b:s24+s2], $0x1400, $0x38;
	[tilespmem:$0x18000] =	vst v63  }
0x52: {  	_ =	swait.ge [sflag:s9], $0x28  }
0x53: {  	[sflag:s9] =	ssyncset.done $0x0  }
0x54: {  	[sflag:s9] =	ssyncadd.s32 $0xFFFFFFD8  }
0x55: {  	_ =	swait.ge [sflag:s9], $0x1400  }
0x56: {  	[sflag:s9] =	ssyncset.done $0x0  }
0x57: {  	[sflag:s9] =	ssyncadd.s32 $0xFFFFEC00  }
0x58: {  	[spmem:s1] =	stream.indirect.scatter.add.f32 [tilespmem:s3], [sflag:$0x4], $0x80, s31, s10, $0xb8;
	[tilespmem:$0x18000] =	vst v63  }
0x59: {  	_ =	swait.ge [sflag:s11], $0x1400  }
0x5a: {  	s14 =	sshrl.u32 s18, $0x3;
	[sflag:s11] =	ssyncset.done $0x0  }
0x5b: {  	s25 =	sadd.s32 s4, s14;
	[sflag:s11] =	ssyncadd.s32 $0xFFFFEC00  }
0x5c: {  	[tilespmem:s31], [sflag:$0x1] =	stream.linear.gather [hbm4b:s25+s2], $0x28, $0x38;
	[tilespmem:$0x18000] =	vst v63  }
0x5d: {  	_ = 	snop  }
0x5e: {  	[tilespmem:s3], [sflag:$0x1] =	stream.linear.gather [hbm4b:s17+s2], $0x1400, $0x38;
	[tilespmem:$0x18000] =	vst v63  }
0x5f: {  	_ =	swait.ge [sflag:s12], $0x28  }
0x60: {  	[sflag:s12] =	ssyncset.done $0x0  }
0x61: {  	[sflag:s12] =	ssyncadd.s32 $0xFFFFFFD8  }
0x62: {  	_ =	swait.ge [sflag:s12], $0x1400  }
0x63: {  	[sflag:s12] =	ssyncset.done $0x0  }
0x64: {  	[sflag:s12] =	ssyncadd.s32 $0xFFFFEC00  }
0x65: {  	[spmem:s1] =	stream.indirect.scatter.add.f32 [tilespmem:s8], [sflag:$0x3], $0x80, s7, s10, $0xb8;
	[tilespmem:$0x18000] =	vst v63  }
0x66: {  	s15 =	sadd.s32 $0x500, s17;
	s22 =	simm.s32 $0xA;
	_ =	swait.ge [sflag:s0], $0x1400  }
0x67: {  	s16 =	sadd.s32 $0x50, s18;
	s23 =	simm.s32 $0x14;
	[sflag:s0] =	ssyncset.done $0x0  }
.LBB2_4:
0x68: {  	s24 =	sadd.s32 s22, s19  }
0x69: {  	[sflag:s0] =	ssyncadd.s32 $0xFFFFEC00;
	s22 =	smov.u32 s23;
	s25 =	sadd.s32 $0xA, s23  }
0x6a: {  	[tilespmem:s7], [sflag:$0x2] =	stream.linear.gather [hbm4b:s24+s2], $0x28, $0x38;
	[tilespmem:$0x18000] =	vst v63  }
0x6b: {  	p0 =	sne.s32 s23, $0x262;
	s23 =	sadd.s32 $0xFFFFFD80, s15  }
0x6c: {  	[tilespmem:s8], [sflag:$0x2] =	stream.linear.gather [hbm4b:s23+s2], $0x1400, $0x38;
	[tilespmem:$0x18000] =	vst v63  }
0x6d: {  	_ =	swait.ge [sflag:s9], $0x28  }
0x6e: {  	[sflag:s9] =	ssyncset.done $0x0  }
0x6f: {  	[sflag:s9] =	ssyncadd.s32 $0xFFFFFFD8  }
0x70: {  	_ =	swait.ge [sflag:s9], $0x1400  }
0x71: {  	[sflag:s9] =	ssyncset.done $0x0  }
0x72: {  	[sflag:s9] =	ssyncadd.s32 $0xFFFFEC00  }
0x73: {  	[spmem:s1] =	stream.indirect.scatter.add.f32 [tilespmem:s3], [sflag:$0x4], $0x80, s31, s10, $0xb8;
	[tilespmem:$0x18000] =	vst v63  }
0x74: {  	_ =	swait.ge [sflag:s11], $0x1400  }
0x75: {  	s23 =	sshrl.u32 s16, $0x3;
	[sflag:s11] =	ssyncset.done $0x0  }
0x76: {  	s23 =	sadd.s32 s4, s23;
	[sflag:s11] =	ssyncadd.s32 $0xFFFFEC00  }
0x77: {  	[tilespmem:s31], [sflag:$0x1] =	stream.linear.gather [hbm4b:s23+s2], $0x28, $0x38;
	[tilespmem:$0x18000] =	vst v63  }
0x78: {  	_ = 	snop  }
0x79: {  	[tilespmem:s3], [sflag:$0x1] =	stream.linear.gather [hbm4b:s15+s2], $0x1400, $0x38;
	[tilespmem:$0x18000] =	vst v63  }
0x7a: {  	_ =	swait.ge [sflag:s12], $0x28  }
0x7b: {  	[sflag:s12] =	ssyncset.done $0x0  }
0x7c: {  	[sflag:s12] =	ssyncadd.s32 $0xFFFFFFD8  }
0x7d: {  	_ =	swait.ge [sflag:s12], $0x1400  }
.Ltmp1:
0x7e: {  	[sflag:s12] =	ssyncset.done $0x0;
	(pc) =	sbr.rel @p0 .LBB2_4-.Ltmp1, $4  }
0x7f: {  	[sflag:s12] =	ssyncadd.s32 $0xFFFFEC00  }
0x80: {  	[spmem:s1] =	stream.indirect.scatter.add.f32 [tilespmem:s8], [sflag:$0x3], $0x80, s7, s10, $0xb8;
	[tilespmem:$0x18000] =	vst v63  }
0x81: {  	s16 =	sadd.s32 $0x50, s16;
	_ =	swait.ge [sflag:s0], $0x1400  }
0x82: {  	s23 =	smov.u32 s25;
	s15 =	sadd.s32 $0x500, s15;
	[sflag:s0] =	ssyncset.done $0x0  }
0x83: {  	s22 =	sadd.s32 s22, s19;
	[sflag:s0] =	ssyncadd.s32 $0xFFFFEC00  }
0x84: {  	[tilespmem:s7], [sflag:$0x2] =	stream.linear.gather [hbm4b:s22+s2], $0x28, $0x38;
	[tilespmem:$0x18000] =	vst v63  }
0x85: {  	s24 =	sadd.s32 $0xFFFFFD80, s15  }
0x86: {  	[tilespmem:s8], [sflag:$0x2] =	stream.linear.gather [hbm4b:s24+s2], $0x1400, $0x38;
	[tilespmem:$0x18000] =	vst v63  }
0x87: {  	_ =	swait.ge [sflag:s9], $0x28  }
0x88: {  	[sflag:s9] =	ssyncset.done $0x0  }
0x89: {  	[sflag:s9] =	ssyncadd.s32 $0xFFFFFFD8  }
0x8a: {  	_ =	swait.ge [sflag:s9], $0x1400  }
0x8b: {  	[sflag:s9] =	ssyncset.done $0x0  }
0x8c: {  	[sflag:s9] =	ssyncadd.s32 $0xFFFFEC00  }
0x8d: {  	[spmem:s1] =	stream.indirect.scatter.add.f32 [tilespmem:s3], [sflag:$0x4], $0x80, s31, s10, $0xb8;
	[tilespmem:$0x18000] =	vst v63  }
0x8e: {  	_ =	swait.ge [sflag:s11], $0x1400  }
0x8f: {  	s16 =	sshrl.u32 s16, $0x3;
	[sflag:s11] =	ssyncset.done $0x0  }
0x90: {  	s16 =	sadd.s32 s4, s16;
	[sflag:s11] =	ssyncadd.s32 $0xFFFFEC00  }
0x91: {  	[tilespmem:s31], [sflag:$0x1] =	stream.linear.gather [hbm4b:s16+s2], $0x28, $0x38;
	[tilespmem:$0x18000] =	vst v63  }
0x92: {  	_ = 	snop  }
0x93: {  	[tilespmem:s3], [sflag:$0x1] =	stream.linear.gather [hbm4b:s15+s2], $0x1400, $0x38;
	[tilespmem:$0x18000] =	vst v63  }
0x94: {  	_ =	swait.ge [sflag:s12], $0x28  }
0x95: {  	[sflag:s12] =	ssyncset.done $0x0  }
0x96: {  	[sflag:s12] =	ssyncadd.s32 $0xFFFFFFD8  }
0x97: {  	_ =	swait.ge [sflag:s12], $0x1400  }
0x98: {  	[sflag:s12] =	ssyncset.done $0x0  }
0x99: {  	[sflag:s12] =	ssyncadd.s32 $0xFFFFEC00  }
0x9a: {  	[spmem:s1] =	stream.indirect.scatter.add.f32 [tilespmem:s8], [sflag:$0x3], $0x80, s7, s10, $0xb8;
	[tilespmem:$0x18000] =	vst v63  }
0x9b: {  	_ =	swait.ge [sflag:s0], $0x1400  }
0x9c: {  	[sflag:s0] =	ssyncset.done $0x0  }
0x9d: {  	[sflag:s0] =	ssyncadd.s32 $0xFFFFEC00  }
0x9e: {  	_ =	swait.ge [sflag:s9], $0x28  }
0x9f: {  	[sflag:s9] =	ssyncset.done $0x0  }
0xa0: {  	[sflag:s9] =	ssyncadd.s32 $0xFFFFFFD8  }
0xa1: {  	_ =	swait.ge [sflag:s9], $0x1400  }
0xa2: {  	[sflag:s9] =	ssyncset.done $0x0  }
0xa3: {  	[sflag:s9] =	ssyncadd.s32 $0xFFFFEC00  }
0xa4: {  	[spmem:s1] =	stream.indirect.scatter.add.f32 [tilespmem:s3], [sflag:$0x4], $0x80, s31, s10, $0xb8;
	[tilespmem:$0x18000] =	vst v63  }
0xa5: {  	_ =	swait.ge [sflag:s11], $0x1400  }
0xa6: {  	[sflag:s11] =	ssyncset.done $0x0  }
0xa7: {  	s25 =	simm.s32 $0x0;
	s22 =	rddreg [dreg:$0xa];
	[sflag:s11] =	ssyncadd.s32 $0xFFFFEC00  }
0xa8: {  	[tilespmem:s31], [sflag:$0x1] =	stream.linear.gather [hbm4b:s22+s25], $0x28, $0x38;
	[tilespmem:$0x18000] =	vst v63  }
0xa9: {  	s23 =	rddreg [dreg:$0xb]  }
0xaa: {  	[tilespmem:s3], [sflag:$0x1] =	stream.linear.gather [hbm4b:s23+s25], $0x1400, $0x38;
	[tilespmem:$0x18000] =	vst v63  }
0xab: {  	s24 =	sadd.s32 $0x0, s21  }
0xac: {  	[tilespmem:s7], [sflag:$0x2] =	stream.linear.gather [hbm4b:s24+s2], $0x28, $0x38;
	[tilespmem:$0x18000] =	vst v63  }
0xad: {  	s25 =	sadd.s32 $0xFFFFFD80, s20  }
0xae: {  	[tilespmem:s8], [sflag:$0x2] =	stream.linear.gather [hbm4b:s25+s2], $0x1400, $0x38;
	[tilespmem:$0x18000] =	vst v63  }
0xaf: {  	_ =	swait.ge [sflag:s9], $0x28  }
0xb0: {  	[sflag:s9] =	ssyncset.done $0x0  }
0xb1: {  	[sflag:s9] =	ssyncadd.s32 $0xFFFFFFD8  }
0xb2: {  	_ =	swait.ge [sflag:s9], $0x1400  }
0xb3: {  	[sflag:s9] =	ssyncset.done $0x0  }
0xb4: {  	[sflag:s9] =	ssyncadd.s32 $0xFFFFEC00  }
0xb5: {  	[spmem:s1] =	stream.indirect.scatter.add.f32 [tilespmem:s3], [sflag:$0x4], $0x80, s31, s10, $0xb8;
	[tilespmem:$0x18000] =	vst v63  }
0xb6: {  	_ =	swait.ge [sflag:s11], $0x1400  }
0xb7: {  	[sflag:s11] =	ssyncset.done $0x0  }
0xb8: {  	s14 =	sadd.s32 s5, s14;
	[sflag:s11] =	ssyncadd.s32 $0xFFFFEC00  }
0xb9: {  	[tilespmem:s31], [sflag:$0x1] =	stream.linear.gather [hbm4b:s14+s2], $0x28, $0x38;
	[tilespmem:$0x18000] =	vst v63  }
0xba: {  	_ = 	snop  }
0xbb: {  	[tilespmem:s3], [sflag:$0x1] =	stream.linear.gather [hbm4b:s20+s2], $0x1400, $0x38;
	[tilespmem:$0x18000] =	vst v63  }
0xbc: {  	_ =	swait.ge [sflag:s12], $0x28  }
0xbd: {  	[sflag:s12] =	ssyncset.done $0x0  }
0xbe: {  	[sflag:s12] =	ssyncadd.s32 $0xFFFFFFD8  }
0xbf: {  	_ =	swait.ge [sflag:s12], $0x1400  }
0xc0: {  	[sflag:s12] =	ssyncset.done $0x0  }
0xc1: {  	[sflag:s12] =	ssyncadd.s32 $0xFFFFEC00  }
0xc2: {  	[spmem:s1] =	stream.indirect.scatter.add.f32 [tilespmem:s8], [sflag:$0x3], $0x80, s7, s10, $0xb8;
	[tilespmem:$0x18000] =	vst v63  }
0xc3: {  	s16 =	simm.s32 $0xA;
	s15 =	sadd.s32 $0x50, s18;
	_ =	swait.ge [sflag:s0], $0x1400  }
0xc4: {  	s22 =	simm.s32 $0x14;
	s14 =	sadd.s32 $0x500, s20;
	[sflag:s0] =	ssyncset.done $0x0  }
.LBB2_6:
0xc5: {  	s23 =	sadd.s32 s16, s21  }
0xc6: {  	[sflag:s0] =	ssyncadd.s32 $0xFFFFEC00;
	s16 =	smov.u32 s22;
	s24 =	sadd.s32 $0xA, s22  }
0xc7: {  	[tilespmem:s7], [sflag:$0x2] =	stream.linear.gather [hbm4b:s23+s2], $0x28, $0x38;
	[tilespmem:$0x18000] =	vst v63  }
0xc8: {  	p0 =	sne.s32 s22, $0x262;
	s22 =	sadd.s32 $0xFFFFFD80, s14  }
0xc9: {  	[tilespmem:s8], [sflag:$0x2] =	stream.linear.gather [hbm4b:s22+s2], $0x1400, $0x38;
	[tilespmem:$0x18000] =	vst v63  }
0xca: {  	_ =	swait.ge [sflag:s9], $0x28  }
0xcb: {  	[sflag:s9] =	ssyncset.done $0x0  }
0xcc: {  	[sflag:s9] =	ssyncadd.s32 $0xFFFFFFD8  }
0xcd: {  	_ =	swait.ge [sflag:s9], $0x1400  }
0xce: {  	[sflag:s9] =	ssyncset.done $0x0  }
0xcf: {  	[sflag:s9] =	ssyncadd.s32 $0xFFFFEC00  }
0xd0: {  	[spmem:s1] =	stream.indirect.scatter.add.f32 [tilespmem:s3], [sflag:$0x4], $0x80, s31, s10, $0xb8;
	[tilespmem:$0x18000] =	vst v63  }
0xd1: {  	_ =	swait.ge [sflag:s11], $0x1400  }
0xd2: {  	s22 =	sshrl.u32 s15, $0x3;
	[sflag:s11] =	ssyncset.done $0x0  }
0xd3: {  	s22 =	sadd.s32 s5, s22;
	[sflag:s11] =	ssyncadd.s32 $0xFFFFEC00  }
0xd4: {  	[tilespmem:s31], [sflag:$0x1] =	stream.linear.gather [hbm4b:s22+s2], $0x28, $0x38;
	[tilespmem:$0x18000] =	vst v63  }
0xd5: {  	_ = 	snop  }
0xd6: {  	[tilespmem:s3], [sflag:$0x1] =	stream.linear.gather [hbm4b:s14+s2], $0x1400, $0x38;
	[tilespmem:$0x18000] =	vst v63  }
0xd7: {  	_ =	swait.ge [sflag:s12], $0x28  }
0xd8: {  	[sflag:s12] =	ssyncset.done $0x0  }
0xd9: {  	[sflag:s12] =	ssyncadd.s32 $0xFFFFFFD8  }
0xda: {  	_ =	swait.ge [sflag:s12], $0x1400  }
.Ltmp2:
0xdb: {  	[sflag:s12] =	ssyncset.done $0x0;
	(pc) =	sbr.rel @p0 .LBB2_6-.Ltmp2, $4  }
0xdc: {  	[sflag:s12] =	ssyncadd.s32 $0xFFFFEC00  }
0xdd: {  	[spmem:s1] =	stream.indirect.scatter.add.f32 [tilespmem:s8], [sflag:$0x3], $0x80, s7, s10, $0xb8;
	[tilespmem:$0x18000] =	vst v63  }
0xde: {  	s15 =	sadd.s32 $0x50, s15;
	_ =	swait.ge [sflag:s0], $0x1400  }
0xdf: {  	s22 =	smov.u32 s24;
	s14 =	sadd.s32 $0x500, s14;
	[sflag:s0] =	ssyncset.done $0x0  }
0xe0: {  	s16 =	sadd.s32 s16, s21;
	[sflag:s0] =	ssyncadd.s32 $0xFFFFEC00  }
0xe1: {  	[tilespmem:s7], [sflag:$0x2] =	stream.linear.gather [hbm4b:s16+s2], $0x28, $0x38;
	[tilespmem:$0x18000] =	vst v63  }
0xe2: {  	s22 =	sadd.s32 $0xFFFFFD80, s14  }
0xe3: {  	[tilespmem:s8], [sflag:$0x2] =	stream.linear.gather [hbm4b:s22+s2], $0x1400, $0x38;
	[tilespmem:$0x18000] =	vst v63  }
0xe4: {  	_ =	swait.ge [sflag:s9], $0x28  }
0xe5: {  	[sflag:s9] =	ssyncset.done $0x0  }
0xe6: {  	[sflag:s9] =	ssyncadd.s32 $0xFFFFFFD8  }
0xe7: {  	_ =	swait.ge [sflag:s9], $0x1400  }
0xe8: {  	[sflag:s9] =	ssyncset.done $0x0  }
0xe9: {  	[sflag:s9] =	ssyncadd.s32 $0xFFFFEC00  }
0xea: {  	[spmem:s1] =	stream.indirect.scatter.add.f32 [tilespmem:s3], [sflag:$0x4], $0x80, s31, s10, $0xb8;
	[tilespmem:$0x18000] =	vst v63  }
0xeb: {  	_ =	swait.ge [sflag:s11], $0x1400  }
0xec: {  	s15 =	sshrl.u32 s15, $0x3;
	[sflag:s11] =	ssyncset.done $0x0  }
0xed: {  	s15 =	sadd.s32 s5, s15;
	[sflag:s11] =	ssyncadd.s32 $0xFFFFEC00  }
0xee: {  	[tilespmem:s31], [sflag:$0x1] =	stream.linear.gather [hbm4b:s15+s2], $0x28, $0x38;
	[tilespmem:$0x18000] =	vst v63  }
0xef: {  	_ = 	snop  }
0xf0: {  	[tilespmem:s3], [sflag:$0x1] =	stream.linear.gather [hbm4b:s14+s2], $0x1400, $0x38;
	[tilespmem:$0x18000] =	vst v63  }
0xf1: {  	_ =	swait.ge [sflag:s12], $0x28  }
0xf2: {  	[sflag:s12] =	ssyncset.done $0x0  }
0xf3: {  	[sflag:s12] =	ssyncadd.s32 $0xFFFFFFD8  }
0xf4: {  	_ =	swait.ge [sflag:s12], $0x1400  }
0xf5: {  	[sflag:s12] =	ssyncset.done $0x0  }
0xf6: {  	[sflag:s12] =	ssyncadd.s32 $0xFFFFEC00  }
0xf7: {  	[spmem:s1] =	stream.indirect.scatter.add.f32 [tilespmem:s8], [sflag:$0x3], $0x80, s7, s10, $0xb8;
	[tilespmem:$0x18000] =	vst v63  }
0xf8: {  	_ =	swait.ge [sflag:s0], $0x1400  }
0xf9: {  	[sflag:s0] =	ssyncset.done $0x0  }
0xfa: {  	[sflag:s0] =	ssyncadd.s32 $0xFFFFEC00  }
0xfb: {  	_ =	swait.ge [sflag:s9], $0x28  }
0xfc: {  	[sflag:s9] =	ssyncset.done $0x0  }
0xfd: {  	[sflag:s9] =	ssyncadd.s32 $0xFFFFFFD8  }
0xfe: {  	_ =	swait.ge [sflag:s9], $0x1400  }
0xff: {  	[sflag:s9] =	ssyncset.done $0x0  }
0x100: {  	[sflag:s9] =	ssyncadd.s32 $0xFFFFEC00  }
0x101: {  	[spmem:s1] =	stream.indirect.scatter.add.f32 [tilespmem:s3], [sflag:$0x4], $0x80, s31, s10, $0xb8;
	[tilespmem:$0x18000] =	vst v63  }
0x102: {  	_ =	swait.ge [sflag:s11], $0x1400  }
0x103: {  	[sflag:s11] =	ssyncset.done $0x0  }
0x104: {  	s23 =	stileid.u32;
	[sflag:s11] =	ssyncadd.s32 $0xFFFFEC00  }
0x105: {  	s14 =	sshll.u32 s23, $0x6;
	[bflag:$0x0] =	sbarrier.arrive $0xFFFF  }
0x106: {  	s24 =	sshrl.u32 s6, $0x3;
	s14 =	sor.u32 $0x1C03, s14;
	s25 =	rddreg [dreg:$0x4]  }
0x107: {  	[hbm:s25], [sflag:s14] =	dma.local [spmem:s24], $0x800  }
0x108: {  	_ =	swait.ge [sflag:s0], $0x800  }
0x109: {  	[sflag:s0] =	ssyncset.done $0x0;
	s22 =	rddreg [dreg:$0x5]  }
0x10a: {  	s23 =	rddreg [dreg:$0xd];
	[sflag:s0] =	ssyncadd.s32 $0xFFFFF800  }
0x10b: {  	[hbm:s22], [sflag:s14] =	dma.local [spmem:s23], $0x800  }
0x10c: {  	_ =	swait.ge [sflag:s0], $0x800  }
0x10d: {  	[sflag:s0] =	ssyncset.done $0x0;
	s24 =	rddreg [dreg:$0x6]  }
0x10e: {  	s25 =	rddreg [dreg:$0xe];
	[sflag:s0] =	ssyncadd.s32 $0xFFFFF800  }
0x10f: {  	[hbm:s24], [sflag:s14] =	dma.local [spmem:s25], $0x800  }
0x110: {  	_ =	swait.ge [sflag:s0], $0x800  }
0x111: {  	[sflag:s0] =	ssyncset.done $0x0;
	s16 =	rddreg [dreg:$0x7]  }
0x112: {  	s22 =	rddreg [dreg:$0xf];
	[sflag:s0] =	ssyncadd.s32 $0xFFFFF800  }
0x113: {  	[hbm:s16], [sflag:s14] =	dma.local [spmem:s22], $0x800  }
0x114: {  	_ =	swait.ge [sflag:s0], $0x800  }
0x115: {  	[sflag:s0] =	ssyncset.done $0x0;
	s23 =	rddreg [dreg:$0x8]  }
0x116: {  	s24 =	rddreg [dreg:$0x10];
	[sflag:s0] =	ssyncadd.s32 $0xFFFFF800  }
0x117: {  	[hbm:s23], [sflag:s14] =	dma.local [spmem:s24], $0x800  }
0x118: {  	_ =	swait.ge [sflag:s0], $0x800  }
0x119: {  	s13 =	sadd.s32 $0x1, s13;
	s25 =	rddreg [dreg:$0xc]  }
0x11a: {  	p0 =	sne.s32 s13, s25  }
.Ltmp3:
0x11b: {  	_ = 	snop;
	(pc) =	sbr.rel @p0 .LBB2_1-.Ltmp3, $3  }
0x11c: {  	_ =	sdelay $0x1  }
0x11d: {  	[sflag:s0] =	ssyncset.done $0x0  }
0x11e: {  	[sflag:s0] =	ssyncadd.s32 $0xFFFFF800  }
0x11f: {  	_ =	sfence.sel $0x180000  }
0x120: {  	[bflag:$0x0] =	sbarrier.arrive $0xFFFF  }
0x121: {  	_ =	strace $0x90000050  }
0x122: {  	s0 =	stileid.u32;
	[bflag:$0x2] =	sbarrier.arrive $0xFFFF  }
0x123: {  	p0 =	sne.s32 s0, $0x0;
	s0 =	rddreg [dreg:$0x2]  }
0x124: {  	s0 =	sadd.s32 @!p0 $0x100000, s0  }
0x125: {  	[sflag:s0] =	ssyncadd.tile.s32 @!p0 $0x1;
	_ =	shalt  }
.Lfunc_end2:
_tile_overlayer_lowered:
.L_overlay_start_2:
0x126: {  	(tag) =	ssettag $0x2  }
0x127: {  	s0 =	rddreg [dreg:$0x0];
	s2 =	stileid.u32  }
0x128: {  	s1 =	rddreg [dreg:$0x1];
	p0 =	sne.s32 s2, $0x0  }
0x129: {  	s3 =	rddreg [dreg:$0x2];
	[bflag:$0x3] =	sbarrier.arrive $0xFFFF;
	s2 =	simm.s32 @!p0 $0x1C03  }
0x12a: {  	[timem:s3], [sflag:s2] =	dma.local @!p0 [hbm:s0], s1  }
0x12b: {  	s0 =	simm.s32 @!p0 $0x3  }
0x12c: {  	_ =	swait.ge @!p0 [sflag:s0], s1  }
0x12d: {  	s1 =	ssub.s32 @!p0 $0x0, s1;
	[sflag:s0] =	ssyncset.done @!p0 $0x0  }
0x12e: {  	[sflag:s0] =	ssyncadd.s32 @!p0 s1  }
0x12f: {  	[bflag:$0x3] =	sbarrier.arrive $0xFFFF  }
0x130: {  	_ =	shalt  }

</sc_bundles>
